<compile_context>
chip_gen: v7x
topology: tpu7x:2x2x1
jax: 0.10.2.dev20260603
libtpu: 0.0.44.dev20260713+nightly
codegen_flags: <defaults>
</compile_context>

<pallas_src>
import functools

import jax
import jax.numpy as jnp
from jax import lax
from jax.experimental import pallas as pl
from jax.experimental.pallas import tpu as pltpu
from jax.experimental.pallas import tpu_sc as plsc

NC = 2
NS = 16
LANES = 16
CHUNK = 128
DH2 = 128
BLK = 1024


def _mesh():
    return plsc.VectorSubcoreMesh(core_axis_name="c", subcore_axis_name="s",
                                  num_cores=NC, num_subcores=NS)


def _fill2d(ref, nrows, ncols, value):
    v = jnp.full((LANES,), value, jnp.float32)

    def body(j, carry):
        for k in range(ncols // LANES):
            ref[j, pl.ds(k * LANES, LANES)] = v
        return carry

    lax.fori_loop(0, nrows, body, 0)


def _zero_acc(acc, zbuf, zbuf_rows, s, zrows):
    full, rem = divmod(zrows, zbuf_rows)
    base = s * zrows
    for k in range(full):
        pltpu.sync_copy(zbuf, acc.at[pl.ds(base + k * zbuf_rows, zbuf_rows)])
    if rem:
        pltpu.sync_copy(zbuf.at[pl.ds(0, rem)],
                        acc.at[pl.ds(base + full * zbuf_rows, rem)])


def _make_deg(acc_n, e_pad, interpret=False):
    ntiles = NC * NS
    cpt = e_pad // (CHUNK * ntiles)
    zrows = acc_n // NS

    @functools.partial(
        pl.kernel,
        out_type=jax.ShapeDtypeStruct((NC * acc_n, DH2), jnp.float32),
        mesh=_mesh(),
        interpret=interpret,
        scratch_types=[
            pltpu.VMEM((cpt, CHUNK), jnp.int32),
            pltpu.VMEM((CHUNK, DH2), jnp.float32),
            pltpu.VMEM((CHUNK, DH2), jnp.float32),
            pltpu.VMEM_SHARED((acc_n, DH2), jnp.float32),
        ],
    )
    def deg_kernel(dst_hbm, out_hbm, dst_v, ones_v, zbuf, acc):
        c = lax.axis_index("c")
        s = lax.axis_index("s")
        w = s * NC + c
        _fill2d(ones_v, CHUNK, DH2, 1.0)
        _fill2d(zbuf, CHUNK, DH2, 0.0)
        _zero_acc(acc, zbuf, CHUNK, s, zrows)
        plsc.subcore_barrier()
        pltpu.sync_copy(dst_hbm.at[w], dst_v)

        def chunk(j, carry):
            pltpu.sync_copy(ones_v, acc.at[dst_v.at[j]], add=True)
            return carry

        lax.fori_loop(0, cpt, chunk, 0)
        plsc.subcore_barrier()
        pltpu.sync_copy(acc.at[pl.ds(s * zrows, zrows)],
                        out_hbm.at[pl.ds(c * acc_n + s * zrows, zrows)])

    return deg_kernel


def _make_msg1(n, dh, e_pad, acc_n, interpret=False):
    cpt = e_pad // (CHUNK * NS)
    zrows = acc_n // NS
    rpt = ((n + NS - 1) // NS + 7) // 8 * 8
    last = n - (NS - 1) * rpt
    assert last > 0

    @functools.partial(
        pl.kernel,
        out_type=jax.ShapeDtypeStruct((NC * n, dh), jnp.float32),
        mesh=_mesh(),
        interpret=interpret,
        scratch_types=[
            pltpu.VMEM((cpt + 1, CHUNK), jnp.int32),
            pltpu.VMEM((2, CHUNK), jnp.int32),
            pltpu.VMEM((CHUNK, dh), jnp.float32),
            pltpu.VMEM((CHUNK, dh), jnp.float32),
            pltpu.SemaphoreType.DMA,
            pltpu.SemaphoreType.DMA,
            pltpu.SemaphoreType.DMA,
            pltpu.SemaphoreType.DMA,
            pltpu.VMEM_SHARED((acc_n, dh), jnp.float32),
        ],
    )
    def msg1_kernel(h_hbm, src_hbm, dst_hbm, out_hbm,
                    src_v, dst_r, rows0, rows1, sem0, sem1, semd0, semd1,
                    acc):
        c = lax.axis_index("c")
        s = lax.axis_index("s")
        _fill2d(rows0, CHUNK, dh, 0.0)
        _zero_acc(acc, rows0, CHUNK, s, zrows)
        plsc.subcore_barrier()
        pltpu.sync_copy(src_hbm.at[s], src_v.at[pl.ds(0, cpt)])
        off = (c * n).astype(jnp.int32)
        zv = jnp.zeros((LANES,), jnp.int32)
        for k in range(CHUNK // LANES):
            src_v[cpt, pl.ds(k * LANES, LANES)] = zv

        def add_off(j, carry):
            for k in range(CHUNK // LANES):
                sl = pl.ds(k * LANES, LANES)
                src_v[j, sl] = src_v[j, sl] + off
            return carry

        lax.fori_loop(0, cpt, add_off, 0)

        dsrc = dst_hbm.at[s]
        cmax = cpt - 1
        pltpu.async_copy(dsrc.at[0], dst_r.at[0], semd0)
        pltpu.async_copy(h_hbm.at[src_v.at[0]], rows0, sem0)

        def pair(i, carry):
            j = i * 2
            pltpu.async_copy(dsrc.at[j + 1], dst_r.at[1], semd1)
            pltpu.async_copy(h_hbm.at[src_v.at[j + 1]], rows1, sem1)
            pltpu.make_async_copy(h_hbm.at[src_v.at[j]], rows0, sem0).wait()
            pltpu.make_async_copy(dsrc.at[0], dst_r.at[0], semd0).wait()
            pltpu.sync_copy(rows0, acc.at[dst_r.at[0]], add=True)
            pltpu.async_copy(
                dsrc.at[jnp.minimum(j + 2, cmax)], dst_r.at[0], semd0)
            pltpu.async_copy(h_hbm.at[src_v.at[j + 2]], rows0, sem0)
            pltpu.make_async_copy(
                h_hbm.at[src_v.at[j + 1]], rows1, sem1).wait()
            pltpu.make_async_copy(dsrc.at[1], dst_r.at[1], semd1).wait()
            pltpu.sync_copy(rows1, acc.at[dst_r.at[1]], add=True)
            return carry

        assert cpt % 2 == 0
        lax.fori_loop(0, cpt // 2, pair, 0)
        pltpu.make_async_copy(h_hbm.at[src_v.at[0]], rows0, sem0).wait()
        pltpu.make_async_copy(dsrc.at[0], dst_r.at[0], semd0).wait()
        plsc.subcore_barrier()

        @pl.when(s < NS - 1)
        def _():
            pltpu.sync_copy(acc.at[pl.ds(s * rpt, rpt)],
                            out_hbm.at[pl.ds(c * n + s * rpt, rpt)])

        @pl.when(s == NS - 1)
        def _():
            pltpu.sync_copy(acc.at[pl.ds((NS - 1) * rpt, last)],
                            out_hbm.at[pl.ds(c * n + (NS - 1) * rpt, last)])

    return msg1_kernel


def _make_msg2(dh, e_pad, acc_n, interpret=False):
    ntiles = NC * NS
    cpt = e_pad // (CHUNK * ntiles)
    zrows = acc_n // NS

    @functools.partial(
        pl.kernel,
        out_type=jax.ShapeDtypeStruct((NC * acc_n, dh), jnp.float32),
        mesh=_mesh(),
        interpret=interpret,
        scratch_types=[
            pltpu.VMEM((cpt + 1, CHUNK), jnp.int32),
            pltpu.VMEM((cpt, CHUNK), jnp.int32),
            pltpu.VMEM((CHUNK, dh), jnp.float32),
            pltpu.VMEM((CHUNK, dh), jnp.float32),
            pltpu.SemaphoreType.DMA,
            pltpu.SemaphoreType.DMA,
            pltpu.VMEM_SHARED((acc_n, dh), jnp.float32),
        ],
    )
    def msg2_kernel(vp_hbm, src_hbm, dst_hbm, out_hbm,
                    src_v, dst_v, rows0, rows1, sem0, sem1, acc):
        c = lax.axis_index("c")
        s = lax.axis_index("s")
        w = s * NC + c
        _fill2d(rows0, CHUNK, dh, 0.0)
        _zero_acc(acc, rows0, CHUNK, s, zrows)
        plsc.subcore_barrier()
        pltpu.sync_copy(src_hbm.at[w], src_v.at[pl.ds(0, cpt)])
        pltpu.sync_copy(dst_hbm.at[w], dst_v)
        zv = jnp.zeros((LANES,), jnp.int32)
        for k in range(CHUNK // LANES):
            src_v[cpt, pl.ds(k * LANES, LANES)] = zv

        pltpu.async_copy(vp_hbm.at[src_v.at[0]], rows0, sem0)

        def pair(i, carry):
            j = i * 2
            pltpu.async_copy(vp_hbm.at[src_v.at[j + 1]], rows1, sem1)
            pltpu.make_async_copy(vp_hbm.at[src_v.at[j]], rows0, sem0).wait()
            pltpu.sync_copy(rows0, acc.at[dst_v.at[j]], add=True)
            pltpu.async_copy(vp_hbm.at[src_v.at[j + 2]], rows0, sem0)
            pltpu.make_async_copy(
                vp_hbm.at[src_v.at[j + 1]], rows1, sem1).wait()
            pltpu.sync_copy(rows1, acc.at[dst_v.at[j + 1]], add=True)
            return carry

        assert cpt % 2 == 0
        lax.fori_loop(0, cpt // 2, pair, 0)
        pltpu.make_async_copy(vp_hbm.at[src_v.at[0]], rows0, sem0).wait()
        plsc.subcore_barrier()
        pltpu.sync_copy(acc.at[pl.ds(s * zrows, zrows)],
                        out_hbm.at[pl.ds(c * acc_n + s * zrows, zrows)])

    return msg2_kernel


def _mm1_body(x_ref, w1_ref, deg_ref, h_ref, dinv_ref):
    deg = deg_ref[0, :, 0] + deg_ref[1, :, 0] + 1.0
    dinv = (1.0 / jnp.sqrt(deg))[:, None]
    h = jnp.dot(x_ref[...], w1_ref[...],
                preferred_element_type=jnp.float32) * dinv
    dh = h.shape[1] // 2
    h_ref[0] = h[:, :dh]
    h_ref[1] = h[:, dh:]
    dinv_ref[...] = dinv


def _mm2_body(a_ref, h_ref, dinv_ref, b1_ref, w2_ref, vp_ref):
    hp = jnp.concatenate([h_ref[0], h_ref[1]], axis=1)
    af = jnp.concatenate([a_ref[0], a_ref[1]], axis=1)
    dinv = dinv_ref[...]
    h2 = jnp.maximum(dinv * (af + hp) + b1_ref[...], 0.0)
    vp_ref[...] = jnp.dot(h2, w2_ref[...],
                          preferred_element_type=jnp.float32) * dinv


def _fin_body(a2_ref, vp_ref, dinv_ref, b2_ref, wfc_ref, bfc_ref, out_ref):
    h2p = dinv_ref[...] * (a2_ref[0] + a2_ref[1] + vp_ref[...]) + b2_ref[...]
    out_ref[...] = jnp.dot(h2p, wfc_ref[...],
                           preferred_element_type=jnp.float32) + bfc_ref[...]


def _run(x, src, dst, W1, b1, W2, b2, Wfc, bfc, interpret=False):
    n, d_in = x.shape
    d_mid = W1.shape[1]
    dh = d_mid // 2
    e = src.shape[0]

    nb = pl.cdiv(n, BLK)
    acc_n = nb * BLK
    assert acc_n >= n + 1 and n % NS == 0 and acc_n % NS == 0

    egrp = CHUNK * NC * NS
    e_pad = pl.cdiv(e, egrp) * egrp
    src_p = jnp.concatenate(
        [src, jnp.zeros((e_pad - e,), jnp.int32)])
    npad = e_pad - e
    pad_dst = n + (jnp.arange(npad, dtype=jnp.int32) % (acc_n - n))
    dst_p = jnp.concatenate([dst, pad_dst])
    src16 = src_p.reshape(NS, -1, CHUNK)
    dst16 = dst_p.reshape(NS, -1, CHUNK)
    src32 = src_p.reshape(NC * NS, -1, CHUNK)
    dst32 = dst_p.reshape(NC * NS, -1, CHUNK)

    degp = _make_deg(acc_n, e_pad, interpret)(dst32)
    degp = degp.reshape(NC, acc_n, DH2)

    h_tab, dinv = pl.pallas_call(
        _mm1_body,
        grid=(nb,),
        in_specs=[
            pl.BlockSpec((BLK, d_in), lambda i: (i, 0)),
            pl.BlockSpec((d_in, d_mid), lambda i: (0, 0)),
            pl.BlockSpec((NC, BLK, DH2), lambda i: (0, i, 0)),
        ],
        out_specs=[
            pl.BlockSpec((NC, BLK, dh), lambda i: (0, i, 0)),
            pl.BlockSpec((BLK, 1), lambda i: (i, 0)),
        ],
        out_shape=[
            jax.ShapeDtypeStruct((NC, n, dh), jnp.float32),
            jax.ShapeDtypeStruct((n, 1), jnp.float32),
        ],
        interpret=interpret,
    )(x, W1, degp)

    acc1 = _make_msg1(n, dh, e_pad, acc_n, interpret)(
        h_tab.reshape(NC * n, dh), src16, dst16)
    acc1 = acc1.reshape(NC, n, dh)

    vp = pl.pallas_call(
        _mm2_body,
        grid=(nb,),
        in_specs=[
            pl.BlockSpec((NC, BLK, dh), lambda i: (0, i, 0)),
            pl.BlockSpec((NC, BLK, dh), lambda i: (0, i, 0)),
            pl.BlockSpec((BLK, 1), lambda i: (i, 0)),
            pl.BlockSpec((1, d_mid), lambda i: (0, 0)),
            pl.BlockSpec(W2.shape, lambda i: (0, 0)),
        ],
        out_specs=pl.BlockSpec((BLK, DH2), lambda i: (i, 0)),
        out_shape=jax.ShapeDtypeStruct((acc_n, DH2), jnp.float32),
        interpret=interpret,
    )(acc1, h_tab, dinv, b1.reshape(1, d_mid), W2)

    acc2 = _make_msg2(DH2, e_pad, acc_n, interpret)(vp, src32, dst32)
    acc2 = acc2.reshape(NC, acc_n, DH2)

    out = pl.pallas_call(
        _fin_body,
        grid=(nb,),
        in_specs=[
            pl.BlockSpec((NC, BLK, DH2), lambda i: (0, i, 0)),
            pl.BlockSpec((BLK, DH2), lambda i: (i, 0)),
            pl.BlockSpec((BLK, 1), lambda i: (i, 0)),
            pl.BlockSpec((1, W2.shape[1]), lambda i: (0, 0)),
            pl.BlockSpec(Wfc.shape, lambda i: (0, 0)),
            pl.BlockSpec((1, 1), lambda i: (0, 0)),
        ],
        out_specs=pl.BlockSpec((BLK, 1), lambda i: (i, 0)),
        out_shape=jax.ShapeDtypeStruct((n, 1), jnp.float32),
        interpret=interpret,
    )(acc2, vp, dinv, b2.reshape(1, -1), Wfc, bfc.reshape(1, 1))
    return out


def kernel(x, edge_index, W1, b1, W2, b2, Wfc, bfc):
    src = edge_index[0].astype(jnp.int32)
    dst = edge_index[1].astype(jnp.int32)
    return _run(x, src, dst, W1, b1, W2, b2, Wfc, bfc)

# --- scband reference (transcript-rebuilt; emitter-appended) ---
"""Pipeline reference for scband-base-sfgcn-78640851189816 (READ-ONLY COPY).

The authoritative reference and input builder live on the scoring server;
editing this copy changes nothing except your own understanding.
"""

import jax, jax.numpy as jnp
import numpy as np

N_NODES = 10000


def gcn_conv(x, edge_index, W, b):
    # PyG GCNConv default: x' = D^-1/2 (A + I) D^-1/2 (x W) + b
    n = x.shape[0]
    h = x @ W
    src = edge_index[0]
    dst = edge_index[1]
    loop = jnp.arange(n, dtype=edge_index.dtype)
    src = jnp.concatenate([src, loop])
    dst = jnp.concatenate([dst, loop])
    deg = jnp.zeros((n,), dtype=h.dtype).at[dst].add(1.0)
    dinv = jnp.where(deg > 0, 1.0 / jnp.sqrt(deg), 0.0)
    norm = dinv[src] * dinv[dst]
    msg = h[src] * norm[:, None]
    out = jnp.zeros_like(h).at[dst].add(msg)
    return out + b


def setup_inputs(seed: int = 0) -> dict:
    key = jax.random.key(seed)
    ks = jax.random.split(key, 8)
    d2, d3, d4 = 256, 256, 128
    x = jax.random.normal(ks[0], (N_NODES, d2), dtype=jnp.float32)
    edge_index = jax.random.randint(ks[1], (2, 160000), 0, N_NODES, dtype=jnp.int64)
    W1 = jax.random.normal(ks[2], (d2, d3), dtype=jnp.float32) * (1.0 / np.sqrt(d2))
    b1 = jnp.zeros((d3,), dtype=jnp.float32)
    W2 = jax.random.normal(ks[3], (d3, d4), dtype=jnp.float32) * (1.0 / np.sqrt(d3))
    b2 = jnp.zeros((d4,), dtype=jnp.float32)
    Wfc = jax.random.normal(ks[4], (d4, 1), dtype=jnp.float32) * (1.0 / np.sqrt(d4))
    bfc = jnp.zeros((1,), dtype=jnp.float32)
    return {"x": x, "edge_index": edge_index, "W1": W1, "b1": b1, "W2": W2, "b2": b2, "Wfc": Wfc, "bfc": bfc}


def reference(x, edge_index, W1, b1, W2, b2, Wfc, bfc):
    # BaseSFGCN.predict: gcn1 -> relu -> gcn2 -> fc
    h = gcn_conv(x, edge_index, W1, b1)
    h = jax.nn.relu(h)
    h = gcn_conv(h, edge_index, W2, b2)
    out = h @ Wfc + bfc
    return out

if __name__ == "__main__":
    import jax
    _d = setup_inputs()
    print(jax.jit(kernel)(*tuple(_d.values())))

</pallas_src>

<mosaic_0001>
#map = affine_map<(d0, d1) -> (0, 0)>
#map1 = affine_map<(d0, d1) -> (0, 0, 0)>
module attributes {stable_mosaic.version = 14 : i64} {
  func.func @msg2_kernel(%arg0: i32, %arg1: i32, %arg2: memref<10240x128xf32, #tpu.memory_space<hbm>>, %arg3: memref<32x40x128xi32, #tpu.memory_space<hbm>>, %arg4: memref<32x40x128xi32, #tpu.memory_space<hbm>>, %arg5: memref<20480x128xf32, #tpu.memory_space<hbm>>, %arg6: memref<41x128xi32, #tpu.memory_space<vmem>>, %arg7: memref<40x128xi32, #tpu.memory_space<vmem>>, %arg8: memref<128x128xf32, #tpu.memory_space<vmem>>, %arg9: memref<128x128xf32, #tpu.memory_space<vmem>>, %arg10: memref<!tpu.dma_semaphore, #tpu.memory_space<semaphore_mem>>, %arg11: memref<!tpu.dma_semaphore, #tpu.memory_space<semaphore_mem>>, %arg12: memref<10240x128xf32, #tpu.memory_space<vmem_shared>>) attributes {dimension_semantics = [#tpu.dimension_semantics<core_parallel>, #tpu.dimension_semantics<subcore_parallel>], iteration_bounds = array<i64: 2, 16>, scalar_prefetch = 0 : i64, scratch_operands = 7 : i64, tpu.core_type = #tpu.core_type<sc_vector_subcore>, window_params = [{transform_indices = #map}, {transform_indices = #map1}, {transform_indices = #map1}, {transform_indices = #map}]} {
    %mul3A = arith.constant 2 : i32
    %mul3A_0 = arith.muli %arg1, %mul3A : i32
    %add3A = arith.addi %mul3A_0, %arg0 : i32
    %broadcast_in_dim3A = arith.constant 0.000000e+00 : f32
    %broadcast_in_dim3A_1 = vector.broadcast %broadcast_in_dim3A : f32 to vector<16xf32>
    %scan3A = arith.constant 0 : i32
    %scan3A_2 = arith.constant 0 : i32
    %scan3A_3 = arith.constant 128 : i32
    %scan3A_4 = arith.addi %scan3A_2, %scan3A_3 : i32
    %scan3A_5 = arith.constant 1 : i32
    scf.for %scan3A_94 = %scan3A_2 to %scan3A_4 step %scan3A_5  : i32 {
      %swap3A_95 = arith.index_cast %scan3A_94 : i32 to index
      %swap3A_96 = arith.constant 0 : index
      %swap3A_97 = tpu.vector_load %arg8[%swap3A_95, %swap3A_96] {strides = array<i32>} : memref<128x128xf32, #tpu.memory_space<vmem>>, vector<1x16xf32>,
      %swap3A_98 = vector.shape_cast %swap3A_97 : vector<1x16xf32> to vector<16xf32>
      %swap3A_99 = vector.shape_cast %broadcast_in_dim3A_1 : vector<16xf32> to vector<1x16xf32>
      tpu.vector_store %arg8[%swap3A_95, %swap3A_96], %swap3A_99 {strides = array<i32>} : memref<128x128xf32, #tpu.memory_space<vmem>>, vector<1x16xf32>,
      %swap3A_100 = arith.index_cast %scan3A_94 : i32 to index
      %swap3A_101 = arith.constant 16 : index
      %swap3A_102 = tpu.vector_load %arg8[%swap3A_100, %swap3A_101] {strides = array<i32>} : memref<128x128xf32, #tpu.memory_space<vmem>>, vector<1x16xf32>,
      %swap3A_103 = vector.shape_cast %swap3A_102 : vector<1x16xf32> to vector<16xf32>
      %swap3A_104 = vector.shape_cast %broadcast_in_dim3A_1 : vector<16xf32> to vector<1x16xf32>
      tpu.vector_store %arg8[%swap3A_100, %swap3A_101], %swap3A_104 {strides = array<i32>} : memref<128x128xf32, #tpu.memory_space<vmem>>, vector<1x16xf32>,
      %swap3A_105 = arith.index_cast %scan3A_94 : i32 to index
      %swap3A_106 = arith.constant 32 : index
      %swap3A_107 = tpu.vector_load %arg8[%swap3A_105, %swap3A_106] {strides = array<i32>} : memref<128x128xf32, #tpu.memory_space<vmem>>, vector<1x16xf32>,
      %swap3A_108 = vector.shape_cast %swap3A_107 : vector<1x16xf32> to vector<16xf32>
      %swap3A_109 = vector.shape_cast %broadcast_in_dim3A_1 : vector<16xf32> to vector<1x16xf32>
      tpu.vector_store %arg8[%swap3A_105, %swap3A_106], %swap3A_109 {strides = array<i32>} : memref<128x128xf32, #tpu.memory_space<vmem>>, vector<1x16xf32>,
      %swap3A_110 = arith.index_cast %scan3A_94 : i32 to index
      %swap3A_111 = arith.constant 48 : index
      %swap3A_112 = tpu.vector_load %arg8[%swap3A_110, %swap3A_111] {strides = array<i32>} : memref<128x128xf32, #tpu.memory_space<vmem>>, vector<1x16xf32>,
      %swap3A_113 = vector.shape_cast %swap3A_112 : vector<1x16xf32> to vector<16xf32>
      %swap3A_114 = vector.shape_cast %broadcast_in_dim3A_1 : vector<16xf32> to vector<1x16xf32>
      tpu.vector_store %arg8[%swap3A_110, %swap3A_111], %swap3A_114 {strides = array<i32>} : memref<128x128xf32, #tpu.memory_space<vmem>>, vector<1x16xf32>,
      %swap3A_115 = arith.index_cast %scan3A_94 : i32 to index
      %swap3A_116 = arith.constant 64 : index
      %swap3A_117 = tpu.vector_load %arg8[%swap3A_115, %swap3A_116] {strides = array<i32>} : memref<128x128xf32, #tpu.memory_space<vmem>>, vector<1x16xf32>,
      %swap3A_118 = vector.shape_cast %swap3A_117 : vector<1x16xf32> to vector<16xf32>
      %swap3A_119 = vector.shape_cast %broadcast_in_dim3A_1 : vector<16xf32> to vector<1x16xf32>
      tpu.vector_store %arg8[%swap3A_115, %swap3A_116], %swap3A_119 {strides = array<i32>} : memref<128x128xf32, #tpu.memory_space<vmem>>, vector<1x16xf32>,
      %swap3A_120 = arith.index_cast %scan3A_94 : i32 to index
      %swap3A_121 = arith.constant 80 : index
      %swap3A_122 = tpu.vector_load %arg8[%swap3A_120, %swap3A_121] {strides = array<i32>} : memref<128x128xf32, #tpu.memory_space<vmem>>, vector<1x16xf32>,
      %swap3A_123 = vector.shape_cast %swap3A_122 : vector<1x16xf32> to vector<16xf32>
      %swap3A_124 = vector.shape_cast %broadcast_in_dim3A_1 : vector<16xf32> to vector<1x16xf32>
      tpu.vector_store %arg8[%swap3A_120, %swap3A_121], %swap3A_124 {strides = array<i32>} : memref<128x128xf32, #tpu.memory_space<vmem>>, vector<1x16xf32>,
      %swap3A_125 = arith.index_cast %scan3A_94 : i32 to index
      %swap3A_126 = arith.constant 96 : index
      %swap3A_127 = tpu.vector_load %arg8[%swap3A_125, %swap3A_126] {strides = array<i32>} : memref<128x128xf32, #tpu.memory_space<vmem>>, vector<1x16xf32>,
      %swap3A_128 = vector.shape_cast %swap3A_127 : vector<1x16xf32> to vector<16xf32>
      %swap3A_129 = vector.shape_cast %broadcast_in_dim3A_1 : vector<16xf32> to vector<1x16xf32>
      tpu.vector_store %arg8[%swap3A_125, %swap3A_126], %swap3A_129 {strides = array<i32>} : memref<128x128xf32, #tpu.memory_space<vmem>>, vector<1x16xf32>,
      %swap3A_130 = arith.index_cast %scan3A_94 : i32 to index
      %swap3A_131 = arith.constant 112 : index
      %swap3A_132 = tpu.vector_load %arg8[%swap3A_130, %swap3A_131] {strides = array<i32>} : memref<128x128xf32, #tpu.memory_space<vmem>>, vector<1x16xf32>,
      %swap3A_133 = vector.shape_cast %swap3A_132 : vector<1x16xf32> to vector<16xf32>
      %swap3A_134 = vector.shape_cast %broadcast_in_dim3A_1 : vector<16xf32> to vector<1x16xf32>
      tpu.vector_store %arg8[%swap3A_130, %swap3A_131], %swap3A_134 {strides = array<i32>} : memref<128x128xf32, #tpu.memory_space<vmem>>, vector<1x16xf32>,
    }
    %scan3A_6 = arith.constant 128 : i32
    %mul3A_7 = arith.constant 640 : i32
    %mul3A_8 = arith.muli %arg1, %mul3A_7 : i32
    %add3A_9 = arith.constant 0 : i32
    %add3A_10 = arith.addi %mul3A_8, %add3A_9 : i32
    "tpu.region"() ({
      %run_scoped3A = tpu.sem_alloc : memref<!tpu.dma_semaphore, #tpu.memory_space<semaphore_mem>>
      %dma_start3A_94 = arith.constant 0 : i32
      %dma_start3A_95 = tpu.memref_slice %arg12[%add3A_10, %dma_start3A_94] : memref<10240x128xf32, #tpu.memory_space<vmem_shared>> -> memref<128x128xf32, #tpu.memory_space<vmem_shared>>
      %dma_start3A_96 = arith.constant 0 : i32
      %dma_start3A_97 = tpu.memref_slice %arg12[%add3A_10, %dma_start3A_96] : memref<10240x128xf32, #tpu.memory_space<vmem_shared>> -> memref<128x128xf32, #tpu.memory_space<vmem_shared>>
      tpu.enqueue_dma source(%arg8 : memref<128x128xf32, #tpu.memory_space<vmem>>) target(%dma_start3A_97 : memref<128x128xf32, #tpu.memory_space<vmem_shared>>) target_semaphore(%run_scoped3A : memref<!tpu.dma_semaphore, #tpu.memory_space<semaphore_mem>>)
      %dma_wait3A_98 = arith.constant 0 : i32
      %dma_wait3A_99 = tpu.memref_slice %arg12[%add3A_10, %dma_wait3A_98] : memref<10240x128xf32, #tpu.memory_space<vmem_shared>> -> memref<128x128xf32, #tpu.memory_space<vmem_shared>>
      %dma_wait3A_100 = arith.constant 0 : i32
      %dma_wait3A_101 = tpu.memref_slice %arg12[%add3A_10, %dma_wait3A_100] : memref<10240x128xf32, #tpu.memory_space<vmem_shared>> -> memref<128x128xf32, #tpu.memory_space<vmem_shared>>
      tpu.wait_dma2 semaphore(%run_scoped3A : memref<!tpu.dma_semaphore, #tpu.memory_space<semaphore_mem>>) src(%arg8 : memref<128x128xf32, #tpu.memory_space<vmem>>) dst(%dma_wait3A_101 : memref<128x128xf32, #tpu.memory_space<vmem_shared>>)
      tpu.yield
    }) : () -> ()
    %add3A_11 = arith.constant 128 : i32
    %add3A_12 = arith.addi %mul3A_8, %add3A_11 : i32
    "tpu.region"() ({
      %run_scoped3A = tpu.sem_alloc : memref<!tpu.dma_semaphore, #tpu.memory_space<semaphore_mem>>
      %dma_start3A_94 = arith.constant 0 : i32
      %dma_start3A_95 = tpu.memref_slice %arg12[%add3A_12, %dma_start3A_94] : memref<10240x128xf32, #tpu.memory_space<vmem_shared>> -> memref<128x128xf32, #tpu.memory_space<vmem_shared>>
      %dma_start3A_96 = arith.constant 0 : i32
      %dma_start3A_97 = tpu.memref_slice %arg12[%add3A_12, %dma_start3A_96] : memref<10240x128xf32, #tpu.memory_space<vmem_shared>> -> memref<128x128xf32, #tpu.memory_space<vmem_shared>>
      tpu.enqueue_dma source(%arg8 : memref<128x128xf32, #tpu.memory_space<vmem>>) target(%dma_start3A_97 : memref<128x128xf32, #tpu.memory_space<vmem_shared>>) target_semaphore(%run_scoped3A : memref<!tpu.dma_semaphore, #tpu.memory_space<semaphore_mem>>)
      %dma_wait3A_98 = arith.constant 0 : i32
      %dma_wait3A_99 = tpu.memref_slice %arg12[%add3A_12, %dma_wait3A_98] : memref<10240x128xf32, #tpu.memory_space<vmem_shared>> -> memref<128x128xf32, #tpu.memory_space<vmem_shared>>
      %dma_wait3A_100 = arith.constant 0 : i32
      %dma_wait3A_101 = tpu.memref_slice %arg12[%add3A_12, %dma_wait3A_100] : memref<10240x128xf32, #tpu.memory_space<vmem_shared>> -> memref<128x128xf32, #tpu.memory_space<vmem_shared>>
      tpu.wait_dma2 semaphore(%run_scoped3A : memref<!tpu.dma_semaphore, #tpu.memory_space<semaphore_mem>>) src(%arg8 : memref<128x128xf32, #tpu.memory_space<vmem>>) dst(%dma_wait3A_101 : memref<128x128xf32, #tpu.memory_space<vmem_shared>>)
      tpu.yield
    }) : () -> ()
    %add3A_13 = arith.constant 256 : i32
    %add3A_14 = arith.addi %mul3A_8, %add3A_13 : i32
    "tpu.region"() ({
      %run_scoped3A = tpu.sem_alloc : memref<!tpu.dma_semaphore, #tpu.memory_space<semaphore_mem>>
      %dma_start3A_94 = arith.constant 0 : i32
      %dma_start3A_95 = tpu.memref_slice %arg12[%add3A_14, %dma_start3A_94] : memref<10240x128xf32, #tpu.memory_space<vmem_shared>> -> memref<128x128xf32, #tpu.memory_space<vmem_shared>>
      %dma_start3A_96 = arith.constant 0 : i32
      %dma_start3A_97 = tpu.memref_slice %arg12[%add3A_14, %dma_start3A_96] : memref<10240x128xf32, #tpu.memory_space<vmem_shared>> -> memref<128x128xf32, #tpu.memory_space<vmem_shared>>
      tpu.enqueue_dma source(%arg8 : memref<128x128xf32, #tpu.memory_space<vmem>>) target(%dma_start3A_97 : memref<128x128xf32, #tpu.memory_space<vmem_shared>>) target_semaphore(%run_scoped3A : memref<!tpu.dma_semaphore, #tpu.memory_space<semaphore_mem>>)
      %dma_wait3A_98 = arith.constant 0 : i32
      %dma_wait3A_99 = tpu.memref_slice %arg12[%add3A_14, %dma_wait3A_98] : memref<10240x128xf32, #tpu.memory_space<vmem_shared>> -> memref<128x128xf32, #tpu.memory_space<vmem_shared>>
      %dma_wait3A_100 = arith.constant 0 : i32
      %dma_wait3A_101 = tpu.memref_slice %arg12[%add3A_14, %dma_wait3A_100] : memref<10240x128xf32, #tpu.memory_space<vmem_shared>> -> memref<128x128xf32, #tpu.memory_space<vmem_shared>>
      tpu.wait_dma2 semaphore(%run_scoped3A : memref<!tpu.dma_semaphore, #tpu.memory_space<semaphore_mem>>) src(%arg8 : memref<128x128xf32, #tpu.memory_space<vmem>>) dst(%dma_wait3A_101 : memref<128x128xf32, #tpu.memory_space<vmem_shared>>)
      tpu.yield
    }) : () -> ()
    %add3A_15 = arith.constant 384 : i32
    %add3A_16 = arith.addi %mul3A_8, %add3A_15 : i32
    "tpu.region"() ({
      %run_scoped3A = tpu.sem_alloc : memref<!tpu.dma_semaphore, #tpu.memory_space<semaphore_mem>>
      %dma_start3A_94 = arith.constant 0 : i32
      %dma_start3A_95 = tpu.memref_slice %arg12[%add3A_16, %dma_start3A_94] : memref<10240x128xf32, #tpu.memory_space<vmem_shared>> -> memref<128x128xf32, #tpu.memory_space<vmem_shared>>
      %dma_start3A_96 = arith.constant 0 : i32
      %dma_start3A_97 = tpu.memref_slice %arg12[%add3A_16, %dma_start3A_96] : memref<10240x128xf32, #tpu.memory_space<vmem_shared>> -> memref<128x128xf32, #tpu.memory_space<vmem_shared>>
      tpu.enqueue_dma source(%arg8 : memref<128x128xf32, #tpu.memory_space<vmem>>) target(%dma_start3A_97 : memref<128x128xf32, #tpu.memory_space<vmem_shared>>) target_semaphore(%run_scoped3A : memref<!tpu.dma_semaphore, #tpu.memory_space<semaphore_mem>>)
      %dma_wait3A_98 = arith.constant 0 : i32
      %dma_wait3A_99 = tpu.memref_slice %arg12[%add3A_16, %dma_wait3A_98] : memref<10240x128xf32, #tpu.memory_space<vmem_shared>> -> memref<128x128xf32, #tpu.memory_space<vmem_shared>>
      %dma_wait3A_100 = arith.constant 0 : i32
      %dma_wait3A_101 = tpu.memref_slice %arg12[%add3A_16, %dma_wait3A_100] : memref<10240x128xf32, #tpu.memory_space<vmem_shared>> -> memref<128x128xf32, #tpu.memory_space<vmem_shared>>
      tpu.wait_dma2 semaphore(%run_scoped3A : memref<!tpu.dma_semaphore, #tpu.memory_space<semaphore_mem>>) src(%arg8 : memref<128x128xf32, #tpu.memory_space<vmem>>) dst(%dma_wait3A_101 : memref<128x128xf32, #tpu.memory_space<vmem_shared>>)
      tpu.yield
    }) : () -> ()
    %add3A_17 = arith.constant 512 : i32
    %add3A_18 = arith.addi %mul3A_8, %add3A_17 : i32
    "tpu.region"() ({
      %run_scoped3A = tpu.sem_alloc : memref<!tpu.dma_semaphore, #tpu.memory_space<semaphore_mem>>
      %dma_start3A_94 = arith.constant 0 : i32
      %dma_start3A_95 = tpu.memref_slice %arg12[%add3A_18, %dma_start3A_94] : memref<10240x128xf32, #tpu.memory_space<vmem_shared>> -> memref<128x128xf32, #tpu.memory_space<vmem_shared>>
      %dma_start3A_96 = arith.constant 0 : i32
      %dma_start3A_97 = tpu.memref_slice %arg12[%add3A_18, %dma_start3A_96] : memref<10240x128xf32, #tpu.memory_space<vmem_shared>> -> memref<128x128xf32, #tpu.memory_space<vmem_shared>>
      tpu.enqueue_dma source(%arg8 : memref<128x128xf32, #tpu.memory_space<vmem>>) target(%dma_start3A_97 : memref<128x128xf32, #tpu.memory_space<vmem_shared>>) target_semaphore(%run_scoped3A : memref<!tpu.dma_semaphore, #tpu.memory_space<semaphore_mem>>)
      %dma_wait3A_98 = arith.constant 0 : i32
      %dma_wait3A_99 = tpu.memref_slice %arg12[%add3A_18, %dma_wait3A_98] : memref<10240x128xf32, #tpu.memory_space<vmem_shared>> -> memref<128x128xf32, #tpu.memory_space<vmem_shared>>
      %dma_wait3A_100 = arith.constant 0 : i32
      %dma_wait3A_101 = tpu.memref_slice %arg12[%add3A_18, %dma_wait3A_100] : memref<10240x128xf32, #tpu.memory_space<vmem_shared>> -> memref<128x128xf32, #tpu.memory_space<vmem_shared>>
      tpu.wait_dma2 semaphore(%run_scoped3A : memref<!tpu.dma_semaphore, #tpu.memory_space<semaphore_mem>>) src(%arg8 : memref<128x128xf32, #tpu.memory_space<vmem>>) dst(%dma_wait3A_101 : memref<128x128xf32, #tpu.memory_space<vmem_shared>>)
      tpu.yield
    }) : () -> ()
    %barrier3A = arith.constant 0 : index
    tpu.barrier barrier_id(%barrier3A)
    "tpu.region"() ({
      %run_scoped3A = tpu.sem_alloc : memref<!tpu.dma_semaphore, #tpu.memory_space<semaphore_mem>>
      %dma_start3A_94 = arith.constant 0 : i32
      %dma_start3A_95 = arith.constant 0 : i32
      %dma_start3A_96 = tpu.memref_slice %arg6[%dma_start3A_94, %dma_start3A_95] : memref<41x128xi32, #tpu.memory_space<vmem>> -> memref<40x128xi32, #tpu.memory_space<vmem>>
      %dma_start3A_97 = arith.constant 0 : i32
      %dma_start3A_98 = arith.constant 0 : i32
      %dma_start3A_99 = tpu.memref_slice %arg3[%add3A, %dma_start3A_97, %dma_start3A_98] : memref<32x40x128xi32, #tpu.memory_space<hbm>> -> memref<1x40x128xi32, #tpu.memory_space<hbm>>
      %dma_start3A_100 = tpu.memref_squeeze %dma_start3A_99 : memref<1x40x128xi32, #tpu.memory_space<hbm>> -> memref<40x128xi32, #tpu.memory_space<hbm>>
      %dma_start3A_101 = arith.constant 0 : i32
      %dma_start3A_102 = arith.constant 0 : i32
      %dma_start3A_103 = tpu.memref_slice %arg6[%dma_start3A_101, %dma_start3A_102] : memref<41x128xi32, #tpu.memory_space<vmem>> -> memref<40x128xi32, #tpu.memory_space<vmem>>
      %dma_start3A_104 = arith.constant 0 : i32
      %dma_start3A_105 = arith.constant 0 : i32
      %dma_start3A_106 = tpu.memref_slice %arg3[%add3A, %dma_start3A_104, %dma_start3A_105] : memref<32x40x128xi32, #tpu.memory_space<hbm>> -> memref<1x40x128xi32, #tpu.memory_space<hbm>>
      %dma_start3A_107 = tpu.memref_squeeze %dma_start3A_106 : memref<1x40x128xi32, #tpu.memory_space<hbm>> -> memref<40x128xi32, #tpu.memory_space<hbm>>
      tpu.enqueue_dma source(%dma_start3A_107 : memref<40x128xi32, #tpu.memory_space<hbm>>) target(%dma_start3A_103 : memref<40x128xi32, #tpu.memory_space<vmem>>) target_semaphore(%run_scoped3A : memref<!tpu.dma_semaphore, #tpu.memory_space<semaphore_mem>>)
      %dma_wait3A_108 = arith.constant 0 : i32
      %dma_wait3A_109 = arith.constant 0 : i32
      %dma_wait3A_110 = tpu.memref_slice %arg6[%dma_wait3A_108, %dma_wait3A_109] : memref<41x128xi32, #tpu.memory_space<vmem>> -> memref<40x128xi32, #tpu.memory_space<vmem>>
      %dma_wait3A_111 = arith.constant 0 : i32
      %dma_wait3A_112 = arith.constant 0 : i32
      %dma_wait3A_113 = tpu.memref_slice %arg3[%add3A, %dma_wait3A_111, %dma_wait3A_112] : memref<32x40x128xi32, #tpu.memory_space<hbm>> -> memref<1x40x128xi32, #tpu.memory_space<hbm>>
      %dma_wait3A_114 = tpu.memref_squeeze %dma_wait3A_113 : memref<1x40x128xi32, #tpu.memory_space<hbm>> -> memref<40x128xi32, #tpu.memory_space<hbm>>
      %dma_wait3A_115 = arith.constant 0 : i32
      %dma_wait3A_116 = arith.constant 0 : i32
      %dma_wait3A_117 = tpu.memref_slice %arg6[%dma_wait3A_115, %dma_wait3A_116] : memref<41x128xi32, #tpu.memory_space<vmem>> -> memref<40x128xi32, #tpu.memory_space<vmem>>
      %dma_wait3A_118 = arith.constant 0 : i32
      %dma_wait3A_119 = arith.constant 0 : i32
      %dma_wait3A_120 = tpu.memref_slice %arg3[%add3A, %dma_wait3A_118, %dma_wait3A_119] : memref<32x40x128xi32, #tpu.memory_space<hbm>> -> memref<1x40x128xi32, #tpu.memory_space<hbm>>
      %dma_wait3A_121 = tpu.memref_squeeze %dma_wait3A_120 : memref<1x40x128xi32, #tpu.memory_space<hbm>> -> memref<40x128xi32, #tpu.memory_space<hbm>>
      tpu.wait_dma2 semaphore(%run_scoped3A : memref<!tpu.dma_semaphore, #tpu.memory_space<semaphore_mem>>) src(%dma_wait3A_121 : memref<40x128xi32, #tpu.memory_space<hbm>>) dst(%dma_wait3A_117 : memref<40x128xi32, #tpu.memory_space<vmem>>)
      tpu.yield
    }) : () -> ()
    "tpu.region"() ({
      %run_scoped3A = tpu.sem_alloc : memref<!tpu.dma_semaphore, #tpu.memory_space<semaphore_mem>>
      %dma_start3A_94 = arith.constant 0 : i32
      %dma_start3A_95 = arith.constant 0 : i32
      %dma_start3A_96 = tpu.memref_slice %arg4[%add3A, %dma_start3A_94, %dma_start3A_95] : memref<32x40x128xi32, #tpu.memory_space<hbm>> -> memref<1x40x128xi32, #tpu.memory_space<hbm>>
      %dma_start3A_97 = tpu.memref_squeeze %dma_start3A_96 : memref<1x40x128xi32, #tpu.memory_space<hbm>> -> memref<40x128xi32, #tpu.memory_space<hbm>>
      %dma_start3A_98 = arith.constant 0 : i32
      %dma_start3A_99 = arith.constant 0 : i32
      %dma_start3A_100 = tpu.memref_slice %arg4[%add3A, %dma_start3A_98, %dma_start3A_99] : memref<32x40x128xi32, #tpu.memory_space<hbm>> -> memref<1x40x128xi32, #tpu.memory_space<hbm>>
      %dma_start3A_101 = tpu.memref_squeeze %dma_start3A_100 : memref<1x40x128xi32, #tpu.memory_space<hbm>> -> memref<40x128xi32, #tpu.memory_space<hbm>>
      tpu.enqueue_dma source(%dma_start3A_101 : memref<40x128xi32, #tpu.memory_space<hbm>>) target(%arg7 : memref<40x128xi32, #tpu.memory_space<vmem>>) target_semaphore(%run_scoped3A : memref<!tpu.dma_semaphore, #tpu.memory_space<semaphore_mem>>)
      %dma_wait3A_102 = arith.constant 0 : i32
      %dma_wait3A_103 = arith.constant 0 : i32
      %dma_wait3A_104 = tpu.memref_slice %arg4[%add3A, %dma_wait3A_102, %dma_wait3A_103] : memref<32x40x128xi32, #tpu.memory_space<hbm>> -> memref<1x40x128xi32, #tpu.memory_space<hbm>>
      %dma_wait3A_105 = tpu.memref_squeeze %dma_wait3A_104 : memref<1x40x128xi32, #tpu.memory_space<hbm>> -> memref<40x128xi32, #tpu.memory_space<hbm>>
      %dma_wait3A_106 = arith.constant 0 : i32
      %dma_wait3A_107 = arith.constant 0 : i32
      %dma_wait3A_108 = tpu.memref_slice %arg4[%add3A, %dma_wait3A_106, %dma_wait3A_107] : memref<32x40x128xi32, #tpu.memory_space<hbm>> -> memref<1x40x128xi32, #tpu.memory_space<hbm>>
      %dma_wait3A_109 = tpu.memref_squeeze %dma_wait3A_108 : memref<1x40x128xi32, #tpu.memory_space<hbm>> -> memref<40x128xi32, #tpu.memory_space<hbm>>
      tpu.wait_dma2 semaphore(%run_scoped3A : memref<!tpu.dma_semaphore, #tpu.memory_space<semaphore_mem>>) src(%dma_wait3A_109 : memref<40x128xi32, #tpu.memory_space<hbm>>) dst(%arg7 : memref<40x128xi32, #tpu.memory_space<vmem>>)
      tpu.yield
    }) : () -> ()
    %broadcast_in_dim3A_19 = arith.constant 0 : i32
    %broadcast_in_dim3A_20 = vector.broadcast %broadcast_in_dim3A_19 : i32 to vector<16xi32>
    %swap3A = arith.constant 40 : i32
    %swap3A_21 = arith.index_cast %swap3A : i32 to index
    %swap3A_22 = arith.constant 0 : index
    %swap3A_23 = tpu.vector_load %arg6[%swap3A_21, %swap3A_22] {strides = array<i32>} : memref<41x128xi32, #tpu.memory_space<vmem>>, vector<1x16xi32>,
    %swap3A_24 = vector.shape_cast %swap3A_23 : vector<1x16xi32> to vector<16xi32>
    %swap3A_25 = vector.shape_cast %broadcast_in_dim3A_20 : vector<16xi32> to vector<1x16xi32>
    tpu.vector_store %arg6[%swap3A_21, %swap3A_22], %swap3A_25 {strides = array<i32>} : memref<41x128xi32, #tpu.memory_space<vmem>>, vector<1x16xi32>,
    %swap3A_26 = arith.constant 40 : i32
    %swap3A_27 = arith.index_cast %swap3A_26 : i32 to index
    %swap3A_28 = arith.constant 16 : index
    %swap3A_29 = tpu.vector_load %arg6[%swap3A_27, %swap3A_28] {strides = array<i32>} : memref<41x128xi32, #tpu.memory_space<vmem>>, vector<1x16xi32>,
    %swap3A_30 = vector.shape_cast %swap3A_29 : vector<1x16xi32> to vector<16xi32>
    %swap3A_31 = vector.shape_cast %broadcast_in_dim3A_20 : vector<16xi32> to vector<1x16xi32>
    tpu.vector_store %arg6[%swap3A_27, %swap3A_28], %swap3A_31 {strides = array<i32>} : memref<41x128xi32, #tpu.memory_space<vmem>>, vector<1x16xi32>,
    %swap3A_32 = arith.constant 40 : i32
    %swap3A_33 = arith.index_cast %swap3A_32 : i32 to index
    %swap3A_34 = arith.constant 32 : index
    %swap3A_35 = tpu.vector_load %arg6[%swap3A_33, %swap3A_34] {strides = array<i32>} : memref<41x128xi32, #tpu.memory_space<vmem>>, vector<1x16xi32>,
    %swap3A_36 = vector.shape_cast %swap3A_35 : vector<1x16xi32> to vector<16xi32>
    %swap3A_37 = vector.shape_cast %broadcast_in_dim3A_20 : vector<16xi32> to vector<1x16xi32>
    tpu.vector_store %arg6[%swap3A_33, %swap3A_34], %swap3A_37 {strides = array<i32>} : memref<41x128xi32, #tpu.memory_space<vmem>>, vector<1x16xi32>,
    %swap3A_38 = arith.constant 40 : i32
    %swap3A_39 = arith.index_cast %swap3A_38 : i32 to index
    %swap3A_40 = arith.constant 48 : index
    %swap3A_41 = tpu.vector_load %arg6[%swap3A_39, %swap3A_40] {strides = array<i32>} : memref<41x128xi32, #tpu.memory_space<vmem>>, vector<1x16xi32>,
    %swap3A_42 = vector.shape_cast %swap3A_41 : vector<1x16xi32> to vector<16xi32>
    %swap3A_43 = vector.shape_cast %broadcast_in_dim3A_20 : vector<16xi32> to vector<1x16xi32>
    tpu.vector_store %arg6[%swap3A_39, %swap3A_40], %swap3A_43 {strides = array<i32>} : memref<41x128xi32, #tpu.memory_space<vmem>>, vector<1x16xi32>,
    %swap3A_44 = arith.constant 40 : i32
    %swap3A_45 = arith.index_cast %swap3A_44 : i32 to index
    %swap3A_46 = arith.constant 64 : index
    %swap3A_47 = tpu.vector_load %arg6[%swap3A_45, %swap3A_46] {strides = array<i32>} : memref<41x128xi32, #tpu.memory_space<vmem>>, vector<1x16xi32>,
    %swap3A_48 = vector.shape_cast %swap3A_47 : vector<1x16xi32> to vector<16xi32>
    %swap3A_49 = vector.shape_cast %broadcast_in_dim3A_20 : vector<16xi32> to vector<1x16xi32>
    tpu.vector_store %arg6[%swap3A_45, %swap3A_46], %swap3A_49 {strides = array<i32>} : memref<41x128xi32, #tpu.memory_space<vmem>>, vector<1x16xi32>,
    %swap3A_50 = arith.constant 40 : i32
    %swap3A_51 = arith.index_cast %swap3A_50 : i32 to index
    %swap3A_52 = arith.constant 80 : index
    %swap3A_53 = tpu.vector_load %arg6[%swap3A_51, %swap3A_52] {strides = array<i32>} : memref<41x128xi32, #tpu.memory_space<vmem>>, vector<1x16xi32>,
    %swap3A_54 = vector.shape_cast %swap3A_53 : vector<1x16xi32> to vector<16xi32>
    %swap3A_55 = vector.shape_cast %broadcast_in_dim3A_20 : vector<16xi32> to vector<1x16xi32>
    tpu.vector_store %arg6[%swap3A_51, %swap3A_52], %swap3A_55 {strides = array<i32>} : memref<41x128xi32, #tpu.memory_space<vmem>>, vector<1x16xi32>,
    %swap3A_56 = arith.constant 40 : i32
    %swap3A_57 = arith.index_cast %swap3A_56 : i32 to index
    %swap3A_58 = arith.constant 96 : index
    %swap3A_59 = tpu.vector_load %arg6[%swap3A_57, %swap3A_58] {strides = array<i32>} : memref<41x128xi32, #tpu.memory_space<vmem>>, vector<1x16xi32>,
    %swap3A_60 = vector.shape_cast %swap3A_59 : vector<1x16xi32> to vector<16xi32>
    %swap3A_61 = vector.shape_cast %broadcast_in_dim3A_20 : vector<16xi32> to vector<1x16xi32>
    tpu.vector_store %arg6[%swap3A_57, %swap3A_58], %swap3A_61 {strides = array<i32>} : memref<41x128xi32, #tpu.memory_space<vmem>>, vector<1x16xi32>,
    %swap3A_62 = arith.constant 40 : i32
    %swap3A_63 = arith.index_cast %swap3A_62 : i32 to index
    %swap3A_64 = arith.constant 112 : index
    %swap3A_65 = tpu.vector_load %arg6[%swap3A_63, %swap3A_64] {strides = array<i32>} : memref<41x128xi32, #tpu.memory_space<vmem>>, vector<1x16xi32>,
    %swap3A_66 = vector.shape_cast %swap3A_65 : vector<1x16xi32> to vector<16xi32>
    %swap3A_67 = vector.shape_cast %broadcast_in_dim3A_20 : vector<16xi32> to vector<1x16xi32>
    tpu.vector_store %arg6[%swap3A_63, %swap3A_64], %swap3A_67 {strides = array<i32>} : memref<41x128xi32, #tpu.memory_space<vmem>>, vector<1x16xi32>,
    %dma_start3A = arith.constant 0 : i32
    %dma_start3A_68 = arith.constant 0 : i32
    %dma_start3A_69 = tpu.memref_slice %arg6[%dma_start3A, %dma_start3A_68] : memref<41x128xi32, #tpu.memory_space<vmem>> -> memref<1x128xi32, #tpu.memory_space<vmem>>
    %dma_start3A_70 = tpu.memref_squeeze %dma_start3A_69 : memref<1x128xi32, #tpu.memory_space<vmem>> -> memref<128xi32, #tpu.memory_space<vmem>>
    %dma_start3A_71 = arith.constant 0 : i32
    %dma_start3A_72 = arith.constant 0 : i32
    %dma_start3A_73 = tpu.memref_slice %arg2[%dma_start3A_71, %dma_start3A_72] : memref<10240x128xf32, #tpu.memory_space<hbm>> -> memref<10240x128xf32, #tpu.memory_space<hbm>>
    tpu.enqueue_indirect_dma source(%dma_start3A_73 : memref<10240x128xf32, #tpu.memory_space<hbm>>) target(%arg8 : memref<128x128xf32, #tpu.memory_space<vmem>>) offsets(%dma_start3A_70 : memref<128xi32, #tpu.memory_space<vmem>>) semaphore(%arg10 : memref<!tpu.dma_semaphore, #tpu.memory_space<semaphore_mem>>)
    %scan3A_74 = arith.constant 0 : i32
    %scan3A_75 = arith.constant 0 : i32
    %scan3A_76 = arith.constant 20 : i32
    %scan3A_77 = arith.addi %scan3A_75, %scan3A_76 : i32
    %scan3A_78 = arith.constant 1 : i32
    scf.for %scan3A_94 = %scan3A_75 to %scan3A_77 step %scan3A_78  : i32 {
      %mul3A_95 = arith.constant 2 : i32
      %mul3A_96 = arith.muli %scan3A_94, %mul3A_95 : i32
      %add3A_97 = arith.constant 1 : i32
      %add3A_98 = arith.addi %mul3A_96, %add3A_97 : i32
      %dma_start3A_99 = arith.constant 0 : i32
      %dma_start3A_100 = tpu.memref_slice %arg6[%add3A_98, %dma_start3A_99] : memref<41x128xi32, #tpu.memory_space<vmem>> -> memref<1x128xi32, #tpu.memory_space<vmem>>
      %dma_start3A_101 = tpu.memref_squeeze %dma_start3A_100 : memref<1x128xi32, #tpu.memory_space<vmem>> -> memref<128xi32, #tpu.memory_space<vmem>>
      %dma_start3A_102 = arith.constant 0 : i32
      %dma_start3A_103 = arith.constant 0 : i32
      %dma_start3A_104 = tpu.memref_slice %arg2[%dma_start3A_102, %dma_start3A_103] : memref<10240x128xf32, #tpu.memory_space<hbm>> -> memref<10240x128xf32, #tpu.memory_space<hbm>>
      tpu.enqueue_indirect_dma source(%dma_start3A_104 : memref<10240x128xf32, #tpu.memory_space<hbm>>) target(%arg9 : memref<128x128xf32, #tpu.memory_space<vmem>>) offsets(%dma_start3A_101 : memref<128xi32, #tpu.memory_space<vmem>>) semaphore(%arg11 : memref<!tpu.dma_semaphore, #tpu.memory_space<semaphore_mem>>)
      %dma_wait3A_105 = arith.constant 0 : i32
      %dma_wait3A_106 = tpu.memref_slice %arg6[%mul3A_96, %dma_wait3A_105] : memref<41x128xi32, #tpu.memory_space<vmem>> -> memref<1x128xi32, #tpu.memory_space<vmem>>
      %dma_wait3A_107 = tpu.memref_squeeze %dma_wait3A_106 : memref<1x128xi32, #tpu.memory_space<vmem>> -> memref<128xi32, #tpu.memory_space<vmem>>
      %dma_wait3A_108 = arith.constant 0 : i32
      %dma_wait3A_109 = arith.constant 0 : i32
      %dma_wait3A_110 = tpu.memref_slice %arg2[%dma_wait3A_108, %dma_wait3A_109] : memref<10240x128xf32, #tpu.memory_space<hbm>> -> memref<10240x128xf32, #tpu.memory_space<hbm>>
      tpu.wait_indirect_dma semaphore(%arg10 : memref<!tpu.dma_semaphore, #tpu.memory_space<semaphore_mem>>) src(%dma_wait3A_110 : memref<10240x128xf32, #tpu.memory_space<hbm>>) dst(%arg8 : memref<128x128xf32, #tpu.memory_space<vmem>>)
      "tpu.region"() ({
        %run_scoped3A = tpu.sem_alloc : memref<!tpu.dma_semaphore, #tpu.memory_space<semaphore_mem>>
        %dma_start3A_129 = arith.constant 0 : i32
        %dma_start3A_130 = tpu.memref_slice %arg7[%mul3A_96, %dma_start3A_129] : memref<40x128xi32, #tpu.memory_space<vmem>> -> memref<1x128xi32, #tpu.memory_space<vmem>>
        %dma_start3A_131 = tpu.memref_squeeze %dma_start3A_130 : memref<1x128xi32, #tpu.memory_space<vmem>> -> memref<128xi32, #tpu.memory_space<vmem>>
        %dma_start3A_132 = arith.constant 0 : i32
        %dma_start3A_133 = arith.constant 0 : i32
        %dma_start3A_134 = tpu.memref_slice %arg12[%dma_start3A_132, %dma_start3A_133] : memref<10240x128xf32, #tpu.memory_space<vmem_shared>> -> memref<10240x128xf32, #tpu.memory_space<vmem_shared>>
        tpu.enqueue_indirect_dma source(%arg8 : memref<128x128xf32, #tpu.memory_space<vmem>>) target(%dma_start3A_134 : memref<10240x128xf32, #tpu.memory_space<vmem_shared>>) offsets(%dma_start3A_131 : memref<128xi32, #tpu.memory_space<vmem>>) semaphore(%run_scoped3A : memref<!tpu.dma_semaphore, #tpu.memory_space<semaphore_mem>>) {add = true}
        %dma_wait3A_135 = arith.constant 0 : i32
        %dma_wait3A_136 = tpu.memref_slice %arg7[%mul3A_96, %dma_wait3A_135] : memref<40x128xi32, #tpu.memory_space<vmem>> -> memref<1x128xi32, #tpu.memory_space<vmem>>
        %dma_wait3A_137 = tpu.memref_squeeze %dma_wait3A_136 : memref<1x128xi32, #tpu.memory_space<vmem>> -> memref<128xi32, #tpu.memory_space<vmem>>
        %dma_wait3A_138 = arith.constant 0 : i32
        %dma_wait3A_139 = arith.constant 0 : i32
        %dma_wait3A_140 = tpu.memref_slice %arg12[%dma_wait3A_138, %dma_wait3A_139] : memref<10240x128xf32, #tpu.memory_space<vmem_shared>> -> memref<10240x128xf32, #tpu.memory_space<vmem_shared>>
        tpu.wait_indirect_dma semaphore(%run_scoped3A : memref<!tpu.dma_semaphore, #tpu.memory_space<semaphore_mem>>) src(%arg8 : memref<128x128xf32, #tpu.memory_space<vmem>>) dst(%dma_wait3A_140 : memref<10240x128xf32, #tpu.memory_space<vmem_shared>>)
        tpu.yield
      }) : () -> ()
      %add3A_111 = arith.constant 2 : i32
      %add3A_112 = arith.addi %mul3A_96, %add3A_111 : i32
      %dma_start3A_113 = arith.constant 0 : i32
      %dma_start3A_114 = tpu.memref_slice %arg6[%add3A_112, %dma_start3A_113] : memref<41x128xi32, #tpu.memory_space<vmem>> -> memref<1x128xi32, #tpu.memory_space<vmem>>
      %dma_start3A_115 = tpu.memref_squeeze %dma_start3A_114 : memref<1x128xi32, #tpu.memory_space<vmem>> -> memref<128xi32, #tpu.memory_space<vmem>>
      %dma_start3A_116 = arith.constant 0 : i32
      %dma_start3A_117 = arith.constant 0 : i32
      %dma_start3A_118 = tpu.memref_slice %arg2[%dma_start3A_116, %dma_start3A_117] : memref<10240x128xf32, #tpu.memory_space<hbm>> -> memref<10240x128xf32, #tpu.memory_space<hbm>>
      tpu.enqueue_indirect_dma source(%dma_start3A_118 : memref<10240x128xf32, #tpu.memory_space<hbm>>) target(%arg8 : memref<128x128xf32, #tpu.memory_space<vmem>>) offsets(%dma_start3A_115 : memref<128xi32, #tpu.memory_space<vmem>>) semaphore(%arg10 : memref<!tpu.dma_semaphore, #tpu.memory_space<semaphore_mem>>)
      %add3A_119 = arith.constant 1 : i32
      %add3A_120 = arith.addi %mul3A_96, %add3A_119 : i32
      %dma_wait3A_121 = arith.constant 0 : i32
      %dma_wait3A_122 = tpu.memref_slice %arg6[%add3A_120, %dma_wait3A_121] : memref<41x128xi32, #tpu.memory_space<vmem>> -> memref<1x128xi32, #tpu.memory_space<vmem>>
      %dma_wait3A_123 = tpu.memref_squeeze %dma_wait3A_122 : memref<1x128xi32, #tpu.memory_space<vmem>> -> memref<128xi32, #tpu.memory_space<vmem>>
      %dma_wait3A_124 = arith.constant 0 : i32
      %dma_wait3A_125 = arith.constant 0 : i32
      %dma_wait3A_126 = tpu.memref_slice %arg2[%dma_wait3A_124, %dma_wait3A_125] : memref<10240x128xf32, #tpu.memory_space<hbm>> -> memref<10240x128xf32, #tpu.memory_space<hbm>>
      tpu.wait_indirect_dma semaphore(%arg11 : memref<!tpu.dma_semaphore, #tpu.memory_space<semaphore_mem>>) src(%dma_wait3A_126 : memref<10240x128xf32, #tpu.memory_space<hbm>>) dst(%arg9 : memref<128x128xf32, #tpu.memory_space<vmem>>)
      %add3A_127 = arith.constant 1 : i32
      %add3A_128 = arith.addi %mul3A_96, %add3A_127 : i32
      "tpu.region"() ({
        %run_scoped3A = tpu.sem_alloc : memref<!tpu.dma_semaphore, #tpu.memory_space<semaphore_mem>>
        %dma_start3A_129 = arith.constant 0 : i32
        %dma_start3A_130 = tpu.memref_slice %arg7[%add3A_128, %dma_start3A_129] : memref<40x128xi32, #tpu.memory_space<vmem>> -> memref<1x128xi32, #tpu.memory_space<vmem>>
        %dma_start3A_131 = tpu.memref_squeeze %dma_start3A_130 : memref<1x128xi32, #tpu.memory_space<vmem>> -> memref<128xi32, #tpu.memory_space<vmem>>
        %dma_start3A_132 = arith.constant 0 : i32
        %dma_start3A_133 = arith.constant 0 : i32
        %dma_start3A_134 = tpu.memref_slice %arg12[%dma_start3A_132, %dma_start3A_133] : memref<10240x128xf32, #tpu.memory_space<vmem_shared>> -> memref<10240x128xf32, #tpu.memory_space<vmem_shared>>
        tpu.enqueue_indirect_dma source(%arg9 : memref<128x128xf32, #tpu.memory_space<vmem>>) target(%dma_start3A_134 : memref<10240x128xf32, #tpu.memory_space<vmem_shared>>) offsets(%dma_start3A_131 : memref<128xi32, #tpu.memory_space<vmem>>) semaphore(%run_scoped3A : memref<!tpu.dma_semaphore, #tpu.memory_space<semaphore_mem>>) {add = true}
        %dma_wait3A_135 = arith.constant 0 : i32
        %dma_wait3A_136 = tpu.memref_slice %arg7[%add3A_128, %dma_wait3A_135] : memref<40x128xi32, #tpu.memory_space<vmem>> -> memref<1x128xi32, #tpu.memory_space<vmem>>
        %dma_wait3A_137 = tpu.memref_squeeze %dma_wait3A_136 : memref<1x128xi32, #tpu.memory_space<vmem>> -> memref<128xi32, #tpu.memory_space<vmem>>
        %dma_wait3A_138 = arith.constant 0 : i32
        %dma_wait3A_139 = arith.constant 0 : i32
        %dma_wait3A_140 = tpu.memref_slice %arg12[%dma_wait3A_138, %dma_wait3A_139] : memref<10240x128xf32, #tpu.memory_space<vmem_shared>> -> memref<10240x128xf32, #tpu.memory_space<vmem_shared>>
        tpu.wait_indirect_dma semaphore(%run_scoped3A : memref<!tpu.dma_semaphore, #tpu.memory_space<semaphore_mem>>) src(%arg9 : memref<128x128xf32, #tpu.memory_space<vmem>>) dst(%dma_wait3A_140 : memref<10240x128xf32, #tpu.memory_space<vmem_shared>>)
        tpu.yield
      }) : () -> ()
    }
    %scan3A_79 = arith.constant 20 : i32
    %dma_wait3A = arith.constant 0 : i32
    %dma_wait3A_80 = arith.constant 0 : i32
    %dma_wait3A_81 = tpu.memref_slice %arg6[%dma_wait3A, %dma_wait3A_80] : memref<41x128xi32, #tpu.memory_space<vmem>> -> memref<1x128xi32, #tpu.memory_space<vmem>>
    %dma_wait3A_82 = tpu.memref_squeeze %dma_wait3A_81 : memref<1x128xi32, #tpu.memory_space<vmem>> -> memref<128xi32, #tpu.memory_space<vmem>>
    %dma_wait3A_83 = arith.constant 0 : i32
    %dma_wait3A_84 = arith.constant 0 : i32
    %dma_wait3A_85 = tpu.memref_slice %arg2[%dma_wait3A_83, %dma_wait3A_84] : memref<10240x128xf32, #tpu.memory_space<hbm>> -> memref<10240x128xf32, #tpu.memory_space<hbm>>
    tpu.wait_indirect_dma semaphore(%arg10 : memref<!tpu.dma_semaphore, #tpu.memory_space<semaphore_mem>>) src(%dma_wait3A_85 : memref<10240x128xf32, #tpu.memory_space<hbm>>) dst(%arg8 : memref<128x128xf32, #tpu.memory_space<vmem>>)
    %barrier3A_86 = arith.constant 0 : index
    tpu.barrier barrier_id(%barrier3A_86)
    %mul3A_87 = arith.constant 640 : i32
    %mul3A_88 = arith.muli %arg1, %mul3A_87 : i32
    %mul3A_89 = arith.constant 10240 : i32
    %mul3A_90 = arith.muli %arg0, %mul3A_89 : i32
    %mul3A_91 = arith.constant 640 : i32
    %mul3A_92 = arith.muli %arg1, %mul3A_91 : i32
    %add3A_93 = arith.addi %mul3A_90, %mul3A_92 : i32
    "tpu.region"() ({
      %run_scoped3A = tpu.sem_alloc : memref<!tpu.dma_semaphore, #tpu.memory_space<semaphore_mem>>
      %dma_start3A_94 = arith.constant 0 : i32
      %dma_start3A_95 = tpu.memref_slice %arg5[%add3A_93, %dma_start3A_94] : memref<20480x128xf32, #tpu.memory_space<hbm>> -> memref<640x128xf32, #tpu.memory_space<hbm>>
      %dma_start3A_96 = arith.constant 0 : i32
      %dma_start3A_97 = tpu.memref_slice %arg12[%mul3A_88, %dma_start3A_96] : memref<10240x128xf32, #tpu.memory_space<vmem_shared>> -> memref<640x128xf32, #tpu.memory_space<vmem_shared>>
      tpu.enqueue_dma source(%dma_start3A_97 : memref<640x128xf32, #tpu.memory_space<vmem_shared>>) target(%dma_start3A_95 : memref<640x128xf32, #tpu.memory_space<hbm>>) target_semaphore(%run_scoped3A : memref<!tpu.dma_semaphore, #tpu.memory_space<semaphore_mem>>)
      %dma_wait3A_98 = arith.constant 0 : i32
      %dma_wait3A_99 = tpu.memref_slice %arg5[%add3A_93, %dma_wait3A_98] : memref<20480x128xf32, #tpu.memory_space<hbm>> -> memref<640x128xf32, #tpu.memory_space<hbm>>
      %dma_wait3A_100 = arith.constant 0 : i32
      %dma_wait3A_101 = tpu.memref_slice %arg12[%mul3A_88, %dma_wait3A_100] : memref<10240x128xf32, #tpu.memory_space<vmem_shared>> -> memref<640x128xf32, #tpu.memory_space<vmem_shared>>
      tpu.wait_dma2 semaphore(%run_scoped3A : memref<!tpu.dma_semaphore, #tpu.memory_space<semaphore_mem>>) src(%dma_wait3A_101 : memref<640x128xf32, #tpu.memory_space<vmem_shared>>) dst(%dma_wait3A_99 : memref<640x128xf32, #tpu.memory_space<hbm>>)
      tpu.yield
    }) : () -> ()
    return
  }
}

#map = affine_map<(d0, d1) -> (0, 0, 0)>
#map1 = affine_map<(d0, d1) -> (0, 0)>
module attributes {stable_mosaic.version = 14 : i64} {
  func.func @deg_kernel(%arg0: i32, %arg1: i32, %arg2: memref<32x40x128xi32, #tpu.memory_space<hbm>>, %arg3: memref<20480x128xf32, #tpu.memory_space<hbm>>, %arg4: memref<40x128xi32, #tpu.memory_space<vmem>>, %arg5: memref<128x128xf32, #tpu.memory_space<vmem>>, %arg6: memref<128x128xf32, #tpu.memory_space<vmem>>, %arg7: memref<10240x128xf32, #tpu.memory_space<vmem_shared>>) attributes {dimension_semantics = [#tpu.dimension_semantics<core_parallel>, #tpu.dimension_semantics<subcore_parallel>], iteration_bounds = array<i64: 2, 16>, scalar_prefetch = 0 : i64, scratch_operands = 4 : i64, tpu.core_type = #tpu.core_type<sc_vector_subcore>, window_params = [{transform_indices = #map}, {transform_indices = #map1}]} {
    %mul3A = arith.constant 2 : i32
    %mul3A_0 = arith.muli %arg1, %mul3A : i32
    %add3A = arith.addi %mul3A_0, %arg0 : i32
    %broadcast_in_dim3A = arith.constant 1.000000e+00 : f32
    %broadcast_in_dim3A_1 = vector.broadcast %broadcast_in_dim3A : f32 to vector<16xf32>
    %scan3A = arith.constant 0 : i32
    %scan3A_2 = arith.constant 0 : i32
    %scan3A_3 = arith.constant 128 : i32
    %scan3A_4 = arith.addi %scan3A_2, %scan3A_3 : i32
    %scan3A_5 = arith.constant 1 : i32
    scf.for %scan3A_41 = %scan3A_2 to %scan3A_4 step %scan3A_5  : i32 {
      %swap3A = arith.index_cast %scan3A_41 : i32 to index
      %swap3A_42 = arith.constant 0 : index
      %swap3A_43 = tpu.vector_load %arg5[%swap3A, %swap3A_42] {strides = array<i32>} : memref<128x128xf32, #tpu.memory_space<vmem>>, vector<1x16xf32>,
      %swap3A_44 = vector.shape_cast %swap3A_43 : vector<1x16xf32> to vector<16xf32>
      %swap3A_45 = vector.shape_cast %broadcast_in_dim3A_1 : vector<16xf32> to vector<1x16xf32>
      tpu.vector_store %arg5[%swap3A, %swap3A_42], %swap3A_45 {strides = array<i32>} : memref<128x128xf32, #tpu.memory_space<vmem>>, vector<1x16xf32>,
      %swap3A_46 = arith.index_cast %scan3A_41 : i32 to index
      %swap3A_47 = arith.constant 16 : index
      %swap3A_48 = tpu.vector_load %arg5[%swap3A_46, %swap3A_47] {strides = array<i32>} : memref<128x128xf32, #tpu.memory_space<vmem>>, vector<1x16xf32>,
      %swap3A_49 = vector.shape_cast %swap3A_48 : vector<1x16xf32> to vector<16xf32>
      %swap3A_50 = vector.shape_cast %broadcast_in_dim3A_1 : vector<16xf32> to vector<1x16xf32>
      tpu.vector_store %arg5[%swap3A_46, %swap3A_47], %swap3A_50 {strides = array<i32>} : memref<128x128xf32, #tpu.memory_space<vmem>>, vector<1x16xf32>,
      %swap3A_51 = arith.index_cast %scan3A_41 : i32 to index
      %swap3A_52 = arith.constant 32 : index
      %swap3A_53 = tpu.vector_load %arg5[%swap3A_51, %swap3A_52] {strides = array<i32>} : memref<128x128xf32, #tpu.memory_space<vmem>>, vector<1x16xf32>,
      %swap3A_54 = vector.shape_cast %swap3A_53 : vector<1x16xf32> to vector<16xf32>
      %swap3A_55 = vector.shape_cast %broadcast_in_dim3A_1 : vector<16xf32> to vector<1x16xf32>
      tpu.vector_store %arg5[%swap3A_51, %swap3A_52], %swap3A_55 {strides = array<i32>} : memref<128x128xf32, #tpu.memory_space<vmem>>, vector<1x16xf32>,
      %swap3A_56 = arith.index_cast %scan3A_41 : i32 to index
      %swap3A_57 = arith.constant 48 : index
      %swap3A_58 = tpu.vector_load %arg5[%swap3A_56, %swap3A_57] {strides = array<i32>} : memref<128x128xf32, #tpu.memory_space<vmem>>, vector<1x16xf32>,
      %swap3A_59 = vector.shape_cast %swap3A_58 : vector<1x16xf32> to vector<16xf32>
      %swap3A_60 = vector.shape_cast %broadcast_in_dim3A_1 : vector<16xf32> to vector<1x16xf32>
      tpu.vector_store %arg5[%swap3A_56, %swap3A_57], %swap3A_60 {strides = array<i32>} : memref<128x128xf32, #tpu.memory_space<vmem>>, vector<1x16xf32>,
      %swap3A_61 = arith.index_cast %scan3A_41 : i32 to index
      %swap3A_62 = arith.constant 64 : index
      %swap3A_63 = tpu.vector_load %arg5[%swap3A_61, %swap3A_62] {strides = array<i32>} : memref<128x128xf32, #tpu.memory_space<vmem>>, vector<1x16xf32>,
      %swap3A_64 = vector.shape_cast %swap3A_63 : vector<1x16xf32> to vector<16xf32>
      %swap3A_65 = vector.shape_cast %broadcast_in_dim3A_1 : vector<16xf32> to vector<1x16xf32>
      tpu.vector_store %arg5[%swap3A_61, %swap3A_62], %swap3A_65 {strides = array<i32>} : memref<128x128xf32, #tpu.memory_space<vmem>>, vector<1x16xf32>,
      %swap3A_66 = arith.index_cast %scan3A_41 : i32 to index
      %swap3A_67 = arith.constant 80 : index
      %swap3A_68 = tpu.vector_load %arg5[%swap3A_66, %swap3A_67] {strides = array<i32>} : memref<128x128xf32, #tpu.memory_space<vmem>>, vector<1x16xf32>,
      %swap3A_69 = vector.shape_cast %swap3A_68 : vector<1x16xf32> to vector<16xf32>
      %swap3A_70 = vector.shape_cast %broadcast_in_dim3A_1 : vector<16xf32> to vector<1x16xf32>
      tpu.vector_store %arg5[%swap3A_66, %swap3A_67], %swap3A_70 {strides = array<i32>} : memref<128x128xf32, #tpu.memory_space<vmem>>, vector<1x16xf32>,
      %swap3A_71 = arith.index_cast %scan3A_41 : i32 to index
      %swap3A_72 = arith.constant 96 : index
      %swap3A_73 = tpu.vector_load %arg5[%swap3A_71, %swap3A_72] {strides = array<i32>} : memref<128x128xf32, #tpu.memory_space<vmem>>, vector<1x16xf32>,
      %swap3A_74 = vector.shape_cast %swap3A_73 : vector<1x16xf32> to vector<16xf32>
      %swap3A_75 = vector.shape_cast %broadcast_in_dim3A_1 : vector<16xf32> to vector<1x16xf32>
      tpu.vector_store %arg5[%swap3A_71, %swap3A_72], %swap3A_75 {strides = array<i32>} : memref<128x128xf32, #tpu.memory_space<vmem>>, vector<1x16xf32>,
      %swap3A_76 = arith.index_cast %scan3A_41 : i32 to index
      %swap3A_77 = arith.constant 112 : index
      %swap3A_78 = tpu.vector_load %arg5[%swap3A_76, %swap3A_77] {strides = array<i32>} : memref<128x128xf32, #tpu.memory_space<vmem>>, vector<1x16xf32>,
      %swap3A_79 = vector.shape_cast %swap3A_78 : vector<1x16xf32> to vector<16xf32>
      %swap3A_80 = vector.shape_cast %broadcast_in_dim3A_1 : vector<16xf32> to vector<1x16xf32>
      tpu.vector_store %arg5[%swap3A_76, %swap3A_77], %swap3A_80 {strides = array<i32>} : memref<128x128xf32, #tpu.memory_space<vmem>>, vector<1x16xf32>,
    }
    %scan3A_6 = arith.constant 128 : i32
    %broadcast_in_dim3A_7 = arith.constant 0.000000e+00 : f32
    %broadcast_in_dim3A_8 = vector.broadcast %broadcast_in_dim3A_7 : f32 to vector<16xf32>
    %scan3A_9 = arith.constant 0 : i32
    %scan3A_10 = arith.constant 0 : i32
    %scan3A_11 = arith.constant 128 : i32
    %scan3A_12 = arith.addi %scan3A_10, %scan3A_11 : i32
    %scan3A_13 = arith.constant 1 : i32
    scf.for %scan3A_41 = %scan3A_10 to %scan3A_12 step %scan3A_13  : i32 {
      %swap3A = arith.index_cast %scan3A_41 : i32 to index
      %swap3A_42 = arith.constant 0 : index
      %swap3A_43 = tpu.vector_load %arg6[%swap3A, %swap3A_42] {strides = array<i32>} : memref<128x128xf32, #tpu.memory_space<vmem>>, vector<1x16xf32>,
      %swap3A_44 = vector.shape_cast %swap3A_43 : vector<1x16xf32> to vector<16xf32>
      %swap3A_45 = vector.shape_cast %broadcast_in_dim3A_8 : vector<16xf32> to vector<1x16xf32>
      tpu.vector_store %arg6[%swap3A, %swap3A_42], %swap3A_45 {strides = array<i32>} : memref<128x128xf32, #tpu.memory_space<vmem>>, vector<1x16xf32>,
      %swap3A_46 = arith.index_cast %scan3A_41 : i32 to index
      %swap3A_47 = arith.constant 16 : index
      %swap3A_48 = tpu.vector_load %arg6[%swap3A_46, %swap3A_47] {strides = array<i32>} : memref<128x128xf32, #tpu.memory_space<vmem>>, vector<1x16xf32>,
      %swap3A_49 = vector.shape_cast %swap3A_48 : vector<1x16xf32> to vector<16xf32>
      %swap3A_50 = vector.shape_cast %broadcast_in_dim3A_8 : vector<16xf32> to vector<1x16xf32>
      tpu.vector_store %arg6[%swap3A_46, %swap3A_47], %swap3A_50 {strides = array<i32>} : memref<128x128xf32, #tpu.memory_space<vmem>>, vector<1x16xf32>,
      %swap3A_51 = arith.index_cast %scan3A_41 : i32 to index
      %swap3A_52 = arith.constant 32 : index
      %swap3A_53 = tpu.vector_load %arg6[%swap3A_51, %swap3A_52] {strides = array<i32>} : memref<128x128xf32, #tpu.memory_space<vmem>>, vector<1x16xf32>,
      %swap3A_54 = vector.shape_cast %swap3A_53 : vector<1x16xf32> to vector<16xf32>
      %swap3A_55 = vector.shape_cast %broadcast_in_dim3A_8 : vector<16xf32> to vector<1x16xf32>
      tpu.vector_store %arg6[%swap3A_51, %swap3A_52], %swap3A_55 {strides = array<i32>} : memref<128x128xf32, #tpu.memory_space<vmem>>, vector<1x16xf32>,
      %swap3A_56 = arith.index_cast %scan3A_41 : i32 to index
      %swap3A_57 = arith.constant 48 : index
      %swap3A_58 = tpu.vector_load %arg6[%swap3A_56, %swap3A_57] {strides = array<i32>} : memref<128x128xf32, #tpu.memory_space<vmem>>, vector<1x16xf32>,
      %swap3A_59 = vector.shape_cast %swap3A_58 : vector<1x16xf32> to vector<16xf32>
      %swap3A_60 = vector.shape_cast %broadcast_in_dim3A_8 : vector<16xf32> to vector<1x16xf32>
      tpu.vector_store %arg6[%swap3A_56, %swap3A_57], %swap3A_60 {strides = array<i32>} : memref<128x128xf32, #tpu.memory_space<vmem>>, vector<1x16xf32>,
      %swap3A_61 = arith.index_cast %scan3A_41 : i32 to index
      %swap3A_62 = arith.constant 64 : index
      %swap3A_63 = tpu.vector_load %arg6[%swap3A_61, %swap3A_62] {strides = array<i32>} : memref<128x128xf32, #tpu.memory_space<vmem>>, vector<1x16xf32>,
      %swap3A_64 = vector.shape_cast %swap3A_63 : vector<1x16xf32> to vector<16xf32>
      %swap3A_65 = vector.shape_cast %broadcast_in_dim3A_8 : vector<16xf32> to vector<1x16xf32>
      tpu.vector_store %arg6[%swap3A_61, %swap3A_62], %swap3A_65 {strides = array<i32>} : memref<128x128xf32, #tpu.memory_space<vmem>>, vector<1x16xf32>,
      %swap3A_66 = arith.index_cast %scan3A_41 : i32 to index
      %swap3A_67 = arith.constant 80 : index
      %swap3A_68 = tpu.vector_load %arg6[%swap3A_66, %swap3A_67] {strides = array<i32>} : memref<128x128xf32, #tpu.memory_space<vmem>>, vector<1x16xf32>,
      %swap3A_69 = vector.shape_cast %swap3A_68 : vector<1x16xf32> to vector<16xf32>
      %swap3A_70 = vector.shape_cast %broadcast_in_dim3A_8 : vector<16xf32> to vector<1x16xf32>
      tpu.vector_store %arg6[%swap3A_66, %swap3A_67], %swap3A_70 {strides = array<i32>} : memref<128x128xf32, #tpu.memory_space<vmem>>, vector<1x16xf32>,
      %swap3A_71 = arith.index_cast %scan3A_41 : i32 to index
      %swap3A_72 = arith.constant 96 : index
      %swap3A_73 = tpu.vector_load %arg6[%swap3A_71, %swap3A_72] {strides = array<i32>} : memref<128x128xf32, #tpu.memory_space<vmem>>, vector<1x16xf32>,
      %swap3A_74 = vector.shape_cast %swap3A_73 : vector<1x16xf32> to vector<16xf32>
      %swap3A_75 = vector.shape_cast %broadcast_in_dim3A_8 : vector<16xf32> to vector<1x16xf32>
      tpu.vector_store %arg6[%swap3A_71, %swap3A_72], %swap3A_75 {strides = array<i32>} : memref<128x128xf32, #tpu.memory_space<vmem>>, vector<1x16xf32>,
      %swap3A_76 = arith.index_cast %scan3A_41 : i32 to index
      %swap3A_77 = arith.constant 112 : index
      %swap3A_78 = tpu.vector_load %arg6[%swap3A_76, %swap3A_77] {strides = array<i32>} : memref<128x128xf32, #tpu.memory_space<vmem>>, vector<1x16xf32>,
      %swap3A_79 = vector.shape_cast %swap3A_78 : vector<1x16xf32> to vector<16xf32>
      %swap3A_80 = vector.shape_cast %broadcast_in_dim3A_8 : vector<16xf32> to vector<1x16xf32>
      tpu.vector_store %arg6[%swap3A_76, %swap3A_77], %swap3A_80 {strides = array<i32>} : memref<128x128xf32, #tpu.memory_space<vmem>>, vector<1x16xf32>,
    }
    %scan3A_14 = arith.constant 128 : i32
    %mul3A_15 = arith.constant 640 : i32
    %mul3A_16 = arith.muli %arg1, %mul3A_15 : i32
    %add3A_17 = arith.constant 0 : i32
    %add3A_18 = arith.addi %mul3A_16, %add3A_17 : i32
    "tpu.region"() ({
      %run_scoped3A = tpu.sem_alloc : memref<!tpu.dma_semaphore, #tpu.memory_space<semaphore_mem>>
      %dma_start3A = arith.constant 0 : i32
      %dma_start3A_41 = tpu.memref_slice %arg7[%add3A_18, %dma_start3A] : memref<10240x128xf32, #tpu.memory_space<vmem_shared>> -> memref<128x128xf32, #tpu.memory_space<vmem_shared>>
      %dma_start3A_42 = arith.constant 0 : i32
      %dma_start3A_43 = tpu.memref_slice %arg7[%add3A_18, %dma_start3A_42] : memref<10240x128xf32, #tpu.memory_space<vmem_shared>> -> memref<128x128xf32, #tpu.memory_space<vmem_shared>>
      tpu.enqueue_dma source(%arg6 : memref<128x128xf32, #tpu.memory_space<vmem>>) target(%dma_start3A_43 : memref<128x128xf32, #tpu.memory_space<vmem_shared>>) target_semaphore(%run_scoped3A : memref<!tpu.dma_semaphore, #tpu.memory_space<semaphore_mem>>)
      %dma_wait3A = arith.constant 0 : i32
      %dma_wait3A_44 = tpu.memref_slice %arg7[%add3A_18, %dma_wait3A] : memref<10240x128xf32, #tpu.memory_space<vmem_shared>> -> memref<128x128xf32, #tpu.memory_space<vmem_shared>>
      %dma_wait3A_45 = arith.constant 0 : i32
      %dma_wait3A_46 = tpu.memref_slice %arg7[%add3A_18, %dma_wait3A_45] : memref<10240x128xf32, #tpu.memory_space<vmem_shared>> -> memref<128x128xf32, #tpu.memory_space<vmem_shared>>
      tpu.wait_dma2 semaphore(%run_scoped3A : memref<!tpu.dma_semaphore, #tpu.memory_space<semaphore_mem>>) src(%arg6 : memref<128x128xf32, #tpu.memory_space<vmem>>) dst(%dma_wait3A_46 : memref<128x128xf32, #tpu.memory_space<vmem_shared>>)
      tpu.yield
    }) : () -> ()
    %add3A_19 = arith.constant 128 : i32
    %add3A_20 = arith.addi %mul3A_16, %add3A_19 : i32
    "tpu.region"() ({
      %run_scoped3A = tpu.sem_alloc : memref<!tpu.dma_semaphore, #tpu.memory_space<semaphore_mem>>
      %dma_start3A = arith.constant 0 : i32
      %dma_start3A_41 = tpu.memref_slice %arg7[%add3A_20, %dma_start3A] : memref<10240x128xf32, #tpu.memory_space<vmem_shared>> -> memref<128x128xf32, #tpu.memory_space<vmem_shared>>
      %dma_start3A_42 = arith.constant 0 : i32
      %dma_start3A_43 = tpu.memref_slice %arg7[%add3A_20, %dma_start3A_42] : memref<10240x128xf32, #tpu.memory_space<vmem_shared>> -> memref<128x128xf32, #tpu.memory_space<vmem_shared>>
      tpu.enqueue_dma source(%arg6 : memref<128x128xf32, #tpu.memory_space<vmem>>) target(%dma_start3A_43 : memref<128x128xf32, #tpu.memory_space<vmem_shared>>) target_semaphore(%run_scoped3A : memref<!tpu.dma_semaphore, #tpu.memory_space<semaphore_mem>>)
      %dma_wait3A = arith.constant 0 : i32
      %dma_wait3A_44 = tpu.memref_slice %arg7[%add3A_20, %dma_wait3A] : memref<10240x128xf32, #tpu.memory_space<vmem_shared>> -> memref<128x128xf32, #tpu.memory_space<vmem_shared>>
      %dma_wait3A_45 = arith.constant 0 : i32
      %dma_wait3A_46 = tpu.memref_slice %arg7[%add3A_20, %dma_wait3A_45] : memref<10240x128xf32, #tpu.memory_space<vmem_shared>> -> memref<128x128xf32, #tpu.memory_space<vmem_shared>>
      tpu.wait_dma2 semaphore(%run_scoped3A : memref<!tpu.dma_semaphore, #tpu.memory_space<semaphore_mem>>) src(%arg6 : memref<128x128xf32, #tpu.memory_space<vmem>>) dst(%dma_wait3A_46 : memref<128x128xf32, #tpu.memory_space<vmem_shared>>)
      tpu.yield
    }) : () -> ()
    %add3A_21 = arith.constant 256 : i32
    %add3A_22 = arith.addi %mul3A_16, %add3A_21 : i32
    "tpu.region"() ({
      %run_scoped3A = tpu.sem_alloc : memref<!tpu.dma_semaphore, #tpu.memory_space<semaphore_mem>>
      %dma_start3A = arith.constant 0 : i32
      %dma_start3A_41 = tpu.memref_slice %arg7[%add3A_22, %dma_start3A] : memref<10240x128xf32, #tpu.memory_space<vmem_shared>> -> memref<128x128xf32, #tpu.memory_space<vmem_shared>>
      %dma_start3A_42 = arith.constant 0 : i32
      %dma_start3A_43 = tpu.memref_slice %arg7[%add3A_22, %dma_start3A_42] : memref<10240x128xf32, #tpu.memory_space<vmem_shared>> -> memref<128x128xf32, #tpu.memory_space<vmem_shared>>
      tpu.enqueue_dma source(%arg6 : memref<128x128xf32, #tpu.memory_space<vmem>>) target(%dma_start3A_43 : memref<128x128xf32, #tpu.memory_space<vmem_shared>>) target_semaphore(%run_scoped3A : memref<!tpu.dma_semaphore, #tpu.memory_space<semaphore_mem>>)
      %dma_wait3A = arith.constant 0 : i32
      %dma_wait3A_44 = tpu.memref_slice %arg7[%add3A_22, %dma_wait3A] : memref<10240x128xf32, #tpu.memory_space<vmem_shared>> -> memref<128x128xf32, #tpu.memory_space<vmem_shared>>
      %dma_wait3A_45 = arith.constant 0 : i32
      %dma_wait3A_46 = tpu.memref_slice %arg7[%add3A_22, %dma_wait3A_45] : memref<10240x128xf32, #tpu.memory_space<vmem_shared>> -> memref<128x128xf32, #tpu.memory_space<vmem_shared>>
      tpu.wait_dma2 semaphore(%run_scoped3A : memref<!tpu.dma_semaphore, #tpu.memory_space<semaphore_mem>>) src(%arg6 : memref<128x128xf32, #tpu.memory_space<vmem>>) dst(%dma_wait3A_46 : memref<128x128xf32, #tpu.memory_space<vmem_shared>>)
      tpu.yield
    }) : () -> ()
    %add3A_23 = arith.constant 384 : i32
    %add3A_24 = arith.addi %mul3A_16, %add3A_23 : i32
    "tpu.region"() ({
      %run_scoped3A = tpu.sem_alloc : memref<!tpu.dma_semaphore, #tpu.memory_space<semaphore_mem>>
      %dma_start3A = arith.constant 0 : i32
      %dma_start3A_41 = tpu.memref_slice %arg7[%add3A_24, %dma_start3A] : memref<10240x128xf32, #tpu.memory_space<vmem_shared>> -> memref<128x128xf32, #tpu.memory_space<vmem_shared>>
      %dma_start3A_42 = arith.constant 0 : i32
      %dma_start3A_43 = tpu.memref_slice %arg7[%add3A_24, %dma_start3A_42] : memref<10240x128xf32, #tpu.memory_space<vmem_shared>> -> memref<128x128xf32, #tpu.memory_space<vmem_shared>>
      tpu.enqueue_dma source(%arg6 : memref<128x128xf32, #tpu.memory_space<vmem>>) target(%dma_start3A_43 : memref<128x128xf32, #tpu.memory_space<vmem_shared>>) target_semaphore(%run_scoped3A : memref<!tpu.dma_semaphore, #tpu.memory_space<semaphore_mem>>)
      %dma_wait3A = arith.constant 0 : i32
      %dma_wait3A_44 = tpu.memref_slice %arg7[%add3A_24, %dma_wait3A] : memref<10240x128xf32, #tpu.memory_space<vmem_shared>> -> memref<128x128xf32, #tpu.memory_space<vmem_shared>>
      %dma_wait3A_45 = arith.constant 0 : i32
      %dma_wait3A_46 = tpu.memref_slice %arg7[%add3A_24, %dma_wait3A_45] : memref<10240x128xf32, #tpu.memory_space<vmem_shared>> -> memref<128x128xf32, #tpu.memory_space<vmem_shared>>
      tpu.wait_dma2 semaphore(%run_scoped3A : memref<!tpu.dma_semaphore, #tpu.memory_space<semaphore_mem>>) src(%arg6 : memref<128x128xf32, #tpu.memory_space<vmem>>) dst(%dma_wait3A_46 : memref<128x128xf32, #tpu.memory_space<vmem_shared>>)
      tpu.yield
    }) : () -> ()
    %add3A_25 = arith.constant 512 : i32
    %add3A_26 = arith.addi %mul3A_16, %add3A_25 : i32
    "tpu.region"() ({
      %run_scoped3A = tpu.sem_alloc : memref<!tpu.dma_semaphore, #tpu.memory_space<semaphore_mem>>
      %dma_start3A = arith.constant 0 : i32
      %dma_start3A_41 = tpu.memref_slice %arg7[%add3A_26, %dma_start3A] : memref<10240x128xf32, #tpu.memory_space<vmem_shared>> -> memref<128x128xf32, #tpu.memory_space<vmem_shared>>
      %dma_start3A_42 = arith.constant 0 : i32
      %dma_start3A_43 = tpu.memref_slice %arg7[%add3A_26, %dma_start3A_42] : memref<10240x128xf32, #tpu.memory_space<vmem_shared>> -> memref<128x128xf32, #tpu.memory_space<vmem_shared>>
      tpu.enqueue_dma source(%arg6 : memref<128x128xf32, #tpu.memory_space<vmem>>) target(%dma_start3A_43 : memref<128x128xf32, #tpu.memory_space<vmem_shared>>) target_semaphore(%run_scoped3A : memref<!tpu.dma_semaphore, #tpu.memory_space<semaphore_mem>>)
      %dma_wait3A = arith.constant 0 : i32
      %dma_wait3A_44 = tpu.memref_slice %arg7[%add3A_26, %dma_wait3A] : memref<10240x128xf32, #tpu.memory_space<vmem_shared>> -> memref<128x128xf32, #tpu.memory_space<vmem_shared>>
      %dma_wait3A_45 = arith.constant 0 : i32
      %dma_wait3A_46 = tpu.memref_slice %arg7[%add3A_26, %dma_wait3A_45] : memref<10240x128xf32, #tpu.memory_space<vmem_shared>> -> memref<128x128xf32, #tpu.memory_space<vmem_shared>>
      tpu.wait_dma2 semaphore(%run_scoped3A : memref<!tpu.dma_semaphore, #tpu.memory_space<semaphore_mem>>) src(%arg6 : memref<128x128xf32, #tpu.memory_space<vmem>>) dst(%dma_wait3A_46 : memref<128x128xf32, #tpu.memory_space<vmem_shared>>)
      tpu.yield
    }) : () -> ()
    %barrier3A = arith.constant 0 : index
    tpu.barrier barrier_id(%barrier3A)
    "tpu.region"() ({
      %run_scoped3A = tpu.sem_alloc : memref<!tpu.dma_semaphore, #tpu.memory_space<semaphore_mem>>
      %dma_start3A = arith.constant 0 : i32
      %dma_start3A_41 = arith.constant 0 : i32
      %dma_start3A_42 = tpu.memref_slice %arg2[%add3A, %dma_start3A, %dma_start3A_41] : memref<32x40x128xi32, #tpu.memory_space<hbm>> -> memref<1x40x128xi32, #tpu.memory_space<hbm>>
      %dma_start3A_43 = tpu.memref_squeeze %dma_start3A_42 : memref<1x40x128xi32, #tpu.memory_space<hbm>> -> memref<40x128xi32, #tpu.memory_space<hbm>>
      %dma_start3A_44 = arith.constant 0 : i32
      %dma_start3A_45 = arith.constant 0 : i32
      %dma_start3A_46 = tpu.memref_slice %arg2[%add3A, %dma_start3A_44, %dma_start3A_45] : memref<32x40x128xi32, #tpu.memory_space<hbm>> -> memref<1x40x128xi32, #tpu.memory_space<hbm>>
      %dma_start3A_47 = tpu.memref_squeeze %dma_start3A_46 : memref<1x40x128xi32, #tpu.memory_space<hbm>> -> memref<40x128xi32, #tpu.memory_space<hbm>>
      tpu.enqueue_dma source(%dma_start3A_47 : memref<40x128xi32, #tpu.memory_space<hbm>>) target(%arg4 : memref<40x128xi32, #tpu.memory_space<vmem>>) target_semaphore(%run_scoped3A : memref<!tpu.dma_semaphore, #tpu.memory_space<semaphore_mem>>)
      %dma_wait3A = arith.constant 0 : i32
      %dma_wait3A_48 = arith.constant 0 : i32
      %dma_wait3A_49 = tpu.memref_slice %arg2[%add3A, %dma_wait3A, %dma_wait3A_48] : memref<32x40x128xi32, #tpu.memory_space<hbm>> -> memref<1x40x128xi32, #tpu.memory_space<hbm>>
      %dma_wait3A_50 = tpu.memref_squeeze %dma_wait3A_49 : memref<1x40x128xi32, #tpu.memory_space<hbm>> -> memref<40x128xi32, #tpu.memory_space<hbm>>
      %dma_wait3A_51 = arith.constant 0 : i32
      %dma_wait3A_52 = arith.constant 0 : i32
      %dma_wait3A_53 = tpu.memref_slice %arg2[%add3A, %dma_wait3A_51, %dma_wait3A_52] : memref<32x40x128xi32, #tpu.memory_space<hbm>> -> memref<1x40x128xi32, #tpu.memory_space<hbm>>
      %dma_wait3A_54 = tpu.memref_squeeze %dma_wait3A_53 : memref<1x40x128xi32, #tpu.memory_space<hbm>> -> memref<40x128xi32, #tpu.memory_space<hbm>>
      tpu.wait_dma2 semaphore(%run_scoped3A : memref<!tpu.dma_semaphore, #tpu.memory_space<semaphore_mem>>) src(%dma_wait3A_54 : memref<40x128xi32, #tpu.memory_space<hbm>>) dst(%arg4 : memref<40x128xi32, #tpu.memory_space<vmem>>)
      tpu.yield
    }) : () -> ()
    %scan3A_27 = arith.constant 0 : i32
    %scan3A_28 = arith.constant 0 : i32
    %scan3A_29 = arith.constant 40 : i32
    %scan3A_30 = arith.addi %scan3A_28, %scan3A_29 : i32
    %scan3A_31 = arith.constant 1 : i32
    scf.for %scan3A_41 = %scan3A_28 to %scan3A_30 step %scan3A_31  : i32 {
      "tpu.region"() ({
        %run_scoped3A = tpu.sem_alloc : memref<!tpu.dma_semaphore, #tpu.memory_space<semaphore_mem>>
        %dma_start3A = arith.constant 0 : i32
        %dma_start3A_42 = tpu.memref_slice %arg4[%scan3A_41, %dma_start3A] : memref<40x128xi32, #tpu.memory_space<vmem>> -> memref<1x128xi32, #tpu.memory_space<vmem>>
        %dma_start3A_43 = tpu.memref_squeeze %dma_start3A_42 : memref<1x128xi32, #tpu.memory_space<vmem>> -> memref<128xi32, #tpu.memory_space<vmem>>
        %dma_start3A_44 = arith.constant 0 : i32
        %dma_start3A_45 = arith.constant 0 : i32
        %dma_start3A_46 = tpu.memref_slice %arg7[%dma_start3A_44, %dma_start3A_45] : memref<10240x128xf32, #tpu.memory_space<vmem_shared>> -> memref<10240x128xf32, #tpu.memory_space<vmem_shared>>
        tpu.enqueue_indirect_dma source(%arg5 : memref<128x128xf32, #tpu.memory_space<vmem>>) target(%dma_start3A_46 : memref<10240x128xf32, #tpu.memory_space<vmem_shared>>) offsets(%dma_start3A_43 : memref<128xi32, #tpu.memory_space<vmem>>) semaphore(%run_scoped3A : memref<!tpu.dma_semaphore, #tpu.memory_space<semaphore_mem>>) {add = true}
        %dma_wait3A = arith.constant 0 : i32
        %dma_wait3A_47 = tpu.memref_slice %arg4[%scan3A_41, %dma_wait3A] : memref<40x128xi32, #tpu.memory_space<vmem>> -> memref<1x128xi32, #tpu.memory_space<vmem>>
        %dma_wait3A_48 = tpu.memref_squeeze %dma_wait3A_47 : memref<1x128xi32, #tpu.memory_space<vmem>> -> memref<128xi32, #tpu.memory_space<vmem>>
        %dma_wait3A_49 = arith.constant 0 : i32
        %dma_wait3A_50 = arith.constant 0 : i32
        %dma_wait3A_51 = tpu.memref_slice %arg7[%dma_wait3A_49, %dma_wait3A_50] : memref<10240x128xf32, #tpu.memory_space<vmem_shared>> -> memref<10240x128xf32, #tpu.memory_space<vmem_shared>>
        tpu.wait_indirect_dma semaphore(%run_scoped3A : memref<!tpu.dma_semaphore, #tpu.memory_space<semaphore_mem>>) src(%arg5 : memref<128x128xf32, #tpu.memory_space<vmem>>) dst(%dma_wait3A_51 : memref<10240x128xf32, #tpu.memory_space<vmem_shared>>)
        tpu.yield
      }) : () -> ()
    }
    %scan3A_32 = arith.constant 40 : i32
    %barrier3A_33 = arith.constant 0 : index
    tpu.barrier barrier_id(%barrier3A_33)
    %mul3A_34 = arith.constant 640 : i32
    %mul3A_35 = arith.muli %arg1, %mul3A_34 : i32
    %mul3A_36 = arith.constant 10240 : i32
    %mul3A_37 = arith.muli %arg0, %mul3A_36 : i32
    %mul3A_38 = arith.constant 640 : i32
    %mul3A_39 = arith.muli %arg1, %mul3A_38 : i32
    %add3A_40 = arith.addi %mul3A_37, %mul3A_39 : i32
    "tpu.region"() ({
      %run_scoped3A = tpu.sem_alloc : memref<!tpu.dma_semaphore, #tpu.memory_space<semaphore_mem>>
      %dma_start3A = arith.constant 0 : i32
      %dma_start3A_41 = tpu.memref_slice %arg3[%add3A_40, %dma_start3A] : memref<20480x128xf32, #tpu.memory_space<hbm>> -> memref<640x128xf32, #tpu.memory_space<hbm>>
      %dma_start3A_42 = arith.constant 0 : i32
      %dma_start3A_43 = tpu.memref_slice %arg7[%mul3A_35, %dma_start3A_42] : memref<10240x128xf32, #tpu.memory_space<vmem_shared>> -> memref<640x128xf32, #tpu.memory_space<vmem_shared>>
      tpu.enqueue_dma source(%dma_start3A_43 : memref<640x128xf32, #tpu.memory_space<vmem_shared>>) target(%dma_start3A_41 : memref<640x128xf32, #tpu.memory_space<hbm>>) target_semaphore(%run_scoped3A : memref<!tpu.dma_semaphore, #tpu.memory_space<semaphore_mem>>)
      %dma_wait3A = arith.constant 0 : i32
      %dma_wait3A_44 = tpu.memref_slice %arg3[%add3A_40, %dma_wait3A] : memref<20480x128xf32, #tpu.memory_space<hbm>> -> memref<640x128xf32, #tpu.memory_space<hbm>>
      %dma_wait3A_45 = arith.constant 0 : i32
      %dma_wait3A_46 = tpu.memref_slice %arg7[%mul3A_35, %dma_wait3A_45] : memref<10240x128xf32, #tpu.memory_space<vmem_shared>> -> memref<640x128xf32, #tpu.memory_space<vmem_shared>>
      tpu.wait_dma2 semaphore(%run_scoped3A : memref<!tpu.dma_semaphore, #tpu.memory_space<semaphore_mem>>) src(%dma_wait3A_46 : memref<640x128xf32, #tpu.memory_space<vmem_shared>>) dst(%dma_wait3A_44 : memref<640x128xf32, #tpu.memory_space<hbm>>)
      tpu.yield
    }) : () -> ()
    return
  }
}

#map = affine_map<(d0, d1) -> (0, 0)>
#map1 = affine_map<(d0, d1) -> (0, 0, 0)>
module attributes {stable_mosaic.version = 14 : i64} {
  func.func @msg1_kernel(%arg0: i32, %arg1: i32, %arg2: memref<20000x128xf32, #tpu.memory_space<hbm>>, %arg3: memref<16x80x128xi32, #tpu.memory_space<hbm>>, %arg4: memref<16x80x128xi32, #tpu.memory_space<hbm>>, %arg5: memref<20000x128xf32, #tpu.memory_space<hbm>>, %arg6: memref<81x128xi32, #tpu.memory_space<vmem>>, %arg7: memref<2x128xi32, #tpu.memory_space<vmem>>, %arg8: memref<128x128xf32, #tpu.memory_space<vmem>>, %arg9: memref<128x128xf32, #tpu.memory_space<vmem>>, %arg10: memref<!tpu.dma_semaphore, #tpu.memory_space<semaphore_mem>>, %arg11: memref<!tpu.dma_semaphore, #tpu.memory_space<semaphore_mem>>, %arg12: memref<!tpu.dma_semaphore, #tpu.memory_space<semaphore_mem>>, %arg13: memref<!tpu.dma_semaphore, #tpu.memory_space<semaphore_mem>>, %arg14: memref<10240x128xf32, #tpu.memory_space<vmem_shared>>) attributes {dimension_semantics = [#tpu.dimension_semantics<core_parallel>, #tpu.dimension_semantics<subcore_parallel>], iteration_bounds = array<i64: 2, 16>, scalar_prefetch = 0 : i64, scratch_operands = 9 : i64, tpu.core_type = #tpu.core_type<sc_vector_subcore>, window_params = [{transform_indices = #map}, {transform_indices = #map1}, {transform_indices = #map1}, {transform_indices = #map}]} {
    %broadcast_in_dim3A = arith.constant 0.000000e+00 : f32
    %broadcast_in_dim3A_0 = vector.broadcast %broadcast_in_dim3A : f32 to vector<16xf32>
    %scan3A = arith.constant 0 : i32
    %scan3A_1 = arith.constant 0 : i32
    %scan3A_2 = arith.constant 128 : i32
    %scan3A_3 = arith.addi %scan3A_1, %scan3A_2 : i32
    %scan3A_4 = arith.constant 1 : i32
    scf.for %scan3A_142 = %scan3A_1 to %scan3A_3 step %scan3A_4  : i32 {
      %swap3A_143 = arith.index_cast %scan3A_142 : i32 to index
      %swap3A_144 = arith.constant 0 : index
      %swap3A_145 = tpu.vector_load %arg8[%swap3A_143, %swap3A_144] {strides = array<i32>} : memref<128x128xf32, #tpu.memory_space<vmem>>, vector<1x16xf32>,
      %swap3A_146 = vector.shape_cast %swap3A_145 : vector<1x16xf32> to vector<16xf32>
      %swap3A_147 = vector.shape_cast %broadcast_in_dim3A_0 : vector<16xf32> to vector<1x16xf32>
      tpu.vector_store %arg8[%swap3A_143, %swap3A_144], %swap3A_147 {strides = array<i32>} : memref<128x128xf32, #tpu.memory_space<vmem>>, vector<1x16xf32>,
      %swap3A_148 = arith.index_cast %scan3A_142 : i32 to index
      %swap3A_149 = arith.constant 16 : index
      %swap3A_150 = tpu.vector_load %arg8[%swap3A_148, %swap3A_149] {strides = array<i32>} : memref<128x128xf32, #tpu.memory_space<vmem>>, vector<1x16xf32>,
      %swap3A_151 = vector.shape_cast %swap3A_150 : vector<1x16xf32> to vector<16xf32>
      %swap3A_152 = vector.shape_cast %broadcast_in_dim3A_0 : vector<16xf32> to vector<1x16xf32>
      tpu.vector_store %arg8[%swap3A_148, %swap3A_149], %swap3A_152 {strides = array<i32>} : memref<128x128xf32, #tpu.memory_space<vmem>>, vector<1x16xf32>,
      %swap3A_153 = arith.index_cast %scan3A_142 : i32 to index
      %swap3A_154 = arith.constant 32 : index
      %swap3A_155 = tpu.vector_load %arg8[%swap3A_153, %swap3A_154] {strides = array<i32>} : memref<128x128xf32, #tpu.memory_space<vmem>>, vector<1x16xf32>,
      %swap3A_156 = vector.shape_cast %swap3A_155 : vector<1x16xf32> to vector<16xf32>
      %swap3A_157 = vector.shape_cast %broadcast_in_dim3A_0 : vector<16xf32> to vector<1x16xf32>
      tpu.vector_store %arg8[%swap3A_153, %swap3A_154], %swap3A_157 {strides = array<i32>} : memref<128x128xf32, #tpu.memory_space<vmem>>, vector<1x16xf32>,
      %swap3A_158 = arith.index_cast %scan3A_142 : i32 to index
      %swap3A_159 = arith.constant 48 : index
      %swap3A_160 = tpu.vector_load %arg8[%swap3A_158, %swap3A_159] {strides = array<i32>} : memref<128x128xf32, #tpu.memory_space<vmem>>, vector<1x16xf32>,
      %swap3A_161 = vector.shape_cast %swap3A_160 : vector<1x16xf32> to vector<16xf32>
      %swap3A_162 = vector.shape_cast %broadcast_in_dim3A_0 : vector<16xf32> to vector<1x16xf32>
      tpu.vector_store %arg8[%swap3A_158, %swap3A_159], %swap3A_162 {strides = array<i32>} : memref<128x128xf32, #tpu.memory_space<vmem>>, vector<1x16xf32>,
      %swap3A_163 = arith.index_cast %scan3A_142 : i32 to index
      %swap3A_164 = arith.constant 64 : index
      %swap3A_165 = tpu.vector_load %arg8[%swap3A_163, %swap3A_164] {strides = array<i32>} : memref<128x128xf32, #tpu.memory_space<vmem>>, vector<1x16xf32>,
      %swap3A_166 = vector.shape_cast %swap3A_165 : vector<1x16xf32> to vector<16xf32>
      %swap3A_167 = vector.shape_cast %broadcast_in_dim3A_0 : vector<16xf32> to vector<1x16xf32>
      tpu.vector_store %arg8[%swap3A_163, %swap3A_164], %swap3A_167 {strides = array<i32>} : memref<128x128xf32, #tpu.memory_space<vmem>>, vector<1x16xf32>,
      %swap3A_168 = arith.index_cast %scan3A_142 : i32 to index
      %swap3A_169 = arith.constant 80 : index
      %swap3A_170 = tpu.vector_load %arg8[%swap3A_168, %swap3A_169] {strides = array<i32>} : memref<128x128xf32, #tpu.memory_space<vmem>>, vector<1x16xf32>,
      %swap3A_171 = vector.shape_cast %swap3A_170 : vector<1x16xf32> to vector<16xf32>
      %swap3A_172 = vector.shape_cast %broadcast_in_dim3A_0 : vector<16xf32> to vector<1x16xf32>
      tpu.vector_store %arg8[%swap3A_168, %swap3A_169], %swap3A_172 {strides = array<i32>} : memref<128x128xf32, #tpu.memory_space<vmem>>, vector<1x16xf32>,
      %swap3A_173 = arith.index_cast %scan3A_142 : i32 to index
      %swap3A_174 = arith.constant 96 : index
      %swap3A_175 = tpu.vector_load %arg8[%swap3A_173, %swap3A_174] {strides = array<i32>} : memref<128x128xf32, #tpu.memory_space<vmem>>, vector<1x16xf32>,
      %swap3A_176 = vector.shape_cast %swap3A_175 : vector<1x16xf32> to vector<16xf32>
      %swap3A_177 = vector.shape_cast %broadcast_in_dim3A_0 : vector<16xf32> to vector<1x16xf32>
      tpu.vector_store %arg8[%swap3A_173, %swap3A_174], %swap3A_177 {strides = array<i32>} : memref<128x128xf32, #tpu.memory_space<vmem>>, vector<1x16xf32>,
      %swap3A_178 = arith.index_cast %scan3A_142 : i32 to index
      %swap3A_179 = arith.constant 112 : index
      %swap3A_180 = tpu.vector_load %arg8[%swap3A_178, %swap3A_179] {strides = array<i32>} : memref<128x128xf32, #tpu.memory_space<vmem>>, vector<1x16xf32>,
      %swap3A_181 = vector.shape_cast %swap3A_180 : vector<1x16xf32> to vector<16xf32>
      %swap3A_182 = vector.shape_cast %broadcast_in_dim3A_0 : vector<16xf32> to vector<1x16xf32>
      tpu.vector_store %arg8[%swap3A_178, %swap3A_179], %swap3A_182 {strides = array<i32>} : memref<128x128xf32, #tpu.memory_space<vmem>>, vector<1x16xf32>,
    }
    %scan3A_5 = arith.constant 128 : i32
    %mul3A = arith.constant 640 : i32
    %mul3A_6 = arith.muli %arg1, %mul3A : i32
    %add3A = arith.constant 0 : i32
    %add3A_7 = arith.addi %mul3A_6, %add3A : i32
    "tpu.region"() ({
      %run_scoped3A = tpu.sem_alloc : memref<!tpu.dma_semaphore, #tpu.memory_space<semaphore_mem>>
      %dma_start3A_142 = arith.constant 0 : i32
      %dma_start3A_143 = tpu.memref_slice %arg14[%add3A_7, %dma_start3A_142] : memref<10240x128xf32, #tpu.memory_space<vmem_shared>> -> memref<128x128xf32, #tpu.memory_space<vmem_shared>>
      %dma_start3A_144 = arith.constant 0 : i32
      %dma_start3A_145 = tpu.memref_slice %arg14[%add3A_7, %dma_start3A_144] : memref<10240x128xf32, #tpu.memory_space<vmem_shared>> -> memref<128x128xf32, #tpu.memory_space<vmem_shared>>
      tpu.enqueue_dma source(%arg8 : memref<128x128xf32, #tpu.memory_space<vmem>>) target(%dma_start3A_145 : memref<128x128xf32, #tpu.memory_space<vmem_shared>>) target_semaphore(%run_scoped3A : memref<!tpu.dma_semaphore, #tpu.memory_space<semaphore_mem>>)
      %dma_wait3A_146 = arith.constant 0 : i32
      %dma_wait3A_147 = tpu.memref_slice %arg14[%add3A_7, %dma_wait3A_146] : memref<10240x128xf32, #tpu.memory_space<vmem_shared>> -> memref<128x128xf32, #tpu.memory_space<vmem_shared>>
      %dma_wait3A_148 = arith.constant 0 : i32
      %dma_wait3A_149 = tpu.memref_slice %arg14[%add3A_7, %dma_wait3A_148] : memref<10240x128xf32, #tpu.memory_space<vmem_shared>> -> memref<128x128xf32, #tpu.memory_space<vmem_shared>>
      tpu.wait_dma2 semaphore(%run_scoped3A : memref<!tpu.dma_semaphore, #tpu.memory_space<semaphore_mem>>) src(%arg8 : memref<128x128xf32, #tpu.memory_space<vmem>>) dst(%dma_wait3A_149 : memref<128x128xf32, #tpu.memory_space<vmem_shared>>)
      tpu.yield
    }) : () -> ()
    %add3A_8 = arith.constant 128 : i32
    %add3A_9 = arith.addi %mul3A_6, %add3A_8 : i32
    "tpu.region"() ({
      %run_scoped3A = tpu.sem_alloc : memref<!tpu.dma_semaphore, #tpu.memory_space<semaphore_mem>>
      %dma_start3A_142 = arith.constant 0 : i32
      %dma_start3A_143 = tpu.memref_slice %arg14[%add3A_9, %dma_start3A_142] : memref<10240x128xf32, #tpu.memory_space<vmem_shared>> -> memref<128x128xf32, #tpu.memory_space<vmem_shared>>
      %dma_start3A_144 = arith.constant 0 : i32
      %dma_start3A_145 = tpu.memref_slice %arg14[%add3A_9, %dma_start3A_144] : memref<10240x128xf32, #tpu.memory_space<vmem_shared>> -> memref<128x128xf32, #tpu.memory_space<vmem_shared>>
      tpu.enqueue_dma source(%arg8 : memref<128x128xf32, #tpu.memory_space<vmem>>) target(%dma_start3A_145 : memref<128x128xf32, #tpu.memory_space<vmem_shared>>) target_semaphore(%run_scoped3A : memref<!tpu.dma_semaphore, #tpu.memory_space<semaphore_mem>>)
      %dma_wait3A_146 = arith.constant 0 : i32
      %dma_wait3A_147 = tpu.memref_slice %arg14[%add3A_9, %dma_wait3A_146] : memref<10240x128xf32, #tpu.memory_space<vmem_shared>> -> memref<128x128xf32, #tpu.memory_space<vmem_shared>>
      %dma_wait3A_148 = arith.constant 0 : i32
      %dma_wait3A_149 = tpu.memref_slice %arg14[%add3A_9, %dma_wait3A_148] : memref<10240x128xf32, #tpu.memory_space<vmem_shared>> -> memref<128x128xf32, #tpu.memory_space<vmem_shared>>
      tpu.wait_dma2 semaphore(%run_scoped3A : memref<!tpu.dma_semaphore, #tpu.memory_space<semaphore_mem>>) src(%arg8 : memref<128x128xf32, #tpu.memory_space<vmem>>) dst(%dma_wait3A_149 : memref<128x128xf32, #tpu.memory_space<vmem_shared>>)
      tpu.yield
    }) : () -> ()
    %add3A_10 = arith.constant 256 : i32
    %add3A_11 = arith.addi %mul3A_6, %add3A_10 : i32
    "tpu.region"() ({
      %run_scoped3A = tpu.sem_alloc : memref<!tpu.dma_semaphore, #tpu.memory_space<semaphore_mem>>
      %dma_start3A_142 = arith.constant 0 : i32
      %dma_start3A_143 = tpu.memref_slice %arg14[%add3A_11, %dma_start3A_142] : memref<10240x128xf32, #tpu.memory_space<vmem_shared>> -> memref<128x128xf32, #tpu.memory_space<vmem_shared>>
      %dma_start3A_144 = arith.constant 0 : i32
      %dma_start3A_145 = tpu.memref_slice %arg14[%add3A_11, %dma_start3A_144] : memref<10240x128xf32, #tpu.memory_space<vmem_shared>> -> memref<128x128xf32, #tpu.memory_space<vmem_shared>>
      tpu.enqueue_dma source(%arg8 : memref<128x128xf32, #tpu.memory_space<vmem>>) target(%dma_start3A_145 : memref<128x128xf32, #tpu.memory_space<vmem_shared>>) target_semaphore(%run_scoped3A : memref<!tpu.dma_semaphore, #tpu.memory_space<semaphore_mem>>)
      %dma_wait3A_146 = arith.constant 0 : i32
      %dma_wait3A_147 = tpu.memref_slice %arg14[%add3A_11, %dma_wait3A_146] : memref<10240x128xf32, #tpu.memory_space<vmem_shared>> -> memref<128x128xf32, #tpu.memory_space<vmem_shared>>
      %dma_wait3A_148 = arith.constant 0 : i32
      %dma_wait3A_149 = tpu.memref_slice %arg14[%add3A_11, %dma_wait3A_148] : memref<10240x128xf32, #tpu.memory_space<vmem_shared>> -> memref<128x128xf32, #tpu.memory_space<vmem_shared>>
      tpu.wait_dma2 semaphore(%run_scoped3A : memref<!tpu.dma_semaphore, #tpu.memory_space<semaphore_mem>>) src(%arg8 : memref<128x128xf32, #tpu.memory_space<vmem>>) dst(%dma_wait3A_149 : memref<128x128xf32, #tpu.memory_space<vmem_shared>>)
      tpu.yield
    }) : () -> ()
    %add3A_12 = arith.constant 384 : i32
    %add3A_13 = arith.addi %mul3A_6, %add3A_12 : i32
    "tpu.region"() ({
      %run_scoped3A = tpu.sem_alloc : memref<!tpu.dma_semaphore, #tpu.memory_space<semaphore_mem>>
      %dma_start3A_142 = arith.constant 0 : i32
      %dma_start3A_143 = tpu.memref_slice %arg14[%add3A_13, %dma_start3A_142] : memref<10240x128xf32, #tpu.memory_space<vmem_shared>> -> memref<128x128xf32, #tpu.memory_space<vmem_shared>>
      %dma_start3A_144 = arith.constant 0 : i32
      %dma_start3A_145 = tpu.memref_slice %arg14[%add3A_13, %dma_start3A_144] : memref<10240x128xf32, #tpu.memory_space<vmem_shared>> -> memref<128x128xf32, #tpu.memory_space<vmem_shared>>
      tpu.enqueue_dma source(%arg8 : memref<128x128xf32, #tpu.memory_space<vmem>>) target(%dma_start3A_145 : memref<128x128xf32, #tpu.memory_space<vmem_shared>>) target_semaphore(%run_scoped3A : memref<!tpu.dma_semaphore, #tpu.memory_space<semaphore_mem>>)
      %dma_wait3A_146 = arith.constant 0 : i32
      %dma_wait3A_147 = tpu.memref_slice %arg14[%add3A_13, %dma_wait3A_146] : memref<10240x128xf32, #tpu.memory_space<vmem_shared>> -> memref<128x128xf32, #tpu.memory_space<vmem_shared>>
      %dma_wait3A_148 = arith.constant 0 : i32
      %dma_wait3A_149 = tpu.memref_slice %arg14[%add3A_13, %dma_wait3A_148] : memref<10240x128xf32, #tpu.memory_space<vmem_shared>> -> memref<128x128xf32, #tpu.memory_space<vmem_shared>>
      tpu.wait_dma2 semaphore(%run_scoped3A : memref<!tpu.dma_semaphore, #tpu.memory_space<semaphore_mem>>) src(%arg8 : memref<128x128xf32, #tpu.memory_space<vmem>>) dst(%dma_wait3A_149 : memref<128x128xf32, #tpu.memory_space<vmem_shared>>)
      tpu.yield
    }) : () -> ()
    %add3A_14 = arith.constant 512 : i32
    %add3A_15 = arith.addi %mul3A_6, %add3A_14 : i32
    "tpu.region"() ({
      %run_scoped3A = tpu.sem_alloc : memref<!tpu.dma_semaphore, #tpu.memory_space<semaphore_mem>>
      %dma_start3A_142 = arith.constant 0 : i32
      %dma_start3A_143 = tpu.memref_slice %arg14[%add3A_15, %dma_start3A_142] : memref<10240x128xf32, #tpu.memory_space<vmem_shared>> -> memref<128x128xf32, #tpu.memory_space<vmem_shared>>
      %dma_start3A_144 = arith.constant 0 : i32
      %dma_start3A_145 = tpu.memref_slice %arg14[%add3A_15, %dma_start3A_144] : memref<10240x128xf32, #tpu.memory_space<vmem_shared>> -> memref<128x128xf32, #tpu.memory_space<vmem_shared>>
      tpu.enqueue_dma source(%arg8 : memref<128x128xf32, #tpu.memory_space<vmem>>) target(%dma_start3A_145 : memref<128x128xf32, #tpu.memory_space<vmem_shared>>) target_semaphore(%run_scoped3A : memref<!tpu.dma_semaphore, #tpu.memory_space<semaphore_mem>>)
      %dma_wait3A_146 = arith.constant 0 : i32
      %dma_wait3A_147 = tpu.memref_slice %arg14[%add3A_15, %dma_wait3A_146] : memref<10240x128xf32, #tpu.memory_space<vmem_shared>> -> memref<128x128xf32, #tpu.memory_space<vmem_shared>>
      %dma_wait3A_148 = arith.constant 0 : i32
      %dma_wait3A_149 = tpu.memref_slice %arg14[%add3A_15, %dma_wait3A_148] : memref<10240x128xf32, #tpu.memory_space<vmem_shared>> -> memref<128x128xf32, #tpu.memory_space<vmem_shared>>
      tpu.wait_dma2 semaphore(%run_scoped3A : memref<!tpu.dma_semaphore, #tpu.memory_space<semaphore_mem>>) src(%arg8 : memref<128x128xf32, #tpu.memory_space<vmem>>) dst(%dma_wait3A_149 : memref<128x128xf32, #tpu.memory_space<vmem_shared>>)
      tpu.yield
    }) : () -> ()
    %barrier3A = arith.constant 0 : index
    tpu.barrier barrier_id(%barrier3A)
    "tpu.region"() ({
      %run_scoped3A = tpu.sem_alloc : memref<!tpu.dma_semaphore, #tpu.memory_space<semaphore_mem>>
      %dma_start3A_142 = arith.constant 0 : i32
      %dma_start3A_143 = arith.constant 0 : i32
      %dma_start3A_144 = tpu.memref_slice %arg6[%dma_start3A_142, %dma_start3A_143] : memref<81x128xi32, #tpu.memory_space<vmem>> -> memref<80x128xi32, #tpu.memory_space<vmem>>
      %dma_start3A_145 = arith.constant 0 : i32
      %dma_start3A_146 = arith.constant 0 : i32
      %dma_start3A_147 = tpu.memref_slice %arg3[%arg1, %dma_start3A_145, %dma_start3A_146] : memref<16x80x128xi32, #tpu.memory_space<hbm>> -> memref<1x80x128xi32, #tpu.memory_space<hbm>>
      %dma_start3A_148 = tpu.memref_squeeze %dma_start3A_147 : memref<1x80x128xi32, #tpu.memory_space<hbm>> -> memref<80x128xi32, #tpu.memory_space<hbm>>
      %dma_start3A_149 = arith.constant 0 : i32
      %dma_start3A_150 = arith.constant 0 : i32
      %dma_start3A_151 = tpu.memref_slice %arg6[%dma_start3A_149, %dma_start3A_150] : memref<81x128xi32, #tpu.memory_space<vmem>> -> memref<80x128xi32, #tpu.memory_space<vmem>>
      %dma_start3A_152 = arith.constant 0 : i32
      %dma_start3A_153 = arith.constant 0 : i32
      %dma_start3A_154 = tpu.memref_slice %arg3[%arg1, %dma_start3A_152, %dma_start3A_153] : memref<16x80x128xi32, #tpu.memory_space<hbm>> -> memref<1x80x128xi32, #tpu.memory_space<hbm>>
      %dma_start3A_155 = tpu.memref_squeeze %dma_start3A_154 : memref<1x80x128xi32, #tpu.memory_space<hbm>> -> memref<80x128xi32, #tpu.memory_space<hbm>>
      tpu.enqueue_dma source(%dma_start3A_155 : memref<80x128xi32, #tpu.memory_space<hbm>>) target(%dma_start3A_151 : memref<80x128xi32, #tpu.memory_space<vmem>>) target_semaphore(%run_scoped3A : memref<!tpu.dma_semaphore, #tpu.memory_space<semaphore_mem>>)
      %dma_wait3A_156 = arith.constant 0 : i32
      %dma_wait3A_157 = arith.constant 0 : i32
      %dma_wait3A_158 = tpu.memref_slice %arg6[%dma_wait3A_156, %dma_wait3A_157] : memref<81x128xi32, #tpu.memory_space<vmem>> -> memref<80x128xi32, #tpu.memory_space<vmem>>
      %dma_wait3A_159 = arith.constant 0 : i32
      %dma_wait3A_160 = arith.constant 0 : i32
      %dma_wait3A_161 = tpu.memref_slice %arg3[%arg1, %dma_wait3A_159, %dma_wait3A_160] : memref<16x80x128xi32, #tpu.memory_space<hbm>> -> memref<1x80x128xi32, #tpu.memory_space<hbm>>
      %dma_wait3A_162 = tpu.memref_squeeze %dma_wait3A_161 : memref<1x80x128xi32, #tpu.memory_space<hbm>> -> memref<80x128xi32, #tpu.memory_space<hbm>>
      %dma_wait3A_163 = arith.constant 0 : i32
      %dma_wait3A_164 = arith.constant 0 : i32
      %dma_wait3A_165 = tpu.memref_slice %arg6[%dma_wait3A_163, %dma_wait3A_164] : memref<81x128xi32, #tpu.memory_space<vmem>> -> memref<80x128xi32, #tpu.memory_space<vmem>>
      %dma_wait3A_166 = arith.constant 0 : i32
      %dma_wait3A_167 = arith.constant 0 : i32
      %dma_wait3A_168 = tpu.memref_slice %arg3[%arg1, %dma_wait3A_166, %dma_wait3A_167] : memref<16x80x128xi32, #tpu.memory_space<hbm>> -> memref<1x80x128xi32, #tpu.memory_space<hbm>>
      %dma_wait3A_169 = tpu.memref_squeeze %dma_wait3A_168 : memref<1x80x128xi32, #tpu.memory_space<hbm>> -> memref<80x128xi32, #tpu.memory_space<hbm>>
      tpu.wait_dma2 semaphore(%run_scoped3A : memref<!tpu.dma_semaphore, #tpu.memory_space<semaphore_mem>>) src(%dma_wait3A_169 : memref<80x128xi32, #tpu.memory_space<hbm>>) dst(%dma_wait3A_165 : memref<80x128xi32, #tpu.memory_space<vmem>>)
      tpu.yield
    }) : () -> ()
    %mul3A_16 = arith.constant 10000 : i32
    %mul3A_17 = arith.muli %arg0, %mul3A_16 : i32
    %broadcast_in_dim3A_18 = arith.constant 0 : i32
    %broadcast_in_dim3A_19 = vector.broadcast %broadcast_in_dim3A_18 : i32 to vector<16xi32>
    %swap3A = arith.constant 80 : i32
    %swap3A_20 = arith.index_cast %swap3A : i32 to index
    %swap3A_21 = arith.constant 0 : index
    %swap3A_22 = tpu.vector_load %arg6[%swap3A_20, %swap3A_21] {strides = array<i32>} : memref<81x128xi32, #tpu.memory_space<vmem>>, vector<1x16xi32>,
    %swap3A_23 = vector.shape_cast %swap3A_22 : vector<1x16xi32> to vector<16xi32>
    %swap3A_24 = vector.shape_cast %broadcast_in_dim3A_19 : vector<16xi32> to vector<1x16xi32>
    tpu.vector_store %arg6[%swap3A_20, %swap3A_21], %swap3A_24 {strides = array<i32>} : memref<81x128xi32, #tpu.memory_space<vmem>>, vector<1x16xi32>,
    %swap3A_25 = arith.constant 80 : i32
    %swap3A_26 = arith.index_cast %swap3A_25 : i32 to index
    %swap3A_27 = arith.constant 16 : index
    %swap3A_28 = tpu.vector_load %arg6[%swap3A_26, %swap3A_27] {strides = array<i32>} : memref<81x128xi32, #tpu.memory_space<vmem>>, vector<1x16xi32>,
    %swap3A_29 = vector.shape_cast %swap3A_28 : vector<1x16xi32> to vector<16xi32>
    %swap3A_30 = vector.shape_cast %broadcast_in_dim3A_19 : vector<16xi32> to vector<1x16xi32>
    tpu.vector_store %arg6[%swap3A_26, %swap3A_27], %swap3A_30 {strides = array<i32>} : memref<81x128xi32, #tpu.memory_space<vmem>>, vector<1x16xi32>,
    %swap3A_31 = arith.constant 80 : i32
    %swap3A_32 = arith.index_cast %swap3A_31 : i32 to index
    %swap3A_33 = arith.constant 32 : index
    %swap3A_34 = tpu.vector_load %arg6[%swap3A_32, %swap3A_33] {strides = array<i32>} : memref<81x128xi32, #tpu.memory_space<vmem>>, vector<1x16xi32>,
    %swap3A_35 = vector.shape_cast %swap3A_34 : vector<1x16xi32> to vector<16xi32>
    %swap3A_36 = vector.shape_cast %broadcast_in_dim3A_19 : vector<16xi32> to vector<1x16xi32>
    tpu.vector_store %arg6[%swap3A_32, %swap3A_33], %swap3A_36 {strides = array<i32>} : memref<81x128xi32, #tpu.memory_space<vmem>>, vector<1x16xi32>,
    %swap3A_37 = arith.constant 80 : i32
    %swap3A_38 = arith.index_cast %swap3A_37 : i32 to index
    %swap3A_39 = arith.constant 48 : index
    %swap3A_40 = tpu.vector_load %arg6[%swap3A_38, %swap3A_39] {strides = array<i32>} : memref<81x128xi32, #tpu.memory_space<vmem>>, vector<1x16xi32>,
    %swap3A_41 = vector.shape_cast %swap3A_40 : vector<1x16xi32> to vector<16xi32>
    %swap3A_42 = vector.shape_cast %broadcast_in_dim3A_19 : vector<16xi32> to vector<1x16xi32>
    tpu.vector_store %arg6[%swap3A_38, %swap3A_39], %swap3A_42 {strides = array<i32>} : memref<81x128xi32, #tpu.memory_space<vmem>>, vector<1x16xi32>,
    %swap3A_43 = arith.constant 80 : i32
    %swap3A_44 = arith.index_cast %swap3A_43 : i32 to index
    %swap3A_45 = arith.constant 64 : index
    %swap3A_46 = tpu.vector_load %arg6[%swap3A_44, %swap3A_45] {strides = array<i32>} : memref<81x128xi32, #tpu.memory_space<vmem>>, vector<1x16xi32>,
    %swap3A_47 = vector.shape_cast %swap3A_46 : vector<1x16xi32> to vector<16xi32>
    %swap3A_48 = vector.shape_cast %broadcast_in_dim3A_19 : vector<16xi32> to vector<1x16xi32>
    tpu.vector_store %arg6[%swap3A_44, %swap3A_45], %swap3A_48 {strides = array<i32>} : memref<81x128xi32, #tpu.memory_space<vmem>>, vector<1x16xi32>,
    %swap3A_49 = arith.constant 80 : i32
    %swap3A_50 = arith.index_cast %swap3A_49 : i32 to index
    %swap3A_51 = arith.constant 80 : index
    %swap3A_52 = tpu.vector_load %arg6[%swap3A_50, %swap3A_51] {strides = array<i32>} : memref<81x128xi32, #tpu.memory_space<vmem>>, vector<1x16xi32>,
    %swap3A_53 = vector.shape_cast %swap3A_52 : vector<1x16xi32> to vector<16xi32>
    %swap3A_54 = vector.shape_cast %broadcast_in_dim3A_19 : vector<16xi32> to vector<1x16xi32>
    tpu.vector_store %arg6[%swap3A_50, %swap3A_51], %swap3A_54 {strides = array<i32>} : memref<81x128xi32, #tpu.memory_space<vmem>>, vector<1x16xi32>,
    %swap3A_55 = arith.constant 80 : i32
    %swap3A_56 = arith.index_cast %swap3A_55 : i32 to index
    %swap3A_57 = arith.constant 96 : index
    %swap3A_58 = tpu.vector_load %arg6[%swap3A_56, %swap3A_57] {strides = array<i32>} : memref<81x128xi32, #tpu.memory_space<vmem>>, vector<1x16xi32>,
    %swap3A_59 = vector.shape_cast %swap3A_58 : vector<1x16xi32> to vector<16xi32>
    %swap3A_60 = vector.shape_cast %broadcast_in_dim3A_19 : vector<16xi32> to vector<1x16xi32>
    tpu.vector_store %arg6[%swap3A_56, %swap3A_57], %swap3A_60 {strides = array<i32>} : memref<81x128xi32, #tpu.memory_space<vmem>>, vector<1x16xi32>,
    %swap3A_61 = arith.constant 80 : i32
    %swap3A_62 = arith.index_cast %swap3A_61 : i32 to index
    %swap3A_63 = arith.constant 112 : index
    %swap3A_64 = tpu.vector_load %arg6[%swap3A_62, %swap3A_63] {strides = array<i32>} : memref<81x128xi32, #tpu.memory_space<vmem>>, vector<1x16xi32>,
    %swap3A_65 = vector.shape_cast %swap3A_64 : vector<1x16xi32> to vector<16xi32>
    %swap3A_66 = vector.shape_cast %broadcast_in_dim3A_19 : vector<16xi32> to vector<1x16xi32>
    tpu.vector_store %arg6[%swap3A_62, %swap3A_63], %swap3A_66 {strides = array<i32>} : memref<81x128xi32, #tpu.memory_space<vmem>>, vector<1x16xi32>,
    %scan3A_67 = arith.constant 0 : i32
    %scan3A_68 = arith.constant 0 : i32
    %scan3A_69 = arith.constant 80 : i32
    %scan3A_70 = arith.addi %scan3A_68, %scan3A_69 : i32
    %scan3A_71 = arith.constant 1 : i32
    scf.for %scan3A_142 = %scan3A_68 to %scan3A_70 step %scan3A_71  : i32 {
      %get3A = arith.index_cast %scan3A_142 : i32 to index
      %get3A_143 = arith.constant 0 : index
      %get3A_144 = tpu.vector_load %arg6[%get3A, %get3A_143] {strides = array<i32>} : memref<81x128xi32, #tpu.memory_space<vmem>>, vector<1x16xi32>,
      %get3A_145 = vector.shape_cast %get3A_144 : vector<1x16xi32> to vector<16xi32>
      %add3A_146 = vector.broadcast %mul3A_17 : i32 to vector<16xi32>
      %add3A_147 = arith.addi %get3A_145, %add3A_146 : vector<16xi32>
      %swap3A_148 = arith.index_cast %scan3A_142 : i32 to index
      %swap3A_149 = arith.constant 0 : index
      %swap3A_150 = tpu.vector_load %arg6[%swap3A_148, %swap3A_149] {strides = array<i32>} : memref<81x128xi32, #tpu.memory_space<vmem>>, vector<1x16xi32>,
      %swap3A_151 = vector.shape_cast %swap3A_150 : vector<1x16xi32> to vector<16xi32>
      %swap3A_152 = vector.shape_cast %add3A_147 : vector<16xi32> to vector<1x16xi32>
      tpu.vector_store %arg6[%swap3A_148, %swap3A_149], %swap3A_152 {strides = array<i32>} : memref<81x128xi32, #tpu.memory_space<vmem>>, vector<1x16xi32>,
      %get3A_153 = arith.index_cast %scan3A_142 : i32 to index
      %get3A_154 = arith.constant 16 : index
      %get3A_155 = tpu.vector_load %arg6[%get3A_153, %get3A_154] {strides = array<i32>} : memref<81x128xi32, #tpu.memory_space<vmem>>, vector<1x16xi32>,
      %get3A_156 = vector.shape_cast %get3A_155 : vector<1x16xi32> to vector<16xi32>
      %add3A_157 = vector.broadcast %mul3A_17 : i32 to vector<16xi32>
      %add3A_158 = arith.addi %get3A_156, %add3A_157 : vector<16xi32>
      %swap3A_159 = arith.index_cast %scan3A_142 : i32 to index
      %swap3A_160 = arith.constant 16 : index
      %swap3A_161 = tpu.vector_load %arg6[%swap3A_159, %swap3A_160] {strides = array<i32>} : memref<81x128xi32, #tpu.memory_space<vmem>>, vector<1x16xi32>,
      %swap3A_162 = vector.shape_cast %swap3A_161 : vector<1x16xi32> to vector<16xi32>
      %swap3A_163 = vector.shape_cast %add3A_158 : vector<16xi32> to vector<1x16xi32>
      tpu.vector_store %arg6[%swap3A_159, %swap3A_160], %swap3A_163 {strides = array<i32>} : memref<81x128xi32, #tpu.memory_space<vmem>>, vector<1x16xi32>,
      %get3A_164 = arith.index_cast %scan3A_142 : i32 to index
      %get3A_165 = arith.constant 32 : index
      %get3A_166 = tpu.vector_load %arg6[%get3A_164, %get3A_165] {strides = array<i32>} : memref<81x128xi32, #tpu.memory_space<vmem>>, vector<1x16xi32>,
      %get3A_167 = vector.shape_cast %get3A_166 : vector<1x16xi32> to vector<16xi32>
      %add3A_168 = vector.broadcast %mul3A_17 : i32 to vector<16xi32>
      %add3A_169 = arith.addi %get3A_167, %add3A_168 : vector<16xi32>
      %swap3A_170 = arith.index_cast %scan3A_142 : i32 to index
      %swap3A_171 = arith.constant 32 : index
      %swap3A_172 = tpu.vector_load %arg6[%swap3A_170, %swap3A_171] {strides = array<i32>} : memref<81x128xi32, #tpu.memory_space<vmem>>, vector<1x16xi32>,
      %swap3A_173 = vector.shape_cast %swap3A_172 : vector<1x16xi32> to vector<16xi32>
      %swap3A_174 = vector.shape_cast %add3A_169 : vector<16xi32> to vector<1x16xi32>
      tpu.vector_store %arg6[%swap3A_170, %swap3A_171], %swap3A_174 {strides = array<i32>} : memref<81x128xi32, #tpu.memory_space<vmem>>, vector<1x16xi32>,
      %get3A_175 = arith.index_cast %scan3A_142 : i32 to index
      %get3A_176 = arith.constant 48 : index
      %get3A_177 = tpu.vector_load %arg6[%get3A_175, %get3A_176] {strides = array<i32>} : memref<81x128xi32, #tpu.memory_space<vmem>>, vector<1x16xi32>,
      %get3A_178 = vector.shape_cast %get3A_177 : vector<1x16xi32> to vector<16xi32>
      %add3A_179 = vector.broadcast %mul3A_17 : i32 to vector<16xi32>
      %add3A_180 = arith.addi %get3A_178, %add3A_179 : vector<16xi32>
      %swap3A_181 = arith.index_cast %scan3A_142 : i32 to index
      %swap3A_182 = arith.constant 48 : index
      %swap3A_183 = tpu.vector_load %arg6[%swap3A_181, %swap3A_182] {strides = array<i32>} : memref<81x128xi32, #tpu.memory_space<vmem>>, vector<1x16xi32>,
      %swap3A_184 = vector.shape_cast %swap3A_183 : vector<1x16xi32> to vector<16xi32>
      %swap3A_185 = vector.shape_cast %add3A_180 : vector<16xi32> to vector<1x16xi32>
      tpu.vector_store %arg6[%swap3A_181, %swap3A_182], %swap3A_185 {strides = array<i32>} : memref<81x128xi32, #tpu.memory_space<vmem>>, vector<1x16xi32>,
      %get3A_186 = arith.index_cast %scan3A_142 : i32 to index
      %get3A_187 = arith.constant 64 : index
      %get3A_188 = tpu.vector_load %arg6[%get3A_186, %get3A_187] {strides = array<i32>} : memref<81x128xi32, #tpu.memory_space<vmem>>, vector<1x16xi32>,
      %get3A_189 = vector.shape_cast %get3A_188 : vector<1x16xi32> to vector<16xi32>
      %add3A_190 = vector.broadcast %mul3A_17 : i32 to vector<16xi32>
      %add3A_191 = arith.addi %get3A_189, %add3A_190 : vector<16xi32>
      %swap3A_192 = arith.index_cast %scan3A_142 : i32 to index
      %swap3A_193 = arith.constant 64 : index
      %swap3A_194 = tpu.vector_load %arg6[%swap3A_192, %swap3A_193] {strides = array<i32>} : memref<81x128xi32, #tpu.memory_space<vmem>>, vector<1x16xi32>,
      %swap3A_195 = vector.shape_cast %swap3A_194 : vector<1x16xi32> to vector<16xi32>
      %swap3A_196 = vector.shape_cast %add3A_191 : vector<16xi32> to vector<1x16xi32>
      tpu.vector_store %arg6[%swap3A_192, %swap3A_193], %swap3A_196 {strides = array<i32>} : memref<81x128xi32, #tpu.memory_space<vmem>>, vector<1x16xi32>,
      %get3A_197 = arith.index_cast %scan3A_142 : i32 to index
      %get3A_198 = arith.constant 80 : index
      %get3A_199 = tpu.vector_load %arg6[%get3A_197, %get3A_198] {strides = array<i32>} : memref<81x128xi32, #tpu.memory_space<vmem>>, vector<1x16xi32>,
      %get3A_200 = vector.shape_cast %get3A_199 : vector<1x16xi32> to vector<16xi32>
      %add3A_201 = vector.broadcast %mul3A_17 : i32 to vector<16xi32>
      %add3A_202 = arith.addi %get3A_200, %add3A_201 : vector<16xi32>
      %swap3A_203 = arith.index_cast %scan3A_142 : i32 to index
      %swap3A_204 = arith.constant 80 : index
      %swap3A_205 = tpu.vector_load %arg6[%swap3A_203, %swap3A_204] {strides = array<i32>} : memref<81x128xi32, #tpu.memory_space<vmem>>, vector<1x16xi32>,
      %swap3A_206 = vector.shape_cast %swap3A_205 : vector<1x16xi32> to vector<16xi32>
      %swap3A_207 = vector.shape_cast %add3A_202 : vector<16xi32> to vector<1x16xi32>
      tpu.vector_store %arg6[%swap3A_203, %swap3A_204], %swap3A_207 {strides = array<i32>} : memref<81x128xi32, #tpu.memory_space<vmem>>, vector<1x16xi32>,
      %get3A_208 = arith.index_cast %scan3A_142 : i32 to index
      %get3A_209 = arith.constant 96 : index
      %get3A_210 = tpu.vector_load %arg6[%get3A_208, %get3A_209] {strides = array<i32>} : memref<81x128xi32, #tpu.memory_space<vmem>>, vector<1x16xi32>,
      %get3A_211 = vector.shape_cast %get3A_210 : vector<1x16xi32> to vector<16xi32>
      %add3A_212 = vector.broadcast %mul3A_17 : i32 to vector<16xi32>
      %add3A_213 = arith.addi %get3A_211, %add3A_212 : vector<16xi32>
      %swap3A_214 = arith.index_cast %scan3A_142 : i32 to index
      %swap3A_215 = arith.constant 96 : index
      %swap3A_216 = tpu.vector_load %arg6[%swap3A_214, %swap3A_215] {strides = array<i32>} : memref<81x128xi32, #tpu.memory_space<vmem>>, vector<1x16xi32>,
      %swap3A_217 = vector.shape_cast %swap3A_216 : vector<1x16xi32> to vector<16xi32>
      %swap3A_218 = vector.shape_cast %add3A_213 : vector<16xi32> to vector<1x16xi32>
      tpu.vector_store %arg6[%swap3A_214, %swap3A_215], %swap3A_218 {strides = array<i32>} : memref<81x128xi32, #tpu.memory_space<vmem>>, vector<1x16xi32>,
      %get3A_219 = arith.index_cast %scan3A_142 : i32 to index
      %get3A_220 = arith.constant 112 : index
      %get3A_221 = tpu.vector_load %arg6[%get3A_219, %get3A_220] {strides = array<i32>} : memref<81x128xi32, #tpu.memory_space<vmem>>, vector<1x16xi32>,
      %get3A_222 = vector.shape_cast %get3A_221 : vector<1x16xi32> to vector<16xi32>
      %add3A_223 = vector.broadcast %mul3A_17 : i32 to vector<16xi32>
      %add3A_224 = arith.addi %get3A_222, %add3A_223 : vector<16xi32>
      %swap3A_225 = arith.index_cast %scan3A_142 : i32 to index
      %swap3A_226 = arith.constant 112 : index
      %swap3A_227 = tpu.vector_load %arg6[%swap3A_225, %swap3A_226] {strides = array<i32>} : memref<81x128xi32, #tpu.memory_space<vmem>>, vector<1x16xi32>,
      %swap3A_228 = vector.shape_cast %swap3A_227 : vector<1x16xi32> to vector<16xi32>
      %swap3A_229 = vector.shape_cast %add3A_224 : vector<16xi32> to vector<1x16xi32>
      tpu.vector_store %arg6[%swap3A_225, %swap3A_226], %swap3A_229 {strides = array<i32>} : memref<81x128xi32, #tpu.memory_space<vmem>>, vector<1x16xi32>,
    }
    %scan3A_72 = arith.constant 80 : i32
    %dma_start3A = arith.constant 0 : i32
    %dma_start3A_73 = arith.constant 0 : i32
    %dma_start3A_74 = arith.constant 0 : i32
    %dma_start3A_75 = tpu.memref_slice %arg7[%dma_start3A_73, %dma_start3A_74] : memref<2x128xi32, #tpu.memory_space<vmem>> -> memref<1x128xi32, #tpu.memory_space<vmem>>
    %dma_start3A_76 = tpu.memref_squeeze %dma_start3A_75 : memref<1x128xi32, #tpu.memory_space<vmem>> -> memref<128xi32, #tpu.memory_space<vmem>>
    %dma_start3A_77 = arith.constant 0 : i32
    %dma_start3A_78 = arith.constant 0 : i32
    %dma_start3A_79 = tpu.memref_slice %arg4[%arg1, %dma_start3A_77, %dma_start3A_78] : memref<16x80x128xi32, #tpu.memory_space<hbm>> -> memref<1x80x128xi32, #tpu.memory_space<hbm>>
    %dma_start3A_80 = tpu.memref_squeeze %dma_start3A_79 : memref<1x80x128xi32, #tpu.memory_space<hbm>> -> memref<80x128xi32, #tpu.memory_space<hbm>>
    %dma_start3A_81 = arith.constant 0 : i32
    %dma_start3A_82 = tpu.memref_slice %dma_start3A_80[%dma_start3A, %dma_start3A_81] : memref<80x128xi32, #tpu.memory_space<hbm>> -> memref<1x128xi32, #tpu.memory_space<hbm>>
    %dma_start3A_83 = tpu.memref_squeeze %dma_start3A_82 : memref<1x128xi32, #tpu.memory_space<hbm>> -> memref<128xi32, #tpu.memory_space<hbm>>
    %dma_start3A_84 = arith.constant 0 : i32
    %dma_start3A_85 = tpu.memref_slice %arg7[%dma_start3A_73, %dma_start3A_84] : memref<2x128xi32, #tpu.memory_space<vmem>> -> memref<1x128xi32, #tpu.memory_space<vmem>>
    %dma_start3A_86 = tpu.memref_squeeze %dma_start3A_85 : memref<1x128xi32, #tpu.memory_space<vmem>> -> memref<128xi32, #tpu.memory_space<vmem>>
    %dma_start3A_87 = arith.constant 0 : i32
    %dma_start3A_88 = arith.constant 0 : i32
    %dma_start3A_89 = tpu.memref_slice %arg4[%arg1, %dma_start3A_87, %dma_start3A_88] : memref<16x80x128xi32, #tpu.memory_space<hbm>> -> memref<1x80x128xi32, #tpu.memory_space<hbm>>
    %dma_start3A_90 = tpu.memref_squeeze %dma_start3A_89 : memref<1x80x128xi32, #tpu.memory_space<hbm>> -> memref<80x128xi32, #tpu.memory_space<hbm>>
    %dma_start3A_91 = arith.constant 0 : i32
    %dma_start3A_92 = tpu.memref_slice %dma_start3A_90[%dma_start3A, %dma_start3A_91] : memref<80x128xi32, #tpu.memory_space<hbm>> -> memref<1x128xi32, #tpu.memory_space<hbm>>
    %dma_start3A_93 = tpu.memref_squeeze %dma_start3A_92 : memref<1x128xi32, #tpu.memory_space<hbm>> -> memref<128xi32, #tpu.memory_space<hbm>>
    tpu.enqueue_dma source(%dma_start3A_93 : memref<128xi32, #tpu.memory_space<hbm>>) target(%dma_start3A_86 : memref<128xi32, #tpu.memory_space<vmem>>) target_semaphore(%arg12 : memref<!tpu.dma_semaphore, #tpu.memory_space<semaphore_mem>>)
    %dma_start3A_94 = arith.constant 0 : i32
    %dma_start3A_95 = arith.constant 0 : i32
    %dma_start3A_96 = tpu.memref_slice %arg6[%dma_start3A_94, %dma_start3A_95] : memref<81x128xi32, #tpu.memory_space<vmem>> -> memref<1x128xi32, #tpu.memory_space<vmem>>
    %dma_start3A_97 = tpu.memref_squeeze %dma_start3A_96 : memref<1x128xi32, #tpu.memory_space<vmem>> -> memref<128xi32, #tpu.memory_space<vmem>>
    %dma_start3A_98 = arith.constant 0 : i32
    %dma_start3A_99 = arith.constant 0 : i32
    %dma_start3A_100 = tpu.memref_slice %arg2[%dma_start3A_98, %dma_start3A_99] : memref<20000x128xf32, #tpu.memory_space<hbm>> -> memref<20000x128xf32, #tpu.memory_space<hbm>>
    tpu.enqueue_indirect_dma source(%dma_start3A_100 : memref<20000x128xf32, #tpu.memory_space<hbm>>) target(%arg8 : memref<128x128xf32, #tpu.memory_space<vmem>>) offsets(%dma_start3A_97 : memref<128xi32, #tpu.memory_space<vmem>>) semaphore(%arg10 : memref<!tpu.dma_semaphore, #tpu.memory_space<semaphore_mem>>)
    %scan3A_101 = arith.constant 0 : i32
    %scan3A_102 = arith.constant 0 : i32
    %scan3A_103 = arith.constant 40 : i32
    %scan3A_104 = arith.addi %scan3A_102, %scan3A_103 : i32
    %scan3A_105 = arith.constant 1 : i32
    scf.for %scan3A_142 = %scan3A_102 to %scan3A_104 step %scan3A_105  : i32 {
      %mul3A_143 = arith.constant 2 : i32
      %mul3A_144 = arith.muli %scan3A_142, %mul3A_143 : i32
      %add3A_145 = arith.constant 1 : i32
      %add3A_146 = arith.addi %mul3A_144, %add3A_145 : i32
      %dma_start3A_147 = arith.constant 1 : i32
      %dma_start3A_148 = arith.constant 0 : i32
      %dma_start3A_149 = tpu.memref_slice %arg7[%dma_start3A_147, %dma_start3A_148] : memref<2x128xi32, #tpu.memory_space<vmem>> -> memref<1x128xi32, #tpu.memory_space<vmem>>
      %dma_start3A_150 = tpu.memref_squeeze %dma_start3A_149 : memref<1x128xi32, #tpu.memory_space<vmem>> -> memref<128xi32, #tpu.memory_space<vmem>>
      %dma_start3A_151 = arith.constant 0 : i32
      %dma_start3A_152 = arith.constant 0 : i32
      %dma_start3A_153 = tpu.memref_slice %arg4[%arg1, %dma_start3A_151, %dma_start3A_152] : memref<16x80x128xi32, #tpu.memory_space<hbm>> -> memref<1x80x128xi32, #tpu.memory_space<hbm>>
      %dma_start3A_154 = tpu.memref_squeeze %dma_start3A_153 : memref<1x80x128xi32, #tpu.memory_space<hbm>> -> memref<80x128xi32, #tpu.memory_space<hbm>>
      %dma_start3A_155 = arith.constant 0 : i32
      %dma_start3A_156 = tpu.memref_slice %dma_start3A_154[%add3A_146, %dma_start3A_155] : memref<80x128xi32, #tpu.memory_space<hbm>> -> memref<1x128xi32, #tpu.memory_space<hbm>>
      %dma_start3A_157 = tpu.memref_squeeze %dma_start3A_156 : memref<1x128xi32, #tpu.memory_space<hbm>> -> memref<128xi32, #tpu.memory_space<hbm>>
      %dma_start3A_158 = arith.constant 0 : i32
      %dma_start3A_159 = tpu.memref_slice %arg7[%dma_start3A_147, %dma_start3A_158] : memref<2x128xi32, #tpu.memory_space<vmem>> -> memref<1x128xi32, #tpu.memory_space<vmem>>
      %dma_start3A_160 = tpu.memref_squeeze %dma_start3A_159 : memref<1x128xi32, #tpu.memory_space<vmem>> -> memref<128xi32, #tpu.memory_space<vmem>>
      %dma_start3A_161 = arith.constant 0 : i32
      %dma_start3A_162 = arith.constant 0 : i32
      %dma_start3A_163 = tpu.memref_slice %arg4[%arg1, %dma_start3A_161, %dma_start3A_162] : memref<16x80x128xi32, #tpu.memory_space<hbm>> -> memref<1x80x128xi32, #tpu.memory_space<hbm>>
      %dma_start3A_164 = tpu.memref_squeeze %dma_start3A_163 : memref<1x80x128xi32, #tpu.memory_space<hbm>> -> memref<80x128xi32, #tpu.memory_space<hbm>>
      %dma_start3A_165 = arith.constant 0 : i32
      %dma_start3A_166 = tpu.memref_slice %dma_start3A_164[%add3A_146, %dma_start3A_165] : memref<80x128xi32, #tpu.memory_space<hbm>> -> memref<1x128xi32, #tpu.memory_space<hbm>>
      %dma_start3A_167 = tpu.memref_squeeze %dma_start3A_166 : memref<1x128xi32, #tpu.memory_space<hbm>> -> memref<128xi32, #tpu.memory_space<hbm>>
      tpu.enqueue_dma source(%dma_start3A_167 : memref<128xi32, #tpu.memory_space<hbm>>) target(%dma_start3A_160 : memref<128xi32, #tpu.memory_space<vmem>>) target_semaphore(%arg13 : memref<!tpu.dma_semaphore, #tpu.memory_space<semaphore_mem>>)
      %add3A_168 = arith.constant 1 : i32
      %add3A_169 = arith.addi %mul3A_144, %add3A_168 : i32
      %dma_start3A_170 = arith.constant 0 : i32
      %dma_start3A_171 = tpu.memref_slice %arg6[%add3A_169, %dma_start3A_170] : memref<81x128xi32, #tpu.memory_space<vmem>> -> memref<1x128xi32, #tpu.memory_space<vmem>>
      %dma_start3A_172 = tpu.memref_squeeze %dma_start3A_171 : memref<1x128xi32, #tpu.memory_space<vmem>> -> memref<128xi32, #tpu.memory_space<vmem>>
      %dma_start3A_173 = arith.constant 0 : i32
      %dma_start3A_174 = arith.constant 0 : i32
      %dma_start3A_175 = tpu.memref_slice %arg2[%dma_start3A_173, %dma_start3A_174] : memref<20000x128xf32, #tpu.memory_space<hbm>> -> memref<20000x128xf32, #tpu.memory_space<hbm>>
      tpu.enqueue_indirect_dma source(%dma_start3A_175 : memref<20000x128xf32, #tpu.memory_space<hbm>>) target(%arg9 : memref<128x128xf32, #tpu.memory_space<vmem>>) offsets(%dma_start3A_172 : memref<128xi32, #tpu.memory_space<vmem>>) semaphore(%arg11 : memref<!tpu.dma_semaphore, #tpu.memory_space<semaphore_mem>>)
      %dma_wait3A_176 = arith.constant 0 : i32
      %dma_wait3A_177 = tpu.memref_slice %arg6[%mul3A_144, %dma_wait3A_176] : memref<81x128xi32, #tpu.memory_space<vmem>> -> memref<1x128xi32, #tpu.memory_space<vmem>>
      %dma_wait3A_178 = tpu.memref_squeeze %dma_wait3A_177 : memref<1x128xi32, #tpu.memory_space<vmem>> -> memref<128xi32, #tpu.memory_space<vmem>>
      %dma_wait3A_179 = arith.constant 0 : i32
      %dma_wait3A_180 = arith.constant 0 : i32
      %dma_wait3A_181 = tpu.memref_slice %arg2[%dma_wait3A_179, %dma_wait3A_180] : memref<20000x128xf32, #tpu.memory_space<hbm>> -> memref<20000x128xf32, #tpu.memory_space<hbm>>
      tpu.wait_indirect_dma semaphore(%arg10 : memref<!tpu.dma_semaphore, #tpu.memory_space<semaphore_mem>>) src(%dma_wait3A_181 : memref<20000x128xf32, #tpu.memory_space<hbm>>) dst(%arg8 : memref<128x128xf32, #tpu.memory_space<vmem>>)
      %dma_wait3A_182 = arith.constant 0 : i32
      %dma_wait3A_183 = arith.constant 0 : i32
      %dma_wait3A_184 = arith.constant 0 : i32
      %dma_wait3A_185 = tpu.memref_slice %arg7[%dma_wait3A_183, %dma_wait3A_184] : memref<2x128xi32, #tpu.memory_space<vmem>> -> memref<1x128xi32, #tpu.memory_space<vmem>>
      %dma_wait3A_186 = tpu.memref_squeeze %dma_wait3A_185 : memref<1x128xi32, #tpu.memory_space<vmem>> -> memref<128xi32, #tpu.memory_space<vmem>>
      %dma_wait3A_187 = arith.constant 0 : i32
      %dma_wait3A_188 = arith.constant 0 : i32
      %dma_wait3A_189 = tpu.memref_slice %arg4[%arg1, %dma_wait3A_187, %dma_wait3A_188] : memref<16x80x128xi32, #tpu.memory_space<hbm>> -> memref<1x80x128xi32, #tpu.memory_space<hbm>>
      %dma_wait3A_190 = tpu.memref_squeeze %dma_wait3A_189 : memref<1x80x128xi32, #tpu.memory_space<hbm>> -> memref<80x128xi32, #tpu.memory_space<hbm>>
      %dma_wait3A_191 = arith.constant 0 : i32
      %dma_wait3A_192 = tpu.memref_slice %dma_wait3A_190[%dma_wait3A_182, %dma_wait3A_191] : memref<80x128xi32, #tpu.memory_space<hbm>> -> memref<1x128xi32, #tpu.memory_space<hbm>>
      %dma_wait3A_193 = tpu.memref_squeeze %dma_wait3A_192 : memref<1x128xi32, #tpu.memory_space<hbm>> -> memref<128xi32, #tpu.memory_space<hbm>>
      %dma_wait3A_194 = arith.constant 0 : i32
      %dma_wait3A_195 = tpu.memref_slice %arg7[%dma_wait3A_183, %dma_wait3A_194] : memref<2x128xi32, #tpu.memory_space<vmem>> -> memref<1x128xi32, #tpu.memory_space<vmem>>
      %dma_wait3A_196 = tpu.memref_squeeze %dma_wait3A_195 : memref<1x128xi32, #tpu.memory_space<vmem>> -> memref<128xi32, #tpu.memory_space<vmem>>
      %dma_wait3A_197 = arith.constant 0 : i32
      %dma_wait3A_198 = arith.constant 0 : i32
      %dma_wait3A_199 = tpu.memref_slice %arg4[%arg1, %dma_wait3A_197, %dma_wait3A_198] : memref<16x80x128xi32, #tpu.memory_space<hbm>> -> memref<1x80x128xi32, #tpu.memory_space<hbm>>
      %dma_wait3A_200 = tpu.memref_squeeze %dma_wait3A_199 : memref<1x80x128xi32, #tpu.memory_space<hbm>> -> memref<80x128xi32, #tpu.memory_space<hbm>>
      %dma_wait3A_201 = arith.constant 0 : i32
      %dma_wait3A_202 = tpu.memref_slice %dma_wait3A_200[%dma_wait3A_182, %dma_wait3A_201] : memref<80x128xi32, #tpu.memory_space<hbm>> -> memref<1x128xi32, #tpu.memory_space<hbm>>
      %dma_wait3A_203 = tpu.memref_squeeze %dma_wait3A_202 : memref<1x128xi32, #tpu.memory_space<hbm>> -> memref<128xi32, #tpu.memory_space<hbm>>
      tpu.wait_dma2 semaphore(%arg12 : memref<!tpu.dma_semaphore, #tpu.memory_space<semaphore_mem>>) src(%dma_wait3A_203 : memref<128xi32, #tpu.memory_space<hbm>>) dst(%dma_wait3A_196 : memref<128xi32, #tpu.memory_space<vmem>>)
      %run_scoped3A = arith.constant 0 : i32
      "tpu.region"() ({
        %run_scoped3A_267 = tpu.sem_alloc : memref<!tpu.dma_semaphore, #tpu.memory_space<semaphore_mem>>
        %dma_start3A_268 = arith.constant 0 : i32
        %dma_start3A_269 = tpu.memref_slice %arg7[%run_scoped3A, %dma_start3A_268] : memref<2x128xi32, #tpu.memory_space<vmem>> -> memref<1x128xi32, #tpu.memory_space<vmem>>
        %dma_start3A_270 = tpu.memref_squeeze %dma_start3A_269 : memref<1x128xi32, #tpu.memory_space<vmem>> -> memref<128xi32, #tpu.memory_space<vmem>>
        %dma_start3A_271 = arith.constant 0 : i32
        %dma_start3A_272 = arith.constant 0 : i32
        %dma_start3A_273 = tpu.memref_slice %arg14[%dma_start3A_271, %dma_start3A_272] : memref<10240x128xf32, #tpu.memory_space<vmem_shared>> -> memref<10240x128xf32, #tpu.memory_space<vmem_shared>>
        tpu.enqueue_indirect_dma source(%arg8 : memref<128x128xf32, #tpu.memory_space<vmem>>) target(%dma_start3A_273 : memref<10240x128xf32, #tpu.memory_space<vmem_shared>>) offsets(%dma_start3A_270 : memref<128xi32, #tpu.memory_space<vmem>>) semaphore(%run_scoped3A_267 : memref<!tpu.dma_semaphore, #tpu.memory_space<semaphore_mem>>) {add = true}
        %dma_wait3A_274 = arith.constant 0 : i32
        %dma_wait3A_275 = tpu.memref_slice %arg7[%run_scoped3A, %dma_wait3A_274] : memref<2x128xi32, #tpu.memory_space<vmem>> -> memref<1x128xi32, #tpu.memory_space<vmem>>
        %dma_wait3A_276 = tpu.memref_squeeze %dma_wait3A_275 : memref<1x128xi32, #tpu.memory_space<vmem>> -> memref<128xi32, #tpu.memory_space<vmem>>
        %dma_wait3A_277 = arith.constant 0 : i32
        %dma_wait3A_278 = arith.constant 0 : i32
        %dma_wait3A_279 = tpu.memref_slice %arg14[%dma_wait3A_277, %dma_wait3A_278] : memref<10240x128xf32, #tpu.memory_space<vmem_shared>> -> memref<10240x128xf32, #tpu.memory_space<vmem_shared>>
        tpu.wait_indirect_dma semaphore(%run_scoped3A_267 : memref<!tpu.dma_semaphore, #tpu.memory_space<semaphore_mem>>) src(%arg8 : memref<128x128xf32, #tpu.memory_space<vmem>>) dst(%dma_wait3A_279 : memref<10240x128xf32, #tpu.memory_space<vmem_shared>>)
        tpu.yield
      }) : () -> ()
      %add3A_204 = arith.constant 2 : i32
      %add3A_205 = arith.addi %mul3A_144, %add3A_204 : i32
      %min3A = arith.constant 79 : i32
      %min3A_206 = arith.minsi %add3A_205, %min3A : i32
      %dma_start3A_207 = arith.constant 0 : i32
      %dma_start3A_208 = arith.constant 0 : i32
      %dma_start3A_209 = tpu.memref_slice %arg7[%dma_start3A_207, %dma_start3A_208] : memref<2x128xi32, #tpu.memory_space<vmem>> -> memref<1x128xi32, #tpu.memory_space<vmem>>
      %dma_start3A_210 = tpu.memref_squeeze %dma_start3A_209 : memref<1x128xi32, #tpu.memory_space<vmem>> -> memref<128xi32, #tpu.memory_space<vmem>>
      %dma_start3A_211 = arith.constant 0 : i32
      %dma_start3A_212 = arith.constant 0 : i32
      %dma_start3A_213 = tpu.memref_slice %arg4[%arg1, %dma_start3A_211, %dma_start3A_212] : memref<16x80x128xi32, #tpu.memory_space<hbm>> -> memref<1x80x128xi32, #tpu.memory_space<hbm>>
      %dma_start3A_214 = tpu.memref_squeeze %dma_start3A_213 : memref<1x80x128xi32, #tpu.memory_space<hbm>> -> memref<80x128xi32, #tpu.memory_space<hbm>>
      %dma_start3A_215 = arith.constant 0 : i32
      %dma_start3A_216 = tpu.memref_slice %dma_start3A_214[%min3A_206, %dma_start3A_215] : memref<80x128xi32, #tpu.memory_space<hbm>> -> memref<1x128xi32, #tpu.memory_space<hbm>>
      %dma_start3A_217 = tpu.memref_squeeze %dma_start3A_216 : memref<1x128xi32, #tpu.memory_space<hbm>> -> memref<128xi32, #tpu.memory_space<hbm>>
      %dma_start3A_218 = arith.constant 0 : i32
      %dma_start3A_219 = tpu.memref_slice %arg7[%dma_start3A_207, %dma_start3A_218] : memref<2x128xi32, #tpu.memory_space<vmem>> -> memref<1x128xi32, #tpu.memory_space<vmem>>
      %dma_start3A_220 = tpu.memref_squeeze %dma_start3A_219 : memref<1x128xi32, #tpu.memory_space<vmem>> -> memref<128xi32, #tpu.memory_space<vmem>>
      %dma_start3A_221 = arith.constant 0 : i32
      %dma_start3A_222 = arith.constant 0 : i32
      %dma_start3A_223 = tpu.memref_slice %arg4[%arg1, %dma_start3A_221, %dma_start3A_222] : memref<16x80x128xi32, #tpu.memory_space<hbm>> -> memref<1x80x128xi32, #tpu.memory_space<hbm>>
      %dma_start3A_224 = tpu.memref_squeeze %dma_start3A_223 : memref<1x80x128xi32, #tpu.memory_space<hbm>> -> memref<80x128xi32, #tpu.memory_space<hbm>>
      %dma_start3A_225 = arith.constant 0 : i32
      %dma_start3A_226 = tpu.memref_slice %dma_start3A_224[%min3A_206, %dma_start3A_225] : memref<80x128xi32, #tpu.memory_space<hbm>> -> memref<1x128xi32, #tpu.memory_space<hbm>>
      %dma_start3A_227 = tpu.memref_squeeze %dma_start3A_226 : memref<1x128xi32, #tpu.memory_space<hbm>> -> memref<128xi32, #tpu.memory_space<hbm>>
      tpu.enqueue_dma source(%dma_start3A_227 : memref<128xi32, #tpu.memory_space<hbm>>) target(%dma_start3A_220 : memref<128xi32, #tpu.memory_space<vmem>>) target_semaphore(%arg12 : memref<!tpu.dma_semaphore, #tpu.memory_space<semaphore_mem>>)
      %add3A_228 = arith.constant 2 : i32
      %add3A_229 = arith.addi %mul3A_144, %add3A_228 : i32
      %dma_start3A_230 = arith.constant 0 : i32
      %dma_start3A_231 = tpu.memref_slice %arg6[%add3A_229, %dma_start3A_230] : memref<81x128xi32, #tpu.memory_space<vmem>> -> memref<1x128xi32, #tpu.memory_space<vmem>>
      %dma_start3A_232 = tpu.memref_squeeze %dma_start3A_231 : memref<1x128xi32, #tpu.memory_space<vmem>> -> memref<128xi32, #tpu.memory_space<vmem>>
      %dma_start3A_233 = arith.constant 0 : i32
      %dma_start3A_234 = arith.constant 0 : i32
      %dma_start3A_235 = tpu.memref_slice %arg2[%dma_start3A_233, %dma_start3A_234] : memref<20000x128xf32, #tpu.memory_space<hbm>> -> memref<20000x128xf32, #tpu.memory_space<hbm>>
      tpu.enqueue_indirect_dma source(%dma_start3A_235 : memref<20000x128xf32, #tpu.memory_space<hbm>>) target(%arg8 : memref<128x128xf32, #tpu.memory_space<vmem>>) offsets(%dma_start3A_232 : memref<128xi32, #tpu.memory_space<vmem>>) semaphore(%arg10 : memref<!tpu.dma_semaphore, #tpu.memory_space<semaphore_mem>>)
      %add3A_236 = arith.constant 1 : i32
      %add3A_237 = arith.addi %mul3A_144, %add3A_236 : i32
      %dma_wait3A_238 = arith.constant 0 : i32
      %dma_wait3A_239 = tpu.memref_slice %arg6[%add3A_237, %dma_wait3A_238] : memref<81x128xi32, #tpu.memory_space<vmem>> -> memref<1x128xi32, #tpu.memory_space<vmem>>
      %dma_wait3A_240 = tpu.memref_squeeze %dma_wait3A_239 : memref<1x128xi32, #tpu.memory_space<vmem>> -> memref<128xi32, #tpu.memory_space<vmem>>
      %dma_wait3A_241 = arith.constant 0 : i32
      %dma_wait3A_242 = arith.constant 0 : i32
      %dma_wait3A_243 = tpu.memref_slice %arg2[%dma_wait3A_241, %dma_wait3A_242] : memref<20000x128xf32, #tpu.memory_space<hbm>> -> memref<20000x128xf32, #tpu.memory_space<hbm>>
      tpu.wait_indirect_dma semaphore(%arg11 : memref<!tpu.dma_semaphore, #tpu.memory_space<semaphore_mem>>) src(%dma_wait3A_243 : memref<20000x128xf32, #tpu.memory_space<hbm>>) dst(%arg9 : memref<128x128xf32, #tpu.memory_space<vmem>>)
      %dma_wait3A_244 = arith.constant 1 : i32
      %dma_wait3A_245 = arith.constant 1 : i32
      %dma_wait3A_246 = arith.constant 0 : i32
      %dma_wait3A_247 = tpu.memref_slice %arg7[%dma_wait3A_245, %dma_wait3A_246] : memref<2x128xi32, #tpu.memory_space<vmem>> -> memref<1x128xi32, #tpu.memory_space<vmem>>
      %dma_wait3A_248 = tpu.memref_squeeze %dma_wait3A_247 : memref<1x128xi32, #tpu.memory_space<vmem>> -> memref<128xi32, #tpu.memory_space<vmem>>
      %dma_wait3A_249 = arith.constant 0 : i32
      %dma_wait3A_250 = arith.constant 0 : i32
      %dma_wait3A_251 = tpu.memref_slice %arg4[%arg1, %dma_wait3A_249, %dma_wait3A_250] : memref<16x80x128xi32, #tpu.memory_space<hbm>> -> memref<1x80x128xi32, #tpu.memory_space<hbm>>
      %dma_wait3A_252 = tpu.memref_squeeze %dma_wait3A_251 : memref<1x80x128xi32, #tpu.memory_space<hbm>> -> memref<80x128xi32, #tpu.memory_space<hbm>>
      %dma_wait3A_253 = arith.constant 0 : i32
      %dma_wait3A_254 = tpu.memref_slice %dma_wait3A_252[%dma_wait3A_244, %dma_wait3A_253] : memref<80x128xi32, #tpu.memory_space<hbm>> -> memref<1x128xi32, #tpu.memory_space<hbm>>
      %dma_wait3A_255 = tpu.memref_squeeze %dma_wait3A_254 : memref<1x128xi32, #tpu.memory_space<hbm>> -> memref<128xi32, #tpu.memory_space<hbm>>
      %dma_wait3A_256 = arith.constant 0 : i32
      %dma_wait3A_257 = tpu.memref_slice %arg7[%dma_wait3A_245, %dma_wait3A_256] : memref<2x128xi32, #tpu.memory_space<vmem>> -> memref<1x128xi32, #tpu.memory_space<vmem>>
      %dma_wait3A_258 = tpu.memref_squeeze %dma_wait3A_257 : memref<1x128xi32, #tpu.memory_space<vmem>> -> memref<128xi32, #tpu.memory_space<vmem>>
      %dma_wait3A_259 = arith.constant 0 : i32
      %dma_wait3A_260 = arith.constant 0 : i32
      %dma_wait3A_261 = tpu.memref_slice %arg4[%arg1, %dma_wait3A_259, %dma_wait3A_260] : memref<16x80x128xi32, #tpu.memory_space<hbm>> -> memref<1x80x128xi32, #tpu.memory_space<hbm>>
      %dma_wait3A_262 = tpu.memref_squeeze %dma_wait3A_261 : memref<1x80x128xi32, #tpu.memory_space<hbm>> -> memref<80x128xi32, #tpu.memory_space<hbm>>
      %dma_wait3A_263 = arith.constant 0 : i32
      %dma_wait3A_264 = tpu.memref_slice %dma_wait3A_262[%dma_wait3A_244, %dma_wait3A_263] : memref<80x128xi32, #tpu.memory_space<hbm>> -> memref<1x128xi32, #tpu.memory_space<hbm>>
      %dma_wait3A_265 = tpu.memref_squeeze %dma_wait3A_264 : memref<1x128xi32, #tpu.memory_space<hbm>> -> memref<128xi32, #tpu.memory_space<hbm>>
      tpu.wait_dma2 semaphore(%arg13 : memref<!tpu.dma_semaphore, #tpu.memory_space<semaphore_mem>>) src(%dma_wait3A_265 : memref<128xi32, #tpu.memory_space<hbm>>) dst(%dma_wait3A_258 : memref<128xi32, #tpu.memory_space<vmem>>)
      %run_scoped3A_266 = arith.constant 1 : i32
      "tpu.region"() ({
        %run_scoped3A_267 = tpu.sem_alloc : memref<!tpu.dma_semaphore, #tpu.memory_space<semaphore_mem>>
        %dma_start3A_268 = arith.constant 0 : i32
        %dma_start3A_269 = tpu.memref_slice %arg7[%run_scoped3A_266, %dma_start3A_268] : memref<2x128xi32, #tpu.memory_space<vmem>> -> memref<1x128xi32, #tpu.memory_space<vmem>>
        %dma_start3A_270 = tpu.memref_squeeze %dma_start3A_269 : memref<1x128xi32, #tpu.memory_space<vmem>> -> memref<128xi32, #tpu.memory_space<vmem>>
        %dma_start3A_271 = arith.constant 0 : i32
        %dma_start3A_272 = arith.constant 0 : i32
        %dma_start3A_273 = tpu.memref_slice %arg14[%dma_start3A_271, %dma_start3A_272] : memref<10240x128xf32, #tpu.memory_space<vmem_shared>> -> memref<10240x128xf32, #tpu.memory_space<vmem_shared>>
        tpu.enqueue_indirect_dma source(%arg9 : memref<128x128xf32, #tpu.memory_space<vmem>>) target(%dma_start3A_273 : memref<10240x128xf32, #tpu.memory_space<vmem_shared>>) offsets(%dma_start3A_270 : memref<128xi32, #tpu.memory_space<vmem>>) semaphore(%run_scoped3A_267 : memref<!tpu.dma_semaphore, #tpu.memory_space<semaphore_mem>>) {add = true}
        %dma_wait3A_274 = arith.constant 0 : i32
        %dma_wait3A_275 = tpu.memref_slice %arg7[%run_scoped3A_266, %dma_wait3A_274] : memref<2x128xi32, #tpu.memory_space<vmem>> -> memref<1x128xi32, #tpu.memory_space<vmem>>
        %dma_wait3A_276 = tpu.memref_squeeze %dma_wait3A_275 : memref<1x128xi32, #tpu.memory_space<vmem>> -> memref<128xi32, #tpu.memory_space<vmem>>
        %dma_wait3A_277 = arith.constant 0 : i32
        %dma_wait3A_278 = arith.constant 0 : i32
        %dma_wait3A_279 = tpu.memref_slice %arg14[%dma_wait3A_277, %dma_wait3A_278] : memref<10240x128xf32, #tpu.memory_space<vmem_shared>> -> memref<10240x128xf32, #tpu.memory_space<vmem_shared>>
        tpu.wait_indirect_dma semaphore(%run_scoped3A_267 : memref<!tpu.dma_semaphore, #tpu.memory_space<semaphore_mem>>) src(%arg9 : memref<128x128xf32, #tpu.memory_space<vmem>>) dst(%dma_wait3A_279 : memref<10240x128xf32, #tpu.memory_space<vmem_shared>>)
        tpu.yield
      }) : () -> ()
    }
    %scan3A_106 = arith.constant 40 : i32
    %dma_wait3A = arith.constant 0 : i32
    %dma_wait3A_107 = arith.constant 0 : i32
    %dma_wait3A_108 = tpu.memref_slice %arg6[%dma_wait3A, %dma_wait3A_107] : memref<81x128xi32, #tpu.memory_space<vmem>> -> memref<1x128xi32, #tpu.memory_space<vmem>>
    %dma_wait3A_109 = tpu.memref_squeeze %dma_wait3A_108 : memref<1x128xi32, #tpu.memory_space<vmem>> -> memref<128xi32, #tpu.memory_space<vmem>>
    %dma_wait3A_110 = arith.constant 0 : i32
    %dma_wait3A_111 = arith.constant 0 : i32
    %dma_wait3A_112 = tpu.memref_slice %arg2[%dma_wait3A_110, %dma_wait3A_111] : memref<20000x128xf32, #tpu.memory_space<hbm>> -> memref<20000x128xf32, #tpu.memory_space<hbm>>
    tpu.wait_indirect_dma semaphore(%arg10 : memref<!tpu.dma_semaphore, #tpu.memory_space<semaphore_mem>>) src(%dma_wait3A_112 : memref<20000x128xf32, #tpu.memory_space<hbm>>) dst(%arg8 : memref<128x128xf32, #tpu.memory_space<vmem>>)
    %dma_wait3A_113 = arith.constant 0 : i32
    %dma_wait3A_114 = arith.constant 0 : i32
    %dma_wait3A_115 = arith.constant 0 : i32
    %dma_wait3A_116 = tpu.memref_slice %arg7[%dma_wait3A_114, %dma_wait3A_115] : memref<2x128xi32, #tpu.memory_space<vmem>> -> memref<1x128xi32, #tpu.memory_space<vmem>>
    %dma_wait3A_117 = tpu.memref_squeeze %dma_wait3A_116 : memref<1x128xi32, #tpu.memory_space<vmem>> -> memref<128xi32, #tpu.memory_space<vmem>>
    %dma_wait3A_118 = arith.constant 0 : i32
    %dma_wait3A_119 = arith.constant 0 : i32
    %dma_wait3A_120 = tpu.memref_slice %arg4[%arg1, %dma_wait3A_118, %dma_wait3A_119] : memref<16x80x128xi32, #tpu.memory_space<hbm>> -> memref<1x80x128xi32, #tpu.memory_space<hbm>>
    %dma_wait3A_121 = tpu.memref_squeeze %dma_wait3A_120 : memref<1x80x128xi32, #tpu.memory_space<hbm>> -> memref<80x128xi32, #tpu.memory_space<hbm>>
    %dma_wait3A_122 = arith.constant 0 : i32
    %dma_wait3A_123 = tpu.memref_slice %dma_wait3A_121[%dma_wait3A_113, %dma_wait3A_122] : memref<80x128xi32, #tpu.memory_space<hbm>> -> memref<1x128xi32, #tpu.memory_space<hbm>>
    %dma_wait3A_124 = tpu.memref_squeeze %dma_wait3A_123 : memref<1x128xi32, #tpu.memory_space<hbm>> -> memref<128xi32, #tpu.memory_space<hbm>>
    %dma_wait3A_125 = arith.constant 0 : i32
    %dma_wait3A_126 = tpu.memref_slice %arg7[%dma_wait3A_114, %dma_wait3A_125] : memref<2x128xi32, #tpu.memory_space<vmem>> -> memref<1x128xi32, #tpu.memory_space<vmem>>
    %dma_wait3A_127 = tpu.memref_squeeze %dma_wait3A_126 : memref<1x128xi32, #tpu.memory_space<vmem>> -> memref<128xi32, #tpu.memory_space<vmem>>
    %dma_wait3A_128 = arith.constant 0 : i32
    %dma_wait3A_129 = arith.constant 0 : i32
    %dma_wait3A_130 = tpu.memref_slice %arg4[%arg1, %dma_wait3A_128, %dma_wait3A_129] : memref<16x80x128xi32, #tpu.memory_space<hbm>> -> memref<1x80x128xi32, #tpu.memory_space<hbm>>
    %dma_wait3A_131 = tpu.memref_squeeze %dma_wait3A_130 : memref<1x80x128xi32, #tpu.memory_space<hbm>> -> memref<80x128xi32, #tpu.memory_space<hbm>>
    %dma_wait3A_132 = arith.constant 0 : i32
    %dma_wait3A_133 = tpu.memref_slice %dma_wait3A_131[%dma_wait3A_113, %dma_wait3A_132] : memref<80x128xi32, #tpu.memory_space<hbm>> -> memref<1x128xi32, #tpu.memory_space<hbm>>
    %dma_wait3A_134 = tpu.memref_squeeze %dma_wait3A_133 : memref<1x128xi32, #tpu.memory_space<hbm>> -> memref<128xi32, #tpu.memory_space<hbm>>
    tpu.wait_dma2 semaphore(%arg12 : memref<!tpu.dma_semaphore, #tpu.memory_space<semaphore_mem>>) src(%dma_wait3A_134 : memref<128xi32, #tpu.memory_space<hbm>>) dst(%dma_wait3A_127 : memref<128xi32, #tpu.memory_space<vmem>>)
    %barrier3A_135 = arith.constant 0 : index
    tpu.barrier barrier_id(%barrier3A_135)
    %lt3A = arith.constant 15 : i32
    %lt3A_136 = arith.cmpi slt, %arg1, %lt3A : i32
    %convert_element_type3A = arith.extui %lt3A_136 : i1 to i32
    %cond3A = arith.constant 0 : i32
    %cond3A_137 = arith.cmpi ne, %convert_element_type3A, %cond3A : i32
    scf.if %cond3A_137 {
      %mul3A_142 = arith.constant 632 : i32
      %mul3A_143 = arith.muli %arg1, %mul3A_142 : i32
      %mul3A_144 = arith.constant 10000 : i32
      %mul3A_145 = arith.muli %arg0, %mul3A_144 : i32
      %mul3A_146 = arith.constant 632 : i32
      %mul3A_147 = arith.muli %arg1, %mul3A_146 : i32
      %add3A_148 = arith.addi %mul3A_145, %mul3A_147 : i32
      "tpu.region"() ({
        %run_scoped3A = tpu.sem_alloc : memref<!tpu.dma_semaphore, #tpu.memory_space<semaphore_mem>>
        %dma_start3A_149 = arith.constant 0 : i32
        %dma_start3A_150 = tpu.memref_slice %arg5[%add3A_148, %dma_start3A_149] : memref<20000x128xf32, #tpu.memory_space<hbm>> -> memref<632x128xf32, #tpu.memory_space<hbm>>
        %dma_start3A_151 = arith.constant 0 : i32
        %dma_start3A_152 = tpu.memref_slice %arg14[%mul3A_143, %dma_start3A_151] : memref<10240x128xf32, #tpu.memory_space<vmem_shared>> -> memref<632x128xf32, #tpu.memory_space<vmem_shared>>
        tpu.enqueue_dma source(%dma_start3A_152 : memref<632x128xf32, #tpu.memory_space<vmem_shared>>) target(%dma_start3A_150 : memref<632x128xf32, #tpu.memory_space<hbm>>) target_semaphore(%run_scoped3A : memref<!tpu.dma_semaphore, #tpu.memory_space<semaphore_mem>>)
        %dma_wait3A_153 = arith.constant 0 : i32
        %dma_wait3A_154 = tpu.memref_slice %arg5[%add3A_148, %dma_wait3A_153] : memref<20000x128xf32, #tpu.memory_space<hbm>> -> memref<632x128xf32, #tpu.memory_space<hbm>>
        %dma_wait3A_155 = arith.constant 0 : i32
        %dma_wait3A_156 = tpu.memref_slice %arg14[%mul3A_143, %dma_wait3A_155] : memref<10240x128xf32, #tpu.memory_space<vmem_shared>> -> memref<632x128xf32, #tpu.memory_space<vmem_shared>>
        tpu.wait_dma2 semaphore(%run_scoped3A : memref<!tpu.dma_semaphore, #tpu.memory_space<semaphore_mem>>) src(%dma_wait3A_156 : memref<632x128xf32, #tpu.memory_space<vmem_shared>>) dst(%dma_wait3A_154 : memref<632x128xf32, #tpu.memory_space<hbm>>)
        tpu.yield
      }) : () -> ()
    } else {
    }
    %eq3A = arith.constant 15 : i32
    %eq3A_138 = arith.cmpi eq, %arg1, %eq3A : i32
    %convert_element_type3A_139 = arith.extui %eq3A_138 : i1 to i32
    %cond3A_140 = arith.constant 0 : i32
    %cond3A_141 = arith.cmpi ne, %convert_element_type3A_139, %cond3A_140 : i32
    scf.if %cond3A_141 {
      %mul3A_142 = arith.constant 10000 : i32
      %mul3A_143 = arith.muli %arg0, %mul3A_142 : i32
      %add3A_144 = arith.constant 9480 : i32
      %add3A_145 = arith.addi %mul3A_143, %add3A_144 : i32
      "tpu.region"() ({
        %run_scoped3A = tpu.sem_alloc : memref<!tpu.dma_semaphore, #tpu.memory_space<semaphore_mem>>
        %dma_start3A_146 = arith.constant 0 : i32
        %dma_start3A_147 = tpu.memref_slice %arg5[%add3A_145, %dma_start3A_146] : memref<20000x128xf32, #tpu.memory_space<hbm>> -> memref<520x128xf32, #tpu.memory_space<hbm>>
        %dma_start3A_148 = arith.constant 9480 : i32
        %dma_start3A_149 = arith.constant 0 : i32
        %dma_start3A_150 = tpu.memref_slice %arg14[%dma_start3A_148, %dma_start3A_149] : memref<10240x128xf32, #tpu.memory_space<vmem_shared>> -> memref<520x128xf32, #tpu.memory_space<vmem_shared>>
        tpu.enqueue_dma source(%dma_start3A_150 : memref<520x128xf32, #tpu.memory_space<vmem_shared>>) target(%dma_start3A_147 : memref<520x128xf32, #tpu.memory_space<hbm>>) target_semaphore(%run_scoped3A : memref<!tpu.dma_semaphore, #tpu.memory_space<semaphore_mem>>)
        %dma_wait3A_151 = arith.constant 0 : i32
        %dma_wait3A_152 = tpu.memref_slice %arg5[%add3A_145, %dma_wait3A_151] : memref<20000x128xf32, #tpu.memory_space<hbm>> -> memref<520x128xf32, #tpu.memory_space<hbm>>
        %dma_wait3A_153 = arith.constant 9480 : i32
        %dma_wait3A_154 = arith.constant 0 : i32
        %dma_wait3A_155 = tpu.memref_slice %arg14[%dma_wait3A_153, %dma_wait3A_154] : memref<10240x128xf32, #tpu.memory_space<vmem_shared>> -> memref<520x128xf32, #tpu.memory_space<vmem_shared>>
        tpu.wait_dma2 semaphore(%run_scoped3A : memref<!tpu.dma_semaphore, #tpu.memory_space<semaphore_mem>>) src(%dma_wait3A_155 : memref<520x128xf32, #tpu.memory_space<vmem_shared>>) dst(%dma_wait3A_152 : memref<520x128xf32, #tpu.memory_space<hbm>>)
        tpu.yield
      }) : () -> ()
    } else {
    }
    return
  }
}

module attributes {stable_mosaic.version = 14 : i64} {
  func.func @_mm1_body(%arg0: i32, %arg1: memref<1024x256xf32, #tpu.memory_space<vmem>>, %arg2: memref<256x256xf32, #tpu.memory_space<vmem>>, %arg3: memref<2x1024x128xf32, #tpu.memory_space<vmem>>, %arg4: memref<2x1024x128xf32, #tpu.memory_space<vmem>>, %arg5: memref<1024x1xf32, #tpu.memory_space<vmem>>) attributes {dimension_semantics = [#tpu.dimension_semantics<arbitrary>], iteration_bounds = array<i64: 10>, scalar_prefetch = 0 : i64, scratch_operands = 0 : i64, tpu.core_type = #tpu.core_type<tc>, window_params = [{transform_indices = @transform_0, window_bounds = array<i64: 1024, 256>}, {pipeline_mode = #tpu.pipeline_mode<synchronous>, transform_indices = @transform_1, window_bounds = array<i64: 256, 256>}, {transform_indices = @transform_2, window_bounds = array<i64: 2, 1024, 128>}, {transform_indices = @transform_3, window_bounds = array<i64: 2, 1024, 128>}, {transform_indices = @transform_4, window_bounds = array<i64: 1024, 1>}]} {
    %get3A = arith.constant 0 : index
    %get3A_0 = arith.constant 0 : index
    %get3A_1 = arith.constant 0 : index
    %get3A_2 = vector.load %arg3[%get3A, %get3A_0, %get3A_1] : memref<2x1024x128xf32, #tpu.memory_space<vmem>>, vector<1x1024x1xf32>
    %get3A_3 = vector.shape_cast %get3A_2 : vector<1x1024x1xf32> to vector<1024xf32>
    %get3A_4 = arith.constant 1 : index
    %get3A_5 = arith.constant 0 : index
    %get3A_6 = arith.constant 0 : index
    %get3A_7 = vector.load %arg3[%get3A_4, %get3A_5, %get3A_6] : memref<2x1024x128xf32, #tpu.memory_space<vmem>>, vector<1x1024x1xf32>
    %get3A_8 = vector.shape_cast %get3A_7 : vector<1x1024x1xf32> to vector<1024xf32>
    %add3A = arith.addf %get3A_3, %get3A_8 : vector<1024xf32>
    %add3A_9 = arith.constant 1.000000e+00 : f32
    %add3A_10 = vector.broadcast %add3A_9 : f32 to vector<1024xf32>
    %add3A_11 = arith.addf %add3A, %add3A_10 : vector<1024xf32>
    %sqrt3A = math.sqrt %add3A_11 : vector<1024xf32>
    %div3A = arith.constant 1.000000e+00 : f32
    %div3A_12 = vector.broadcast %div3A : f32 to vector<1024xf32>
    %div3A_13 = arith.divf %div3A_12, %sqrt3A : vector<1024xf32>
    %broadcast_in_dim3A = vector.shape_cast %div3A_13 : vector<1024xf32> to vector<1024x1xf32>
    %get3A_14 = arith.constant 0 : index
    %get3A_15 = arith.constant 0 : index
    %get3A_16 = vector.load %arg1[%get3A_14, %get3A_15] : memref<1024x256xf32, #tpu.memory_space<vmem>>, vector<1024x256xf32>
    %get3A_17 = arith.constant 0 : index
    %get3A_18 = arith.constant 0 : index
    %get3A_19 = vector.load %arg2[%get3A_17, %get3A_18] : memref<256x256xf32, #tpu.memory_space<vmem>>, vector<256x256xf32>
    %dot_general3A = arith.constant dense<0.000000e+00> : vector<1024x256xf32>
    %dot_general3A_20 = tpu.matmul %get3A_16, %get3A_19, %dot_general3A {dimension_numbers = #tpu.dot_dimension_numbers<[1], [0], [0], [1], [0, 0, 1, 1], [], []>, transpose_lhs_hint = false} : vector<1024x256xf32>, vector<256x256xf32>, vector<1024x256xf32> -> vector<1024x256xf32>
    %mul3A = vector.broadcast %broadcast_in_dim3A : vector<1024x1xf32> to vector<1024x256xf32>
    %mul3A_21 = arith.mulf %dot_general3A_20, %mul3A : vector<1024x256xf32>
    %slice3A = vector.extract_strided_slice %mul3A_21 {offsets = [0, 0], sizes = [1024, 128], strides = [1, 1]} : vector<1024x256xf32> to vector<1024x128xf32>
    %swap3A = arith.constant 0 : index
    %swap3A_22 = arith.constant 0 : index
    %swap3A_23 = arith.constant 0 : index
    %swap3A_24 = vector.load %arg4[%swap3A, %swap3A_22, %swap3A_23] : memref<2x1024x128xf32, #tpu.memory_space<vmem>>, vector<1x1024x128xf32>
    %swap3A_25 = vector.shape_cast %swap3A_24 : vector<1x1024x128xf32> to vector<1024x128xf32>
    %swap3A_26 = vector.shape_cast %slice3A : vector<1024x128xf32> to vector<1x1024x128xf32>
    tpu.vector_store %arg4[%swap3A, %swap3A_22, %swap3A_23], %swap3A_26 {strides = array<i32>} : memref<2x1024x128xf32, #tpu.memory_space<vmem>>, vector<1x1024x128xf32>,
    %slice3A_27 = vector.extract_strided_slice %mul3A_21 {offsets = [0, 128], sizes = [1024, 128], strides = [1, 1]} : vector<1024x256xf32> to vector<1024x128xf32>
    %swap3A_28 = arith.constant 1 : index
    %swap3A_29 = arith.constant 0 : index
    %swap3A_30 = arith.constant 0 : index
    %swap3A_31 = vector.load %arg4[%swap3A_28, %swap3A_29, %swap3A_30] : memref<2x1024x128xf32, #tpu.memory_space<vmem>>, vector<1x1024x128xf32>
    %swap3A_32 = vector.shape_cast %swap3A_31 : vector<1x1024x128xf32> to vector<1024x128xf32>
    %swap3A_33 = vector.shape_cast %slice3A_27 : vector<1024x128xf32> to vector<1x1024x128xf32>
    tpu.vector_store %arg4[%swap3A_28, %swap3A_29, %swap3A_30], %swap3A_33 {strides = array<i32>} : memref<2x1024x128xf32, #tpu.memory_space<vmem>>, vector<1x1024x128xf32>,
    %swap3A_34 = arith.constant 0 : index
    %swap3A_35 = arith.constant 0 : index
    %swap3A_36 = vector.load %arg5[%swap3A_34, %swap3A_35] : memref<1024x1xf32, #tpu.memory_space<vmem>>, vector<1024x1xf32>
    tpu.vector_store %arg5[%swap3A_34, %swap3A_35], %broadcast_in_dim3A {strides = array<i32>} : memref<1024x1xf32, #tpu.memory_space<vmem>>, vector<1024x1xf32>,
    return
  }
  func.func @transform_0(%arg0: i32) -> (i32, i32) {
    %c0_i32 = arith.constant 0 : i32
    %c0_i32_0 = arith.constant 0 : i32
    return %arg0, %c0_i32 : i32, i32
  }
  func.func @transform_1(%arg0: i32) -> (i32, i32) {
    %c0_i32 = arith.constant 0 : i32
    %c0_i32_0 = arith.constant 0 : i32
    %c0_i32_1 = arith.constant 0 : i32
    return %c0_i32, %c0_i32_0 : i32, i32
  }
  func.func @transform_2(%arg0: i32) -> (i32, i32, i32) {
    %c0_i32 = arith.constant 0 : i32
    %c0_i32_0 = arith.constant 0 : i32
    %c0_i32_1 = arith.constant 0 : i32
    return %c0_i32, %arg0, %c0_i32_0 : i32, i32, i32
  }
  func.func @transform_3(%arg0: i32) -> (i32, i32, i32) {
    %c0_i32 = arith.constant 0 : i32
    %c0_i32_0 = arith.constant 0 : i32
    %c0_i32_1 = arith.constant 0 : i32
    return %c0_i32, %arg0, %c0_i32_0 : i32, i32, i32
  }
  func.func @transform_4(%arg0: i32) -> (i32, i32) {
    %c0_i32 = arith.constant 0 : i32
    %c0_i32_0 = arith.constant 0 : i32
    return %arg0, %c0_i32 : i32, i32
  }
}

module attributes {stable_mosaic.version = 14 : i64} {
  func.func @_mm2_body(%arg0: i32, %arg1: memref<2x1024x128xf32, #tpu.memory_space<vmem>>, %arg2: memref<2x1024x128xf32, #tpu.memory_space<vmem>>, %arg3: memref<1024x1xf32, #tpu.memory_space<vmem>>, %arg4: memref<1x256xf32, #tpu.memory_space<vmem>>, %arg5: memref<256x128xf32, #tpu.memory_space<vmem>>, %arg6: memref<1024x128xf32, #tpu.memory_space<vmem>>) attributes {dimension_semantics = [#tpu.dimension_semantics<arbitrary>], iteration_bounds = array<i64: 10>, scalar_prefetch = 0 : i64, scratch_operands = 0 : i64, tpu.core_type = #tpu.core_type<tc>, window_params = [{transform_indices = @transform_0, window_bounds = array<i64: 2, 1024, 128>}, {transform_indices = @transform_1, window_bounds = array<i64: 2, 1024, 128>}, {transform_indices = @transform_2, window_bounds = array<i64: 1024, 1>}, {pipeline_mode = #tpu.pipeline_mode<synchronous>, transform_indices = @transform_3, window_bounds = array<i64: 1, 256>}, {pipeline_mode = #tpu.pipeline_mode<synchronous>, transform_indices = @transform_4, window_bounds = array<i64: 256, 128>}, {transform_indices = @transform_5, window_bounds = array<i64: 1024, 128>}]} {
    %get3A = arith.constant 0 : index
    %get3A_0 = arith.constant 0 : index
    %get3A_1 = arith.constant 0 : index
    %get3A_2 = vector.load %arg2[%get3A, %get3A_0, %get3A_1] : memref<2x1024x128xf32, #tpu.memory_space<vmem>>, vector<1x1024x128xf32>
    %get3A_3 = vector.shape_cast %get3A_2 : vector<1x1024x128xf32> to vector<1024x128xf32>
    %get3A_4 = arith.constant 1 : index
    %get3A_5 = arith.constant 0 : index
    %get3A_6 = arith.constant 0 : index
    %get3A_7 = vector.load %arg2[%get3A_4, %get3A_5, %get3A_6] : memref<2x1024x128xf32, #tpu.memory_space<vmem>>, vector<1x1024x128xf32>
    %get3A_8 = vector.shape_cast %get3A_7 : vector<1x1024x128xf32> to vector<1024x128xf32>
    %concatenate3A = tpu.concatenate %get3A_3, %get3A_8 in 1 : vector<1024x128xf32>, vector<1024x128xf32> -> vector<1024x256xf32>
    %get3A_9 = arith.constant 0 : index
    %get3A_10 = arith.constant 0 : index
    %get3A_11 = arith.constant 0 : index
    %get3A_12 = vector.load %arg1[%get3A_9, %get3A_10, %get3A_11] : memref<2x1024x128xf32, #tpu.memory_space<vmem>>, vector<1x1024x128xf32>
    %get3A_13 = vector.shape_cast %get3A_12 : vector<1x1024x128xf32> to vector<1024x128xf32>
    %get3A_14 = arith.constant 1 : index
    %get3A_15 = arith.constant 0 : index
    %get3A_16 = arith.constant 0 : index
    %get3A_17 = vector.load %arg1[%get3A_14, %get3A_15, %get3A_16] : memref<2x1024x128xf32, #tpu.memory_space<vmem>>, vector<1x1024x128xf32>
    %get3A_18 = vector.shape_cast %get3A_17 : vector<1x1024x128xf32> to vector<1024x128xf32>
    %concatenate3A_19 = tpu.concatenate %get3A_13, %get3A_18 in 1 : vector<1024x128xf32>, vector<1024x128xf32> -> vector<1024x256xf32>
    %get3A_20 = arith.constant 0 : index
    %get3A_21 = arith.constant 0 : index
    %get3A_22 = vector.load %arg3[%get3A_20, %get3A_21] : memref<1024x1xf32, #tpu.memory_space<vmem>>, vector<1024x1xf32>
    %add3A = arith.addf %concatenate3A_19, %concatenate3A : vector<1024x256xf32>
    %mul3A = vector.broadcast %get3A_22 : vector<1024x1xf32> to vector<1024x256xf32>
    %mul3A_23 = arith.mulf %mul3A, %add3A : vector<1024x256xf32>
    %get3A_24 = arith.constant 0 : index
    %get3A_25 = arith.constant 0 : index
    %get3A_26 = vector.load %arg4[%get3A_24, %get3A_25] : memref<1x256xf32, #tpu.memory_space<vmem>>, vector<1x256xf32>
    %add3A_27 = vector.broadcast %get3A_26 : vector<1x256xf32> to vector<1024x256xf32>
    %add3A_28 = arith.addf %mul3A_23, %add3A_27 : vector<1024x256xf32>
    %max3A = arith.constant 0.000000e+00 : f32
    %max3A_29 = vector.broadcast %max3A : f32 to vector<1024x256xf32>
    %max3A_30 = arith.maximumf %add3A_28, %max3A_29 : vector<1024x256xf32>
    %get3A_31 = arith.constant 0 : index
    %get3A_32 = arith.constant 0 : index
    %get3A_33 = vector.load %arg5[%get3A_31, %get3A_32] : memref<256x128xf32, #tpu.memory_space<vmem>>, vector<256x128xf32>
    %dot_general3A = arith.constant dense<0.000000e+00> : vector<1024x128xf32>
    %dot_general3A_34 = tpu.matmul %max3A_30, %get3A_33, %dot_general3A {dimension_numbers = #tpu.dot_dimension_numbers<[1], [0], [0], [1], [0, 0, 1, 1], [], []>, transpose_lhs_hint = false} : vector<1024x256xf32>, vector<256x128xf32>, vector<1024x128xf32> -> vector<1024x128xf32>
    %mul3A_35 = vector.broadcast %get3A_22 : vector<1024x1xf32> to vector<1024x128xf32>
    %mul3A_36 = arith.mulf %dot_general3A_34, %mul3A_35 : vector<1024x128xf32>
    %swap3A = arith.constant 0 : index
    %swap3A_37 = arith.constant 0 : index
    %swap3A_38 = vector.load %arg6[%swap3A, %swap3A_37] : memref<1024x128xf32, #tpu.memory_space<vmem>>, vector<1024x128xf32>
    tpu.vector_store %arg6[%swap3A, %swap3A_37], %mul3A_36 {strides = array<i32>} : memref<1024x128xf32, #tpu.memory_space<vmem>>, vector<1024x128xf32>,
    return
  }
  func.func @transform_0(%arg0: i32) -> (i32, i32, i32) {
    %c0_i32 = arith.constant 0 : i32
    %c0_i32_0 = arith.constant 0 : i32
    %c0_i32_1 = arith.constant 0 : i32
    return %c0_i32, %arg0, %c0_i32_0 : i32, i32, i32
  }
  func.func @transform_1(%arg0: i32) -> (i32, i32, i32) {
    %c0_i32 = arith.constant 0 : i32
    %c0_i32_0 = arith.constant 0 : i32
    %c0_i32_1 = arith.constant 0 : i32
    return %c0_i32, %arg0, %c0_i32_0 : i32, i32, i32
  }
  func.func @transform_2(%arg0: i32) -> (i32, i32) {
    %c0_i32 = arith.constant 0 : i32
    %c0_i32_0 = arith.constant 0 : i32
    return %arg0, %c0_i32 : i32, i32
  }
  func.func @transform_3(%arg0: i32) -> (i32, i32) {
    %c0_i32 = arith.constant 0 : i32
    %c0_i32_0 = arith.constant 0 : i32
    %c0_i32_1 = arith.constant 0 : i32
    return %c0_i32, %c0_i32_0 : i32, i32
  }
  func.func @transform_4(%arg0: i32) -> (i32, i32) {
    %c0_i32 = arith.constant 0 : i32
    %c0_i32_0 = arith.constant 0 : i32
    %c0_i32_1 = arith.constant 0 : i32
    return %c0_i32, %c0_i32_0 : i32, i32
  }
  func.func @transform_5(%arg0: i32) -> (i32, i32) {
    %c0_i32 = arith.constant 0 : i32
    %c0_i32_0 = arith.constant 0 : i32
    return %arg0, %c0_i32 : i32, i32
  }
}

module attributes {stable_mosaic.version = 14 : i64} {
  func.func @_fin_body(%arg0: i32, %arg1: memref<2x1024x128xf32, #tpu.memory_space<vmem>>, %arg2: memref<1024x128xf32, #tpu.memory_space<vmem>>, %arg3: memref<1024x1xf32, #tpu.memory_space<vmem>>, %arg4: memref<1x128xf32, #tpu.memory_space<vmem>>, %arg5: memref<128x1xf32, #tpu.memory_space<vmem>>, %arg6: memref<1x1xf32, #tpu.memory_space<vmem>>, %arg7: memref<1024x1xf32, #tpu.memory_space<vmem>>) attributes {dimension_semantics = [#tpu.dimension_semantics<arbitrary>], iteration_bounds = array<i64: 10>, scalar_prefetch = 0 : i64, scratch_operands = 0 : i64, tpu.core_type = #tpu.core_type<tc>, window_params = [{transform_indices = @transform_0, window_bounds = array<i64: 2, 1024, 128>}, {transform_indices = @transform_1, window_bounds = array<i64: 1024, 128>}, {transform_indices = @transform_2, window_bounds = array<i64: 1024, 1>}, {pipeline_mode = #tpu.pipeline_mode<synchronous>, transform_indices = @transform_3, window_bounds = array<i64: 1, 128>}, {pipeline_mode = #tpu.pipeline_mode<synchronous>, transform_indices = @transform_4, window_bounds = array<i64: 128, 1>}, {pipeline_mode = #tpu.pipeline_mode<synchronous>, transform_indices = @transform_5, window_bounds = array<i64: 1, 1>}, {transform_indices = @transform_6, window_bounds = array<i64: 1024, 1>}]} {
    %get3A = arith.constant 0 : index
    %get3A_0 = arith.constant 0 : index
    %get3A_1 = vector.load %arg3[%get3A, %get3A_0] : memref<1024x1xf32, #tpu.memory_space<vmem>>, vector<1024x1xf32>
    %get3A_2 = arith.constant 0 : index
    %get3A_3 = arith.constant 0 : index
    %get3A_4 = arith.constant 0 : index
    %get3A_5 = vector.load %arg1[%get3A_2, %get3A_3, %get3A_4] : memref<2x1024x128xf32, #tpu.memory_space<vmem>>, vector<1x1024x128xf32>
    %get3A_6 = vector.shape_cast %get3A_5 : vector<1x1024x128xf32> to vector<1024x128xf32>
    %get3A_7 = arith.constant 1 : index
    %get3A_8 = arith.constant 0 : index
    %get3A_9 = arith.constant 0 : index
    %get3A_10 = vector.load %arg1[%get3A_7, %get3A_8, %get3A_9] : memref<2x1024x128xf32, #tpu.memory_space<vmem>>, vector<1x1024x128xf32>
    %get3A_11 = vector.shape_cast %get3A_10 : vector<1x1024x128xf32> to vector<1024x128xf32>
    %add3A = arith.addf %get3A_6, %get3A_11 : vector<1024x128xf32>
    %get3A_12 = arith.constant 0 : index
    %get3A_13 = arith.constant 0 : index
    %get3A_14 = vector.load %arg2[%get3A_12, %get3A_13] : memref<1024x128xf32, #tpu.memory_space<vmem>>, vector<1024x128xf32>
    %add3A_15 = arith.addf %add3A, %get3A_14 : vector<1024x128xf32>
    %mul3A = vector.broadcast %get3A_1 : vector<1024x1xf32> to vector<1024x128xf32>
    %mul3A_16 = arith.mulf %mul3A, %add3A_15 : vector<1024x128xf32>
    %get3A_17 = arith.constant 0 : index
    %get3A_18 = arith.constant 0 : index
    %get3A_19 = vector.load %arg4[%get3A_17, %get3A_18] : memref<1x128xf32, #tpu.memory_space<vmem>>, vector<1x128xf32>
    %add3A_20 = vector.broadcast %get3A_19 : vector<1x128xf32> to vector<1024x128xf32>
    %add3A_21 = arith.addf %mul3A_16, %add3A_20 : vector<1024x128xf32>
    %get3A_22 = arith.constant 0 : index
    %get3A_23 = arith.constant 0 : index
    %get3A_24 = vector.load %arg5[%get3A_22, %get3A_23] : memref<128x1xf32, #tpu.memory_space<vmem>>, vector<128x1xf32>
    %dot_general3A = arith.constant dense<0.000000e+00> : vector<1024x1xf32>
    %dot_general3A_25 = tpu.matmul %add3A_21, %get3A_24, %dot_general3A {dimension_numbers = #tpu.dot_dimension_numbers<[1], [0], [0], [1], [0, 0, 1, 1], [], []>, transpose_lhs_hint = false} : vector<1024x128xf32>, vector<128x1xf32>, vector<1024x1xf32> -> vector<1024x1xf32>
    %get3A_26 = arith.constant 0 : index
    %get3A_27 = arith.constant 0 : index
    %get3A_28 = vector.load %arg6[%get3A_26, %get3A_27] : memref<1x1xf32, #tpu.memory_space<vmem>>, vector<1x1xf32>
    %add3A_29 = vector.broadcast %get3A_28 : vector<1x1xf32> to vector<1024x1xf32>
    %add3A_30 = arith.addf %dot_general3A_25, %add3A_29 : vector<1024x1xf32>
    %swap3A = arith.constant 0 : index
    %swap3A_31 = arith.constant 0 : index
    %swap3A_32 = vector.load %arg7[%swap3A, %swap3A_31] : memref<1024x1xf32, #tpu.memory_space<vmem>>, vector<1024x1xf32>
    tpu.vector_store %arg7[%swap3A, %swap3A_31], %add3A_30 {strides = array<i32>} : memref<1024x1xf32, #tpu.memory_space<vmem>>, vector<1024x1xf32>,
    return
  }
  func.func @transform_0(%arg0: i32) -> (i32, i32, i32) {
    %c0_i32 = arith.constant 0 : i32
    %c0_i32_0 = arith.constant 0 : i32
    %c0_i32_1 = arith.constant 0 : i32
    return %c0_i32, %arg0, %c0_i32_0 : i32, i32, i32
  }
  func.func @transform_1(%arg0: i32) -> (i32, i32) {
    %c0_i32 = arith.constant 0 : i32
    %c0_i32_0 = arith.constant 0 : i32
    return %arg0, %c0_i32 : i32, i32
  }
  func.func @transform_2(%arg0: i32) -> (i32, i32) {
    %c0_i32 = arith.constant 0 : i32
    %c0_i32_0 = arith.constant 0 : i32
    return %arg0, %c0_i32 : i32, i32
  }
  func.func @transform_3(%arg0: i32) -> (i32, i32) {
    %c0_i32 = arith.constant 0 : i32
    %c0_i32_0 = arith.constant 0 : i32
    %c0_i32_1 = arith.constant 0 : i32
    return %c0_i32, %c0_i32_0 : i32, i32
  }
  func.func @transform_4(%arg0: i32) -> (i32, i32) {
    %c0_i32 = arith.constant 0 : i32
    %c0_i32_0 = arith.constant 0 : i32
    %c0_i32_1 = arith.constant 0 : i32
    return %c0_i32, %c0_i32_0 : i32, i32
  }
  func.func @transform_5(%arg0: i32) -> (i32, i32) {
    %c0_i32 = arith.constant 0 : i32
    %c0_i32_0 = arith.constant 0 : i32
    %c0_i32_1 = arith.constant 0 : i32
    return %c0_i32, %c0_i32_0 : i32, i32
  }
  func.func @transform_6(%arg0: i32) -> (i32, i32) {
    %c0_i32 = arith.constant 0 : i32
    %c0_i32_0 = arith.constant 0 : i32
    return %arg0, %c0_i32 : i32, i32
  }
}

</mosaic_0001>

<sc_bundles>
// kernel: kernel.11.cloned.1.call-start
scs
__scs_entry_jumppad:
0x0: {  	(pc) =	sbr.rel $0x88, $3  }
0x1: {  	(tag) =	ssettag $0x0;
	lr =	simm.s32 $0x1  }
0x2: {  	[smem:$0x3F99] =	sst lr;
	_ =	strace $0xD0000000  }
0x3: {  	_ = 	snop  }
0x4: {  	_ = 	snop  }
0x5: {  	_ = 	snop  }
0x6: {  	_ = 	snop  }
0x7: {  	_ = 	snop  }
__scs_overlays_trampoline_lowered:
0x8: {  	[smem:$0x3FA8] =	sst s0  }
0x9: {  	[smem:$0x3FA9] =	sst s1  }
0xa: {  	[smem:$0x3FAA] =	sst s2  }
0xb: {  	[smem:$0x3FAB] =	sst s3  }
0xc: {  	[smem:$0x3FAC] =	sst s4  }
0xd: {  	[smem:$0x3FAD] =	sst s5  }
0xe: {  	[smem:$0x3FAE] =	sst s6  }
0xf: {  	[smem:$0x3FAF] =	sst s7  }
0x10: {  	[smem:$0x3FB0] =	sst s8  }
0x11: {  	[smem:$0x3FB1] =	sst s9;
	s0 =	simm.s32 @!p0 $0x0  }
0x12: {  	s1 =	sld [smem:$0x3F97];
	s0 =	simm.s32 @p0 $0x1  }
0x13: {  	[smem:$0x3FB2] =	sst s0;
	s0 =	simm.s32 @!p1 $0x0  }
0x14: {  	s2 =	sld [smem:$0x3F96];
	s0 =	simm.s32 @p1 $0x1  }
0x15: {  	[smem:$0x3FB3] =	sst s0;
	s0 =	simm.s32 @!p2 $0x0  }
0x16: {  	s3 =	sld [smem:$0x3FDB];
	s0 =	simm.s32 @p2 $0x1  }
0x17: {  	s4 =	simm.s32 $0x1BF5;
	[smem:$0x3FB5] =	sst s0  }
0x18: {  	s0 =	sld [smem:$0x3F98];
	_ =	swait.ge [sflag:s4], $0x0  }
0x19: {  	s7 =	sld [smem:$0x3F99]  }
0x1a: {  	s8 =	sadd.s32 $0xFFFFE003, lr  }
0x1b: {  	s9 =	sadd.s32 $0xFFFFFEF7, lr;
	s5 =	simm.s32 $0xFFFFFFFF;
	p2 =	slt.u32 s8, $0xFFFFF086  }
0x1c: {  	p1 =	slt.u32 s9, $0xF7A;
	s5 =	simm.s32 @!p2 $0x0  }
0x1d: {  	s5 =	simm.s32 @p1 $0x1;
	p0 =	seq.s32 s7, s2  }
0x1e: {  	s7 =	smul.u32 @!p0 $0xF7A, s2;
	p2 =	seq.s32 @!p0 s5, $0x0  }
0x1f: {  	s9 =	smul.u32 $0xF7A, s1;
	s8 =	simm.s32 @!p0 $0x1BF5;
	p2 =	por !p2, p0  }
0x20: {  	[sflag:s8] =	ssyncset.s32 @!p0 $0xFFFFF086;
	s6 =	sadd.s32 @!p0 s3, s7;
	s7 =	simm.s32 @!p0 $0x108  }
0x21: {  	s3 =	sadd.s32 s3, s9;
	s6 =	sadd.s32 @!p0 $0x88, s6;
	s7 =	simm.s32 @p2 $0x1082  }
0x22: {  	[simem:s7], [sflag:s8] =	dma.local @!p0 [hbm:s6], $0xF7A  }
0x23: {  	s9 =	sor.u32 $0xD0000000, s2;
	s6 =	simm.s32 $0x108;
	_ =	swait.ge @!p0 [sflag:s8], $0x0  }
0x24: {  	s3 =	sadd.s32 $0x88, s3;
	s6 =	simm.s32 @!p1 $0x1082;
	[sflag:s4] =	ssyncset.s32 $0xFFFFF086  }
0x25: {  	[simem:s6], [sflag:s4] =	dma.local [hbm:s3], $0xF7A  }
0x26: {  	[smem:$0x3F99] =	sst s1;
	(tag) =	ssettag s2;
	_ =	strace s9  }
0x27: {  	s1 =	sld [smem:$0x3FA9]  }
0x28: {  	s2 =	sld [smem:$0x3FAA]  }
0x29: {  	s4 =	sld [smem:$0x3FAC]  }
0x2a: {  	p0 =	seq.s32 s5, $0x0;
	s5 =	sld [smem:$0x3FAD]  }
0x2b: {  	s6 =	sld [smem:$0x3FAE]  }
0x2c: {  	s7 =	sld [smem:$0x3FAF]  }
0x2d: {  	s3 =	simm.s32 $0x108;
	s8 =	sld [smem:$0x3FB0]  }
0x2e: {  	s3 =	simm.s32 @!p0 $0x1082;
	s9 =	sld [smem:$0x3FB1]  }
0x2f: {  	lr =	sadd.s32 s0, s3;
	s0 =	sld [smem:$0x3FA8]  }
0x30: {  	s3 =	sld [smem:$0x3FAB]  }
0x31: {  	[smem:$0x3FB4] =	sst s10  }
0x32: {  	s10 =	sld [smem:$0x3FB2];
	_ =	sdelay $0x3  }
0x33: {  	p0 =	seq.s32 s10, $0x1;
	s10 =	sld [smem:$0x3FB4];
	_ =	sdelay $0x3  }
0x34: {  	[smem:$0x3FB4] =	sst s10  }
0x35: {  	s10 =	sld [smem:$0x3FB3];
	_ =	sdelay $0x3  }
0x36: {  	p1 =	seq.s32 s10, $0x1;
	s10 =	sld [smem:$0x3FB4];
	_ =	sdelay $0x3  }
0x37: {  	[smem:$0x3FB4] =	sst s10  }
0x38: {  	s10 =	sld [smem:$0x3FB5]  }
0x39: {  	_ = 	snop;
	(pc) =	sbr.ind lr, $3  }
0x3a: {  	_ = 	snop  }
0x3b: {  	_ = 	snop  }
0x3c: {  	p2 =	seq.s32 s10, $0x1;
	s10 =	sld [smem:$0x3FB4]  }
0x3d: {  	_ =	shalt  }
0x3e: {  	_ =	shalt  }
0x3f: {  	_ =	shalt  }
0x40: {  	_ =	shalt  }
0x41: {  	_ =	shalt  }
0x42: {  	_ =	shalt  }
0x43: {  	_ =	shalt  }
0x44: {  	_ =	shalt  }
0x45: {  	_ =	shalt  }
0x46: {  	_ =	shalt  }
0x47: {  	_ =	shalt  }
0x48: {  	_ =	shalt  }
0x49: {  	_ =	shalt  }
0x4a: {  	_ =	shalt  }
0x4b: {  	_ =	shalt  }
0x4c: {  	_ =	shalt  }
0x4d: {  	_ =	shalt  }
0x4e: {  	_ =	shalt  }
0x4f: {  	_ =	shalt  }
0x50: {  	_ =	shalt  }
0x51: {  	_ =	shalt  }
0x52: {  	_ =	shalt  }
0x53: {  	_ =	shalt  }
0x54: {  	_ =	shalt  }
0x55: {  	_ =	shalt  }
0x56: {  	_ =	shalt  }
0x57: {  	_ =	shalt  }
0x58: {  	_ =	shalt  }
0x59: {  	_ =	shalt  }
0x5a: {  	_ =	shalt  }
0x5b: {  	_ =	shalt  }
0x5c: {  	_ =	shalt  }
0x5d: {  	_ =	shalt  }
0x5e: {  	_ =	shalt  }
0x5f: {  	_ =	shalt  }
0x60: {  	_ =	shalt  }
0x61: {  	_ =	shalt  }
0x62: {  	_ =	shalt  }
0x63: {  	_ =	shalt  }
0x64: {  	_ =	shalt  }
0x65: {  	_ =	shalt  }
0x66: {  	_ =	shalt  }
0x67: {  	_ =	shalt  }
0x68: {  	_ =	shalt  }
0x69: {  	_ =	shalt  }
0x6a: {  	_ =	shalt  }
0x6b: {  	_ =	shalt  }
0x6c: {  	_ =	shalt  }
0x6d: {  	_ =	shalt  }
0x6e: {  	_ =	shalt  }
0x6f: {  	_ =	shalt  }
0x70: {  	_ =	shalt  }
0x71: {  	_ =	shalt  }
0x72: {  	_ =	shalt  }
0x73: {  	_ =	shalt  }
0x74: {  	_ =	shalt  }
0x75: {  	_ =	shalt  }
0x76: {  	_ =	shalt  }
0x77: {  	_ =	shalt  }
0x78: {  	_ =	shalt  }
0x79: {  	_ =	shalt  }
0x7a: {  	_ =	shalt  }
0x7b: {  	_ =	shalt  }
0x7c: {  	_ =	shalt  }
0x7d: {  	_ =	shalt  }
0x7e: {  	_ =	shalt  }
0x7f: {  	_ =	shalt  }
0x80: {  	_ =	shalt  }
0x81: {  	_ =	shalt  }
0x82: {  	_ =	shalt  }
0x83: {  	_ =	shalt  }
0x84: {  	_ =	shalt  }
0x85: {  	_ =	shalt  }
0x86: {  	_ =	shalt  }
0x87: {  	_ =	shalt  }
.Lfunc_end0:
.L_simem_size_0:
called_computation.1_lowered:
.L_overlay_start_0:
0x88: {  	s2 =	sld [smem:$0x3FD9]  }
0x89: {  	s3 =	sld [smem:$0x3FFE];
	_ =	sdelay $0x1  }
0x8a: {  	s1 =	srdreg.scid  }
0x8b: {  	s0 =	sand.u32 $0x1, s1  }
0x8c: {  	s16 =	sshll.u32 s0, $0xA;
	s2 =	sadd.s32 s3, s2  }
0x8d: {  	s2 =	sadd.s32 s2, s16  }
0x8e: {  	[smem:$0x3FC0] =	sst s2  }
0x8f: {  	_ = 	snop  }
0x90: {  	(tm) =	ssettm $0x1  }
0x91: {  	s17 =	sld [smem:$0x3FFB];
	_ =	sdelay $0x3  }
0x92: {  	_ =	strace s17  }
0x93: {  	s2 =	sld [smem:$0x3FFC];
	_ =	sdelay $0x3  }
0x94: {  	_ =	strace s2  }
0x95: {  	s2 =	sld [smem:$0x3FFD];
	_ =	sdelay $0x3  }
0x96: {  	_ =	strace s2  }
0x97: {  	_ =	strace $0x8FFFFFFF  }
0x98: {  	s18 =	sld [smem:$0x3FDB];
	_ =	sdelay $0x1  }
0x99: {  	s19 =	simm.s32 $_scs_section_size  }
0x9a: {  	s4 =	simm.s32 $_size__tile_overlayer_lowered;
	s5 =	simm.s32 $_tile_overlayer_lowered  }
0x9b: {  	s22 =	simm.s32 $0x1BFF;
	s21 =	sshll.u32 s5, $0x1;
	s2 =	sadd.s32 s19, s18  }
0x9c: {  	s6 =	simm.s32 $0x0;
	s20 =	sshll.u32 s4, $0x1;
	s4 =	sadd.s32 s21, s2  }
0x9d: {  	[timem:s6], [sflag:s22] =	dma.local [hbm:s4], s20  }
0x9e: {  	_ =	swait.ge [sflag:s22], s20  }
0x9f: {  	s3 =	ssub.s32 $0x0, s20;
	[sflag:s22] =	ssyncset.done $0x0  }
0xa0: {  	[sflag:s22] =	ssyncadd.s32 s3;
	_ =	sdelay $0x1  }
0xa1: {  	s23 =	simm.s32 $0x1B8B  }
0xa2: {  	_ =	swait.ge [sflag:s23], $0x1  }
0xa3: {  	[sflag:s23] =	ssyncset.done $0x0  }
0xa4: {  	s25 =	simm.s32 $0x1B8E;
	s24 =	sld [smem:$0x3FFE];
	[sflag:s23] =	ssyncadd.s32 $0xFFFFFFFF  }
0xa5: {  	s26 =	simm.s32 $execute0_lowered;
	[smem:$0x3FD2] =	sst s25  }
0xa6: {  	s4 =	sshll.u32 s26, $0x1;
	_ =	strace $0x80000049;
	[dreg:$0x1] =	wrdreg $0xFFFFFFFF  }
0xa7: {  	s28 =	simm.s32 $_size_execute0_lowered;
	s2 =	sadd.s32 s2, s4;
	[dreg:$0x0] =	wrdreg $0x0  }
0xa8: {  	s4 =	sshll.u32 s28, $0x1;
	[dreg:$0x2] =	wrdreg s2  }
0xa9: {  	[dreg:$0x3] =	wrdreg s4  }
0xaa: {  	[dreg:$0x4] =	wrdreg $0xC0  }
0xab: {  	_ =	task [dreg:s6], $0x5FFFF  }
0xac: {  	[dreg:$0x1] =	wrdreg $0xFFFFFFFF  }
0xad: {  	[dreg:$0x0] =	wrdreg $0x60  }
0xae: {  	[dreg:$0x2] =	wrdreg s24  }
0xaf: {  	[dreg:$0x3] =	wrdreg $0xAD000  }
0xb0: {  	[dreg:$0x4] =	wrdreg $0x9  }
0xb1: {  	_ =	task.clear_ibuf [dreg:s6], $0x5FFFF;
	_ =	strace $0x90000049  }
0xb2: {  	s29 =	simm.s32 $0x9;
	_ =	strace $0x8000004B  }
0xb3: {  	_ =	swait.ge [sflag:s29], $0x1  }
0xb4: {  	[sflag:s29] =	ssyncadd.s32 $0xFFFFFFFF  }
0xb5: {  	_ =	strace $0x9000004B  }
0xb6: {  	_ =	sfence  }
0xb7: {  	s30 =	sld [smem:$0x0];
	_ =	sdelay $0x2  }
0xb8: {  	s31 =	sshll.u32 s1, $0xD;
	s1 =	sshrl.u32 s1, $0x2  }
0xb9: {  	s3 =	sand.u32 $0x4000, s31;
	s1 =	sadd.s32 s1, s30  }
0xba: {  	s0 =	sor.u32 s3, s0;
	s1 =	sshll.u32 s1, $0x11  }
0xbb: {  	s0 =	sor.u32 s1, s0  }
0xbc: {  	s0 =	sadd.s32 $0x8F2B, s0  }
0xbd: {  	[sflag:s0] =	ssyncadd.remote.s32 $0x1  }
0xbe: {  	_ =	sfence.sel $0xFFFF  }
0xbf: {  	[dreg:$0x0] =	wrdreg $0xFFFFFFFF;
	(pc) =	sbr.abs _section_cstart, $3  }
0xc0: {  	[dreg:$0x1] =	wrdreg $0xFFFFFFFF  }
0xc1: {  	_ =	task.clear_ibuf [dreg:s6], $0x2FFFF;
	_ =	strace $0x9FFFFFFF  }
0xc2: {  	(tm) =	ssettm $0x7FFFFFFF  }
0xc3: {  	_ =	shalt  }
tec
execute0_lowered:
.L_overlay_start_1:
0x0: {  	(tag) =	ssettag $0x1  }
0x1: {  	s0 =	rddreg [dreg:$0x0]  }
0x2: {  	s2 =	rddreg [dreg:$0x1];
	s3 =	simm.s32 $0x0  }
0x3: {  	s21 =	stileid.u32;
	s5 =	srdreg.scid;
	s15 =	simm.s32 $0x2D00  }
0x4: {  	s16 =	simm.s32 $0x5;
	s17 =	simm.s32 $0x2C00;
	s18 =	simm.s32 $0x2C80  }
0x5: {  	s19 =	simm.s32 $0x80;
	s20 =	simm.s32 $0x6D00;
	s1 =	smul.u32 $0x500, s21  }
0x6: {  	s30 =	simm.s32 $0x0;
	[smem:$0x7FF] =	sst s3;
	s6 =	smul.u32 $0x50000, s21  }
0x7: {  	s4 =	sadd.s32 $0x6800, s0;
	s11 =	sand.u32 $0x1, s5;
	s12 =	smul.u32 $0x4F000, s21  }
0x8: {  	s13 =	smul.u32 $0x278, s21;
	p0 =	seq.s32 s21, $0xF;
	s21 =	simm.s32 $0x1  }
0x9: {  	_ =	strace $0x8000004A;
	s7 =	ssub.s32 $0x2, s11;
	s28 =	smul.u32 $0x2710, s11  }
0xa: {  	s14 =	smul.u32 $0x138800, s11;
	s1 =	sadd.s32 s1, s0;
	s0 =	sadd.s32 $0x5B800, s0  }
0xb: {  	s22 =	sshrl.u32 s6, $0x2;
	s23 =	sshrl.u32 s7, $0x1;
	s26 =	sshrl.u32 s12, $0x2  }
0xc: {  	s5 =	sadd.s32 s22, s2;
	s6 =	ssub.s32 s7, s23;
	s10 =	sadd.s32 $0x56800, s1  }
0xd: {  	s11 =	sadd.s32 $0x1800, s1;
	s29 =	sadd.s32 s13, s28;
	s1 =	sadd.s32 s26, s2  }
0xe: {  	s31 =	sshrl.u32 s14, $0x3;
	s23 =	sadd.s32 $0x128400, s2;
	s22 =	simm.s32 $0x3  }
0xf: {  	s26 =	simm.s32 $0x4;
	s24 =	sadd.s32 $0x4000, s5;
	s25 =	sadd.s32 $0x8000, s5  }
0x10: {  	s8 =	sadd.s32 $0xC000, s5;
	s9 =	sadd.s32 $0x10000, s5;
	s12 =	sshll.u32 s29, $0x4  }
0x11: {  	s14 =	smax.u32 s6, $0x1;
	s23 =	sshrl.u32 @p0 s23, $0x3;
	[dreg:$0x3] =	wrdreg s24  }
0x12: {  	[dreg:$0x4] =	wrdreg s25;
	s12 =	sadd.s32 s0, s12;
	s0 =	sadd.s32 s0, s31  }
0x13: {  	v1 =	vimm.f32 $0.0e+00;
	v2 =	vimm.s32 $0x0;
	v0 =	vmov s28;
	s24 =	sshrl.u32 @!p0 s1, $0x3;
	s25 =	simm.s32 $0x2;
	s13 =	sadd.s32 $0x25080, s0  }
.LBB2_1:
0x14: {  	s0 =	simm.s32 $0x0;
	s28 =	simm.s32 $0x200  }
.LBB2_2:
0x15: {  	p1 =	sne.s32 s28, $0xFE00;
	[tilespmem:s0+$0x2D70] =	vst v1  }
0x16: {  	[tilespmem:s0+$0x2D00] =	vst v1  }
0x17: {  	[tilespmem:s0+$0x2D10] =	vst v1  }
.Ltmp0:
0x18: {  	[tilespmem:s0+$0x2D20] =	vst v1;
	(pc) =	sbr.rel @p1 .LBB2_2-.Ltmp0, $4  }
0x19: {  	[tilespmem:s0+$0x2D30] =	vst v1  }
0x1a: {  	[tilespmem:s0+$0x2D40] =	vst v1  }
0x1b: {  	[tilespmem:s0+$0x2D50] =	vst v1  }
0x1c: {  	[tilespmem:s0+$0x2D60] =	vst v1;
	s0 =	sshra.s32 s28, $0x2;
	s28 =	sadd.s32 $0x200, s28  }
0x1d: {  	[tilespmem:s0+$0x2D70] =	vst v1  }
0x1e: {  	[tilespmem:s0+$0x2D00] =	vst v1  }
0x1f: {  	[tilespmem:s0+$0x2D10] =	vst v1  }
0x20: {  	[tilespmem:s0+$0x2D20] =	vst v1  }
0x21: {  	[tilespmem:s0+$0x2D30] =	vst v1  }
0x22: {  	[tilespmem:s0+$0x2D40] =	vst v1  }
0x23: {  	[tilespmem:s0+$0x2D50] =	vst v1  }
0x24: {  	[tilespmem:s0+$0x2D60] =	vst v1  }
0x25: {  	[spmem:s5] =	stream.linear.scatter [tilespmem:s15], [sflag:$0x5], $0x4000, $0x38;
	[tilespmem:$0x1ED00] =	vst v63  }
0x26: {  	_ =	swait.ge [sflag:s16], $0x4000  }
0x27: {  	[sflag:s16] =	ssyncset.done $0x0  }
0x28: {  	s7 =	rddreg [dreg:$0x3];
	[sflag:s16] =	ssyncadd.s32 $0xFFFFC000  }
0x29: {  	[spmem:s7] =	stream.linear.scatter [tilespmem:s15], [sflag:$0x5], $0x4000, $0x38;
	[tilespmem:$0x1ED00] =	vst v63  }
0x2a: {  	_ =	swait.ge [sflag:s16], $0x4000  }
0x2b: {  	[sflag:s16] =	ssyncset.done $0x0  }
0x2c: {  	s29 =	rddreg [dreg:$0x4];
	[sflag:s16] =	ssyncadd.s32 $0xFFFFC000  }
0x2d: {  	[spmem:s29] =	stream.linear.scatter [tilespmem:s15], [sflag:$0x5], $0x4000, $0x38;
	[tilespmem:$0x1ED00] =	vst v63  }
0x2e: {  	_ =	swait.ge [sflag:s16], $0x4000  }
0x2f: {  	[sflag:s16] =	ssyncset.done $0x0  }
0x30: {  	[sflag:s16] =	ssyncadd.s32 $0xFFFFC000  }
0x31: {  	[spmem:s8] =	stream.linear.scatter [tilespmem:s15], [sflag:$0x5], $0x4000, $0x38;
	[tilespmem:$0x1ED00] =	vst v63  }
0x32: {  	_ =	swait.ge [sflag:s16], $0x4000  }
0x33: {  	[sflag:s16] =	ssyncset.done $0x0  }
0x34: {  	[sflag:s16] =	ssyncadd.s32 $0xFFFFC000  }
0x35: {  	[spmem:s9] =	stream.linear.scatter [tilespmem:s15], [sflag:$0x5], $0x4000, $0x38;
	[tilespmem:$0x1ED00] =	vst v63  }
0x36: {  	_ =	swait.ge [sflag:s16], $0x4000  }
0x37: {  	[sflag:s16] =	ssyncset.done $0x0  }
0x38: {  	[sflag:s16] =	ssyncadd.s32 $0xFFFFC000  }
0x39: {  	s31 =	simm.s32 $0x0;
	[bflag:$0x0] =	sbarrier.arrive $0xFFFF  }
0x3a: {  	[tilespmem:s31], [sflag:$0x5] =	stream.linear.gather [hbm4b:s10+s31], $0x2800, $0x38;
	[tilespmem:$0x1ED00] =	vst v63  }
0x3b: {  	_ =	swait.ge [sflag:s16], $0x2800  }
0x3c: {  	[sflag:s16] =	ssyncset.done $0x0  }
0x3d: {  	[sflag:s16] =	ssyncadd.s32 $0xFFFFD800  }
0x3e: {  	[tilespmem:$0x2800] =	vst v2  }
0x3f: {  	[tilespmem:$0x2810] =	vst v2  }
0x40: {  	[tilespmem:$0x2820] =	vst v2  }
0x41: {  	[tilespmem:$0x2830] =	vst v2  }
0x42: {  	[tilespmem:$0x2840] =	vst v2  }
0x43: {  	[tilespmem:$0x2850] =	vst v2  }
0x44: {  	[tilespmem:$0x2860] =	vst v2  }
0x45: {  	s0 =	simm.s32 $0x0;
	[tilespmem:$0x2870] =	vst v2  }
0x46: {  	v5 =	vld [tilespmem:s0+$0x0]  }
0x47: {  	v7 =	vld [tilespmem:s0+$0x10]  }
0x48: {  	v6 =	vld [tilespmem:s0+$0x20]  }
0x49: {  	v4 =	vld [tilespmem:s0+$0x30]  }
0x4a: {  	v3 =	vld [tilespmem:s0+$0x40]  }
0x4b: {  	v8 =	vadd.s32 v0, v5;
	v5 =	vld [tilespmem:s0+$0x50]  }
0x4c: {  	s28 =	simm.s32 $0x200;
	[tilespmem:s0+$0x0] =	vst v8;
	v8 =	vadd.s32 v0, v7;
	v7 =	vld [tilespmem:s0+$0x60]  }
.LBB2_4:
0x4d: {  	s1 =	sshra.s32 s28, $0x2;
	p1 =	sne.s32 s28, $0x9E00;
	[tilespmem:s0+$0x10] =	vst v8;
	v6 =	vadd.s32 v0, v6;
	v8 =	vld [tilespmem:s0+$0x70]  }
0x4e: {  	v9 =	vld [tilespmem:s1+$0x0];
	[tilespmem:s0+$0x20] =	vst v6;
	v4 =	vadd.s32 v0, v4  }
0x4f: {  	v10 =	vld [tilespmem:s1+$0x10];
	[tilespmem:s0+$0x30] =	vst v4;
	v3 =	vadd.s32 v0, v3  }
.Ltmp1:
0x50: {  	v6 =	vld [tilespmem:s1+$0x20];
	[tilespmem:s0+$0x40] =	vst v3;
	v3 =	vadd.s32 v0, v5;
	(pc) =	sbr.rel @p1 .LBB2_4-.Ltmp1, $4  }
0x51: {  	v4 =	vld [tilespmem:s1+$0x30];
	[tilespmem:s0+$0x50] =	vst v3;
	v5 =	vadd.s32 v0, v7  }
0x52: {  	v3 =	vld [tilespmem:s1+$0x40];
	[tilespmem:s0+$0x60] =	vst v5;
	v7 =	vadd.s32 v0, v8  }
0x53: {  	v8 =	vadd.s32 v0, v9;
	v5 =	vld [tilespmem:s1+$0x50];
	[tilespmem:s0+$0x70] =	vst v7;
	s0 =	smov.u32 s1  }
0x54: {  	s28 =	sadd.s32 $0x200, s28;
	[tilespmem:s0+$0x0] =	vst v8;
	v8 =	vadd.s32 v0, v10;
	v7 =	vld [tilespmem:s0+$0x60]  }
0x55: {  	[tilespmem:s0+$0x10] =	vst v8;
	v6 =	vadd.s32 v0, v6;
	v63 =	vld [tilespmem:s0+$0x70]  }
0x56: {  	[tilespmem:s0+$0x20] =	vst v6;
	v4 =	vadd.s32 v0, v4  }
0x57: {  	[tilespmem:s0+$0x30] =	vst v4;
	v3 =	vadd.s32 v0, v3  }
0x58: {  	[tilespmem:s0+$0x40] =	vst v3;
	v3 =	vadd.s32 v0, v5  }
0x59: {  	[tilespmem:s0+$0x50] =	vst v3;
	v3 =	vadd.s32 v0, v7  }
0x5a: {  	s7 =	simm.s32 $0x0;
	[tilespmem:s0+$0x60] =	vst v3;
	v3 =	vadd.s32 v0, v63  }
0x5b: {  	s6 =	simm.s32 $0x10;
	[tilespmem:s0+$0x70] =	vst v3;
	s0 =	sand.u32 $0x780, s7  }
0x5c: {  	[tilespmem:s17], [sflag:$0x3] =	stream.linear.gather [hbm4b:s11+s7], $0x80, $0x38;
	[tilespmem:$0x1ED00] =	vst v63  }
0x5d: {  	s1 =	simm.s32 $0x80;
	s6 =	sand.u32 $0x70, s6;
	s0 =	sadd.s32 s11, s0  }
0x5e: {  	[tilespmem:s15], [sflag:$0x1] =	stream.indirect.gather [hbm4b:s4+s1], $0x80, s7, s1, $0xb8;
	[tilespmem:$0x1ED00] =	vst v63  }
0x5f: {  	s0 =	sadd.s32 s6, s0  }
0x60: {  	[tilespmem:s18], [sflag:$0x4] =	stream.linear.gather [hbm4b:s0+s3], $0x80, $0x38;
	[tilespmem:$0x1ED00] =	vst v63  }
0x61: {  	_ = 	snop  }
0x62: {  	[tilespmem:s20], [sflag:$0x2] =	stream.indirect.gather [hbm4b:s4+s19], $0x80, s1, s19, $0xb8;
	[tilespmem:$0x1ED00] =	vst v63  }
0x63: {  	_ =	swait.ge [sflag:s21], $0x4000  }
0x64: {  	[sflag:s21] =	ssyncset.done $0x0  }
0x65: {  	[sflag:s21] =	ssyncadd.s32 $0xFFFFC000  }
0x66: {  	_ =	swait.ge [sflag:s22], $0x80  }
0x67: {  	[sflag:s22] =	ssyncset.done $0x0  }
0x68: {  	[sflag:s22] =	ssyncadd.s32 $0xFFFFFF80  }
0x69: {  	[spmem:s2] =	stream.indirect.scatter.add.f32 [tilespmem:s15], [sflag:$0x5], $0x80, s17, s19, $0xb8;
	[tilespmem:$0x1ED00] =	vst v63  }
0x6a: {  	_ =	swait.ge [sflag:s16], $0x4000  }
0x6b: {  	s31 =	sadd.s32 $0x20, s11;
	[sflag:s16] =	ssyncset.done $0x0  }
0x6c: {  	s1 =	sadd.s32 $0x0, s31;
	[sflag:s16] =	ssyncadd.s32 $0xFFFFC000  }
0x6d: {  	[tilespmem:s17], [sflag:$0x3] =	stream.linear.gather [hbm4b:s1+s3], $0x80, $0x38;
	[tilespmem:$0x1ED00] =	vst v63  }
0x6e: {  	s6 =	simm.s32 $0x100  }
0x6f: {  	[tilespmem:s15], [sflag:$0x1] =	stream.indirect.gather [hbm4b:s4+s19], $0x80, s6, s19, $0xb8;
	[tilespmem:$0x1ED00] =	vst v63  }
0x70: {  	_ =	swait.ge [sflag:s25], $0x4000  }
0x71: {  	[sflag:s25] =	ssyncset.done $0x0  }
0x72: {  	[sflag:s25] =	ssyncadd.s32 $0xFFFFC000  }
0x73: {  	_ =	swait.ge [sflag:s26], $0x80  }
0x74: {  	s29 =	simm.s32 $0x40;
	[sflag:s26] =	ssyncset.done $0x0  }
0x75: {  	s28 =	simm.s32 $0x180;
	s0 =	simm.s32 $0x20;
	[sflag:s26] =	ssyncadd.s32 $0xFFFFFF80  }
0x76: {  	[spmem:s2] =	stream.indirect.scatter.add.f32 [tilespmem:s20], [sflag:$0x5], $0x80, s18, s19, $0xb8;
	[tilespmem:$0x1ED00] =	vst v63  }
0x77: {  	s7 =	simm.s32 $0x30;
	s6 =	sand.u32 $0x780, s0;
	_ =	swait.ge [sflag:s16], $0x4000  }
0x78: {  	s1 =	sand.u32 $0x70, s7;
	s6 =	sadd.s32 s11, s6;
	[sflag:s16] =	ssyncset.done $0x0  }
.LBB2_6:
0x79: {  	s1 =	sadd.s32 s1, s6  }
0x7a: {  	[sflag:s16] =	ssyncadd.s32 $0xFFFFC000;
	s6 =	smov.u32 s29;
	s7 =	sadd.s32 $0x20, s29  }
0x7b: {  	[tilespmem:s18], [sflag:$0x4] =	stream.linear.gather [hbm4b:s1+s3], $0x80, $0x38;
	[tilespmem:$0x1ED00] =	vst v63  }
0x7c: {  	p1 =	sne.s32 s29, $0x4C0  }
0x7d: {  	[tilespmem:s20], [sflag:$0x2] =	stream.indirect.gather [hbm4b:s4+s19], $0x80, s28, s19, $0xb8;
	[tilespmem:$0x1ED00] =	vst v63  }
0x7e: {  	_ =	swait.ge [sflag:s21], $0x4000  }
0x7f: {  	[sflag:s21] =	ssyncset.done $0x0  }
0x80: {  	[sflag:s21] =	ssyncadd.s32 $0xFFFFC000  }
0x81: {  	_ =	swait.ge [sflag:s22], $0x80  }
0x82: {  	[sflag:s22] =	ssyncset.done $0x0  }
0x83: {  	[sflag:s22] =	ssyncadd.s32 $0xFFFFFF80  }
0x84: {  	[spmem:s2] =	stream.indirect.scatter.add.f32 [tilespmem:s15], [sflag:$0x5], $0x80, s17, s19, $0xb8;
	[tilespmem:$0x1ED00] =	vst v63  }
0x85: {  	_ =	swait.ge [sflag:s16], $0x4000  }
0x86: {  	[sflag:s16] =	ssyncset.done $0x0  }
0x87: {  	s1 =	sadd.s32 s0, s31;
	s0 =	smov.u32 s6;
	[sflag:s16] =	ssyncadd.s32 $0xFFFFC000  }
0x88: {  	[tilespmem:s17], [sflag:$0x3] =	stream.linear.gather [hbm4b:s1+s3], $0x80, $0x38;
	[tilespmem:$0x1ED00] =	vst v63  }
0x89: {  	s1 =	sadd.s32 $0x80, s28  }
0x8a: {  	[tilespmem:s15], [sflag:$0x1] =	stream.indirect.gather [hbm4b:s4+s19], $0x80, s1, s19, $0xb8;
	[tilespmem:$0x1ED00] =	vst v63  }
0x8b: {  	_ =	swait.ge [sflag:s25], $0x4000  }
0x8c: {  	[sflag:s25] =	ssyncset.done $0x0  }
0x8d: {  	[sflag:s25] =	ssyncadd.s32 $0xFFFFC000  }
0x8e: {  	_ =	swait.ge [sflag:s26], $0x80  }
.Ltmp2:
0x8f: {  	[sflag:s26] =	ssyncset.done $0x0;
	(pc) =	sbr.rel @p1 .LBB2_6-.Ltmp2, $4  }
0x90: {  	s29 =	smov.u32 s7;
	s28 =	sadd.s32 $0x100, s28;
	[sflag:s26] =	ssyncadd.s32 $0xFFFFFF80  }
0x91: {  	[spmem:s2] =	stream.indirect.scatter.add.f32 [tilespmem:s20], [sflag:$0x5], $0x80, s18, s19, $0xb8;
	[tilespmem:$0x1ED00] =	vst v63  }
0x92: {  	s6 =	sand.u32 $0x780, s0;
	s1 =	sadd.s32 $0x10, s0;
	_ =	swait.ge [sflag:s16], $0x4000  }
0x93: {  	s6 =	sadd.s32 s11, s6;
	s1 =	sand.u32 $0x70, s1;
	[sflag:s16] =	ssyncset.done $0x0  }
0x94: {  	s1 =	sadd.s32 s1, s6;
	[sflag:s16] =	ssyncadd.s32 $0xFFFFC000  }
0x95: {  	[tilespmem:s18], [sflag:$0x4] =	stream.linear.gather [hbm4b:s1+s3], $0x80, $0x38;
	[tilespmem:$0x1ED00] =	vst v63  }
0x96: {  	_ = 	snop  }
0x97: {  	[tilespmem:s20], [sflag:$0x2] =	stream.indirect.gather [hbm4b:s4+s19], $0x80, s28, s19, $0xb8;
	[tilespmem:$0x1ED00] =	vst v63  }
0x98: {  	_ =	swait.ge [sflag:s21], $0x4000  }
0x99: {  	[sflag:s21] =	ssyncset.done $0x0  }
0x9a: {  	[sflag:s21] =	ssyncadd.s32 $0xFFFFC000  }
0x9b: {  	_ =	swait.ge [sflag:s22], $0x80  }
0x9c: {  	[sflag:s22] =	ssyncset.done $0x0  }
0x9d: {  	[sflag:s22] =	ssyncadd.s32 $0xFFFFFF80  }
0x9e: {  	[spmem:s2] =	stream.indirect.scatter.add.f32 [tilespmem:s15], [sflag:$0x5], $0x80, s17, s19, $0xb8;
	[tilespmem:$0x1ED00] =	vst v63  }
0x9f: {  	_ =	swait.ge [sflag:s16], $0x4000  }
0xa0: {  	[sflag:s16] =	ssyncset.done $0x0  }
0xa1: {  	s0 =	sadd.s32 s0, s31;
	[sflag:s16] =	ssyncadd.s32 $0xFFFFC000  }
0xa2: {  	[tilespmem:s17], [sflag:$0x3] =	stream.linear.gather [hbm4b:s0+s3], $0x80, $0x38;
	[tilespmem:$0x1ED00] =	vst v63  }
0xa3: {  	s7 =	sadd.s32 $0x80, s28  }
0xa4: {  	[tilespmem:s15], [sflag:$0x1] =	stream.indirect.gather [hbm4b:s4+s19], $0x80, s7, s19, $0xb8;
	[tilespmem:$0x1ED00] =	vst v63  }
0xa5: {  	_ =	swait.ge [sflag:s25], $0x4000  }
0xa6: {  	[sflag:s25] =	ssyncset.done $0x0  }
0xa7: {  	[sflag:s25] =	ssyncadd.s32 $0xFFFFC000  }
0xa8: {  	_ =	swait.ge [sflag:s26], $0x80  }
0xa9: {  	[sflag:s26] =	ssyncset.done $0x0  }
0xaa: {  	[sflag:s26] =	ssyncadd.s32 $0xFFFFFF80  }
0xab: {  	[spmem:s2] =	stream.indirect.scatter.add.f32 [tilespmem:s20], [sflag:$0x5], $0x80, s18, s19, $0xb8;
	[tilespmem:$0x1ED00] =	vst v63  }
0xac: {  	_ =	swait.ge [sflag:s16], $0x4000  }
0xad: {  	[sflag:s16] =	ssyncset.done $0x0  }
0xae: {  	s28 =	sadd.s32 $0x4F0, s11;
	[sflag:s16] =	ssyncadd.s32 $0xFFFFC000  }
0xaf: {  	[tilespmem:s18], [sflag:$0x4] =	stream.linear.gather [hbm4b:s28+s3], $0x80, $0x38;
	[tilespmem:$0x1ED00] =	vst v63  }
0xb0: {  	s29 =	simm.s32 $0x2780  }
0xb1: {  	[tilespmem:s20], [sflag:$0x2] =	stream.indirect.gather [hbm4b:s4+s19], $0x80, s29, s19, $0xb8;
	[tilespmem:$0x1ED00] =	vst v63  }
0xb2: {  	_ =	swait.ge [sflag:s21], $0x4000  }
0xb3: {  	[sflag:s21] =	ssyncset.done $0x0  }
0xb4: {  	[sflag:s21] =	ssyncadd.s32 $0xFFFFC000  }
0xb5: {  	_ =	swait.ge [sflag:s22], $0x80  }
0xb6: {  	[sflag:s22] =	ssyncset.done $0x0  }
0xb7: {  	[sflag:s22] =	ssyncadd.s32 $0xFFFFFF80  }
0xb8: {  	[spmem:s2] =	stream.indirect.scatter.add.f32 [tilespmem:s15], [sflag:$0x5], $0x80, s17, s19, $0xb8;
	[tilespmem:$0x1ED00] =	vst v63  }
0xb9: {  	_ =	swait.ge [sflag:s16], $0x4000  }
0xba: {  	[sflag:s16] =	ssyncset.done $0x0  }
0xbb: {  	[sflag:s16] =	ssyncadd.s32 $0xFFFFC000  }
0xbc: {  	[tilespmem:s17], [sflag:$0x3] =	stream.linear.gather [hbm4b:s28+s3], $0x80, $0x38;
	[tilespmem:$0x1ED00] =	vst v63  }
0xbd: {  	s31 =	simm.s32 $0x2800  }
0xbe: {  	[tilespmem:s15], [sflag:$0x1] =	stream.indirect.gather [hbm4b:s4+s19], $0x80, s31, s19, $0xb8;
	[tilespmem:$0x1ED00] =	vst v63  }
0xbf: {  	_ =	swait.ge [sflag:s25], $0x4000  }
0xc0: {  	[sflag:s25] =	ssyncset.done $0x0  }
0xc1: {  	[sflag:s25] =	ssyncadd.s32 $0xFFFFC000  }
0xc2: {  	_ =	swait.ge [sflag:s26], $0x80  }
0xc3: {  	[sflag:s26] =	ssyncset.done $0x0  }
0xc4: {  	[sflag:s26] =	ssyncadd.s32 $0xFFFFFF80  }
0xc5: {  	[spmem:s2] =	stream.indirect.scatter.add.f32 [tilespmem:s20], [sflag:$0x5], $0x80, s18, s19, $0xb8;
	[tilespmem:$0x1ED00] =	vst v63  }
0xc6: {  	_ =	swait.ge [sflag:s16], $0x4000  }
0xc7: {  	[sflag:s16] =	ssyncset.done $0x0  }
0xc8: {  	[sflag:s16] =	ssyncadd.s32 $0xFFFFC000  }
0xc9: {  	_ =	swait.ge [sflag:s21], $0x4000  }
0xca: {  	[sflag:s21] =	ssyncset.done $0x0  }
0xcb: {  	[sflag:s21] =	ssyncadd.s32 $0xFFFFC000  }
0xcc: {  	_ =	swait.ge [sflag:s22], $0x80  }
0xcd: {  	[sflag:s22] =	ssyncset.done $0x0  }
0xce: {  	[sflag:s22] =	ssyncadd.s32 $0xFFFFFF80  }
0xcf: {  	s0 =	simm.s32 @p0 $0x1FC5;
	[bflag:$0x0] =	sbarrier.arrive $0xFFFF  }
0xd0: {  	[hbm:s13], [sflag:s0] =	dma.local @p0 [spmem:s23], $0x2080  }
0xd1: {  	s0 =	simm.s32 @p0 $0x5  }
0xd2: {  	s1 =	stileid.u32;
	_ =	swait.ge @p0 [sflag:s0], $0x2080  }
0xd3: {  	s30 =	sadd.s32 $0x1, s30;
	s1 =	sshll.u32 @!p0 s1, $0x6;
	[sflag:s0] =	ssyncset.done @p0 $0x0  }
0xd4: {  	p1 =	sne.s32 s30, s14;
	[sflag:s0] =	ssyncadd.s32 @p0 $0xFFFFDF80;
	s0 =	sor.u32 @!p0 $0x1C05, s1  }
0xd5: {  	[hbm:s12], [sflag:s0] =	dma.local @!p0 [spmem:s24], $0x2780  }
.Ltmp3:
0xd6: {  	_ = 	snop;
	(pc) =	sbr.rel @p1 .LBB2_1-.Ltmp3, $4  }
0xd7: {  	s0 =	simm.s32 @!p0 $0x5  }
0xd8: {  	_ =	swait.ge @!p0 [sflag:s0], $0x2780  }
0xd9: {  	[sflag:s0] =	ssyncset.done @!p0 $0x0  }
0xda: {  	[sflag:s0] =	ssyncadd.s32 @!p0 $0xFFFFD880  }
0xdb: {  	_ =	sfence.sel $0x180000  }
0xdc: {  	[bflag:$0x0] =	sbarrier.arrive $0xFFFF  }
0xdd: {  	_ =	strace $0x9000004A  }
0xde: {  	s0 =	stileid.u32;
	[bflag:$0x2] =	sbarrier.arrive $0xFFFF  }
0xdf: {  	p0 =	sne.s32 s0, $0x0;
	s0 =	rddreg [dreg:$0x2]  }
0xe0: {  	s0 =	sadd.s32 @!p0 $0x100000, s0  }
0xe1: {  	[sflag:s0] =	ssyncadd.tile.s32 @!p0 $0x1;
	_ =	shalt  }
.Lfunc_end2:
_tile_overlayer_lowered:
.L_overlay_start_2:
0xe2: {  	(tag) =	ssettag $0x2  }
0xe3: {  	s0 =	rddreg [dreg:$0x0];
	s2 =	stileid.u32  }
0xe4: {  	s1 =	rddreg [dreg:$0x1];
	p0 =	sne.s32 s2, $0x0  }
0xe5: {  	s3 =	rddreg [dreg:$0x2];
	[bflag:$0x3] =	sbarrier.arrive $0xFFFF;
	s2 =	simm.s32 @!p0 $0x1C05  }
0xe6: {  	[timem:s3], [sflag:s2] =	dma.local @!p0 [hbm:s0], s1  }
0xe7: {  	s0 =	simm.s32 @!p0 $0x5  }
0xe8: {  	_ =	swait.ge @!p0 [sflag:s0], s1  }
0xe9: {  	s1 =	ssub.s32 @!p0 $0x0, s1;
	[sflag:s0] =	ssyncset.done @!p0 $0x0  }
0xea: {  	[sflag:s0] =	ssyncadd.s32 @!p0 s1  }
0xeb: {  	[bflag:$0x3] =	sbarrier.arrive $0xFFFF  }
0xec: {  	_ =	shalt  }

// kernel: kernel.14.cloned.1.call-start
scs
__scs_entry_jumppad:
0x0: {  	(pc) =	sbr.rel $0x88, $3  }
0x1: {  	(tag) =	ssettag $0x0;
	lr =	simm.s32 $0x1  }
0x2: {  	[smem:$0x3F99] =	sst lr;
	_ =	strace $0xD0000000  }
0x3: {  	_ = 	snop  }
0x4: {  	_ = 	snop  }
0x5: {  	_ = 	snop  }
0x6: {  	_ = 	snop  }
0x7: {  	_ = 	snop  }
__scs_overlays_trampoline_lowered:
0x8: {  	[smem:$0x3FA8] =	sst s0  }
0x9: {  	[smem:$0x3FA9] =	sst s1  }
0xa: {  	[smem:$0x3FAA] =	sst s2  }
0xb: {  	[smem:$0x3FAB] =	sst s3  }
0xc: {  	[smem:$0x3FAC] =	sst s4  }
0xd: {  	[smem:$0x3FAD] =	sst s5  }
0xe: {  	[smem:$0x3FAE] =	sst s6  }
0xf: {  	[smem:$0x3FAF] =	sst s7  }
0x10: {  	[smem:$0x3FB0] =	sst s8  }
0x11: {  	[smem:$0x3FB1] =	sst s9;
	s0 =	simm.s32 @!p0 $0x0  }
0x12: {  	s1 =	sld [smem:$0x3F97];
	s0 =	simm.s32 @p0 $0x1  }
0x13: {  	[smem:$0x3FB2] =	sst s0;
	s0 =	simm.s32 @!p1 $0x0  }
0x14: {  	s2 =	sld [smem:$0x3F96];
	s0 =	simm.s32 @p1 $0x1  }
0x15: {  	[smem:$0x3FB3] =	sst s0;
	s0 =	simm.s32 @!p2 $0x0  }
0x16: {  	s3 =	sld [smem:$0x3FDB];
	s0 =	simm.s32 @p2 $0x1  }
0x17: {  	s4 =	simm.s32 $0x1BF5;
	[smem:$0x3FB5] =	sst s0  }
0x18: {  	s0 =	sld [smem:$0x3F98];
	_ =	swait.ge [sflag:s4], $0x0  }
0x19: {  	s7 =	sld [smem:$0x3F99]  }
0x1a: {  	s8 =	sadd.s32 $0xFFFFE003, lr  }
0x1b: {  	s9 =	sadd.s32 $0xFFFFFEF7, lr;
	s5 =	simm.s32 $0xFFFFFFFF;
	p2 =	slt.u32 s8, $0xFFFFF086  }
0x1c: {  	p1 =	slt.u32 s9, $0xF7A;
	s5 =	simm.s32 @!p2 $0x0  }
0x1d: {  	s5 =	simm.s32 @p1 $0x1;
	p0 =	seq.s32 s7, s2  }
0x1e: {  	s7 =	smul.u32 @!p0 $0xF7A, s2;
	p2 =	seq.s32 @!p0 s5, $0x0  }
0x1f: {  	s9 =	smul.u32 $0xF7A, s1;
	s8 =	simm.s32 @!p0 $0x1BF5;
	p2 =	por !p2, p0  }
0x20: {  	[sflag:s8] =	ssyncset.s32 @!p0 $0xFFFFF086;
	s6 =	sadd.s32 @!p0 s3, s7;
	s7 =	simm.s32 @!p0 $0x108  }
0x21: {  	s3 =	sadd.s32 s3, s9;
	s6 =	sadd.s32 @!p0 $0x88, s6;
	s7 =	simm.s32 @p2 $0x1082  }
0x22: {  	[simem:s7], [sflag:s8] =	dma.local @!p0 [hbm:s6], $0xF7A  }
0x23: {  	s9 =	sor.u32 $0xD0000000, s2;
	s6 =	simm.s32 $0x108;
	_ =	swait.ge @!p0 [sflag:s8], $0x0  }
0x24: {  	s3 =	sadd.s32 $0x88, s3;
	s6 =	simm.s32 @!p1 $0x1082;
	[sflag:s4] =	ssyncset.s32 $0xFFFFF086  }
0x25: {  	[simem:s6], [sflag:s4] =	dma.local [hbm:s3], $0xF7A  }
0x26: {  	[smem:$0x3F99] =	sst s1;
	(tag) =	ssettag s2;
	_ =	strace s9  }
0x27: {  	s1 =	sld [smem:$0x3FA9]  }
0x28: {  	s2 =	sld [smem:$0x3FAA]  }
0x29: {  	s4 =	sld [smem:$0x3FAC]  }
0x2a: {  	p0 =	seq.s32 s5, $0x0;
	s5 =	sld [smem:$0x3FAD]  }
0x2b: {  	s6 =	sld [smem:$0x3FAE]  }
0x2c: {  	s7 =	sld [smem:$0x3FAF]  }
0x2d: {  	s3 =	simm.s32 $0x108;
	s8 =	sld [smem:$0x3FB0]  }
0x2e: {  	s3 =	simm.s32 @!p0 $0x1082;
	s9 =	sld [smem:$0x3FB1]  }
0x2f: {  	lr =	sadd.s32 s0, s3;
	s0 =	sld [smem:$0x3FA8]  }
0x30: {  	s3 =	sld [smem:$0x3FAB]  }
0x31: {  	[smem:$0x3FB4] =	sst s10  }
0x32: {  	s10 =	sld [smem:$0x3FB2];
	_ =	sdelay $0x3  }
0x33: {  	p0 =	seq.s32 s10, $0x1;
	s10 =	sld [smem:$0x3FB4];
	_ =	sdelay $0x3  }
0x34: {  	[smem:$0x3FB4] =	sst s10  }
0x35: {  	s10 =	sld [smem:$0x3FB3];
	_ =	sdelay $0x3  }
0x36: {  	p1 =	seq.s32 s10, $0x1;
	s10 =	sld [smem:$0x3FB4];
	_ =	sdelay $0x3  }
0x37: {  	[smem:$0x3FB4] =	sst s10  }
0x38: {  	s10 =	sld [smem:$0x3FB5]  }
0x39: {  	_ = 	snop;
	(pc) =	sbr.ind lr, $3  }
0x3a: {  	_ = 	snop  }
0x3b: {  	_ = 	snop  }
0x3c: {  	p2 =	seq.s32 s10, $0x1;
	s10 =	sld [smem:$0x3FB4]  }
0x3d: {  	_ =	shalt  }
0x3e: {  	_ =	shalt  }
0x3f: {  	_ =	shalt  }
0x40: {  	_ =	shalt  }
0x41: {  	_ =	shalt  }
0x42: {  	_ =	shalt  }
0x43: {  	_ =	shalt  }
0x44: {  	_ =	shalt  }
0x45: {  	_ =	shalt  }
0x46: {  	_ =	shalt  }
0x47: {  	_ =	shalt  }
0x48: {  	_ =	shalt  }
0x49: {  	_ =	shalt  }
0x4a: {  	_ =	shalt  }
0x4b: {  	_ =	shalt  }
0x4c: {  	_ =	shalt  }
0x4d: {  	_ =	shalt  }
0x4e: {  	_ =	shalt  }
0x4f: {  	_ =	shalt  }
0x50: {  	_ =	shalt  }
0x51: {  	_ =	shalt  }
0x52: {  	_ =	shalt  }
0x53: {  	_ =	shalt  }
0x54: {  	_ =	shalt  }
0x55: {  	_ =	shalt  }
0x56: {  	_ =	shalt  }
0x57: {  	_ =	shalt  }
0x58: {  	_ =	shalt  }
0x59: {  	_ =	shalt  }
0x5a: {  	_ =	shalt  }
0x5b: {  	_ =	shalt  }
0x5c: {  	_ =	shalt  }
0x5d: {  	_ =	shalt  }
0x5e: {  	_ =	shalt  }
0x5f: {  	_ =	shalt  }
0x60: {  	_ =	shalt  }
0x61: {  	_ =	shalt  }
0x62: {  	_ =	shalt  }
0x63: {  	_ =	shalt  }
0x64: {  	_ =	shalt  }
0x65: {  	_ =	shalt  }
0x66: {  	_ =	shalt  }
0x67: {  	_ =	shalt  }
0x68: {  	_ =	shalt  }
0x69: {  	_ =	shalt  }
0x6a: {  	_ =	shalt  }
0x6b: {  	_ =	shalt  }
0x6c: {  	_ =	shalt  }
0x6d: {  	_ =	shalt  }
0x6e: {  	_ =	shalt  }
0x6f: {  	_ =	shalt  }
0x70: {  	_ =	shalt  }
0x71: {  	_ =	shalt  }
0x72: {  	_ =	shalt  }
0x73: {  	_ =	shalt  }
0x74: {  	_ =	shalt  }
0x75: {  	_ =	shalt  }
0x76: {  	_ =	shalt  }
0x77: {  	_ =	shalt  }
0x78: {  	_ =	shalt  }
0x79: {  	_ =	shalt  }
0x7a: {  	_ =	shalt  }
0x7b: {  	_ =	shalt  }
0x7c: {  	_ =	shalt  }
0x7d: {  	_ =	shalt  }
0x7e: {  	_ =	shalt  }
0x7f: {  	_ =	shalt  }
0x80: {  	_ =	shalt  }
0x81: {  	_ =	shalt  }
0x82: {  	_ =	shalt  }
0x83: {  	_ =	shalt  }
0x84: {  	_ =	shalt  }
0x85: {  	_ =	shalt  }
0x86: {  	_ =	shalt  }
0x87: {  	_ =	shalt  }
.Lfunc_end0:
.L_simem_size_0:
called_computation.2_lowered:
.L_overlay_start_0:
0x88: {  	s2 =	sld [smem:$0x3FD9]  }
0x89: {  	s3 =	sld [smem:$0x3FFE];
	_ =	sdelay $0x1  }
0x8a: {  	s1 =	srdreg.scid  }
0x8b: {  	s0 =	sand.u32 $0x1, s1  }
0x8c: {  	s16 =	sshll.u32 s0, $0xA;
	s2 =	sadd.s32 s3, s2  }
0x8d: {  	s2 =	sadd.s32 s2, s16  }
0x8e: {  	[smem:$0x3FC0] =	sst s2  }
0x8f: {  	_ = 	snop  }
0x90: {  	(tm) =	ssettm $0x1  }
0x91: {  	s17 =	sld [smem:$0x3FFB];
	_ =	sdelay $0x3  }
0x92: {  	_ =	strace s17  }
0x93: {  	s2 =	sld [smem:$0x3FFC];
	_ =	sdelay $0x3  }
0x94: {  	_ =	strace s2  }
0x95: {  	s2 =	sld [smem:$0x3FFD];
	_ =	sdelay $0x3  }
0x96: {  	_ =	strace s2  }
0x97: {  	_ =	strace $0x8FFFFFFF  }
0x98: {  	s18 =	sld [smem:$0x3FDB];
	_ =	sdelay $0x1  }
0x99: {  	s19 =	simm.s32 $_scs_section_size  }
0x9a: {  	s4 =	simm.s32 $_size__tile_overlayer_lowered;
	s5 =	simm.s32 $_tile_overlayer_lowered  }
0x9b: {  	s22 =	simm.s32 $0x1BFF;
	s21 =	sshll.u32 s5, $0x1;
	s2 =	sadd.s32 s19, s18  }
0x9c: {  	s6 =	simm.s32 $0x0;
	s20 =	sshll.u32 s4, $0x1;
	s4 =	sadd.s32 s21, s2  }
0x9d: {  	[timem:s6], [sflag:s22] =	dma.local [hbm:s4], s20  }
0x9e: {  	_ =	swait.ge [sflag:s22], s20  }
0x9f: {  	s3 =	ssub.s32 $0x0, s20;
	[sflag:s22] =	ssyncset.done $0x0  }
0xa0: {  	[sflag:s22] =	ssyncadd.s32 s3;
	_ =	sdelay $0x1  }
0xa1: {  	s23 =	simm.s32 $0x1B8B  }
0xa2: {  	_ =	swait.ge [sflag:s23], $0x1  }
0xa3: {  	[sflag:s23] =	ssyncset.done $0x0  }
0xa4: {  	s25 =	simm.s32 $0x1B8E;
	s24 =	sld [smem:$0x3FFE];
	[sflag:s23] =	ssyncadd.s32 $0xFFFFFFFF  }
0xa5: {  	s26 =	simm.s32 $execute0_lowered;
	[smem:$0x3FD2] =	sst s25  }
0xa6: {  	s4 =	sshll.u32 s26, $0x1;
	_ =	strace $0x8000004C;
	[dreg:$0x1] =	wrdreg $0xFFFFFFFF  }
0xa7: {  	s28 =	simm.s32 $_size_execute0_lowered;
	s2 =	sadd.s32 s2, s4;
	[dreg:$0x0] =	wrdreg $0x0  }
0xa8: {  	s4 =	sshll.u32 s28, $0x1;
	[dreg:$0x2] =	wrdreg s2  }
0xa9: {  	[dreg:$0x3] =	wrdreg s4  }
0xaa: {  	[dreg:$0x4] =	wrdreg $0xC0  }
0xab: {  	_ =	task [dreg:s6], $0x5FFFF  }
0xac: {  	[dreg:$0x1] =	wrdreg $0xFFFFFFFF  }
0xad: {  	[dreg:$0x0] =	wrdreg $0x60  }
0xae: {  	[dreg:$0x2] =	wrdreg s24  }
0xaf: {  	[dreg:$0x3] =	wrdreg $0xAC000  }
0xb0: {  	[dreg:$0x4] =	wrdreg $0x9  }
0xb1: {  	_ =	task.clear_ibuf [dreg:s6], $0x5FFFF;
	_ =	strace $0x9000004C  }
0xb2: {  	s29 =	simm.s32 $0x9;
	_ =	strace $0x8000004E  }
0xb3: {  	_ =	swait.ge [sflag:s29], $0x1  }
0xb4: {  	[sflag:s29] =	ssyncadd.s32 $0xFFFFFFFF  }
0xb5: {  	_ =	strace $0x9000004E  }
0xb6: {  	_ =	sfence  }
0xb7: {  	s30 =	sld [smem:$0x0];
	_ =	sdelay $0x2  }
0xb8: {  	s31 =	sshll.u32 s1, $0xD;
	s1 =	sshrl.u32 s1, $0x2  }
0xb9: {  	s3 =	sand.u32 $0x4000, s31;
	s1 =	sadd.s32 s1, s30  }
0xba: {  	s0 =	sor.u32 s3, s0;
	s1 =	sshll.u32 s1, $0x11  }
0xbb: {  	s0 =	sor.u32 s1, s0  }
0xbc: {  	s0 =	sadd.s32 $0x8F2B, s0  }
0xbd: {  	[sflag:s0] =	ssyncadd.remote.s32 $0x1  }
0xbe: {  	_ =	sfence.sel $0xFFFF  }
0xbf: {  	[dreg:$0x0] =	wrdreg $0xFFFFFFFF;
	(pc) =	sbr.abs _section_cstart, $3  }
0xc0: {  	[dreg:$0x1] =	wrdreg $0xFFFFFFFF  }
0xc1: {  	_ =	task.clear_ibuf [dreg:s6], $0x2FFFF;
	_ =	strace $0x9FFFFFFF  }
0xc2: {  	(tm) =	ssettm $0x7FFFFFFF  }
0xc3: {  	_ =	shalt  }
tec
execute0_lowered:
.L_overlay_start_1:
0x0: {  	(tag) =	ssettag $0x1  }
0x1: {  	s1 =	srdreg.scid;
	s6 =	rddreg [dreg:$0x0]  }
0x2: {  	s0 =	stileid.u32;
	s2 =	rddreg [dreg:$0x1];
	s3 =	simm.s32 $0x0  }
0x3: {  	s14 =	simm.s32 $0x2C00;
	s15 =	simm.s32 $0x3;
	s16 =	simm.s32 $0x1800  }
0x4: {  	s17 =	simm.s32 $0x80;
	s18 =	simm.s32 $0x6C00;
	s19 =	simm.s32 $0x1  }
0x5: {  	s20 =	simm.s32 $0x2;
	s5 =	sand.u32 $0x1, s1;
	s8 =	smul.u32 $0x2800, s0  }
0x6: {  	s26 =	sshll.u32 s0, $0x1;
	[smem:$0x7FF] =	sst s3;
	s10 =	smul.u32 $0x50000, s0  }
0x7: {  	s4 =	sadd.s32 $0x6800, s6;
	s21 =	sshll.u32 s0, $0x6;
	s1 =	sor.u32 s5, s26  }
0x8: {  	s9 =	smul.u32 $0x28000, s5;
	s29 =	ssub.s32 $0x2, s5;
	s21 =	sor.u32 $0x1C03, s21  }
0x9: {  	s7 =	smul.u32 $0x280, s1;
	s1 =	rddreg [dreg:$0x2];
	_ =	strace $0x8000004D  }
0xa: {  	s30 =	sshrl.u32 s10, $0x2;
	s31 =	sshrl.u32 s29, $0x1;
	s28 =	sadd.s32 s8, s9  }
0xb: {  	s5 =	sadd.s32 s30, s2;
	s13 =	ssub.s32 s29, s31;
	s11 =	sadd.s32 s7, s6  }
0xc: {  	s12 =	sadd.s32 s28, s6;
	s6 =	sadd.s32 $0x4000, s5;
	s7 =	sadd.s32 $0x8000, s5  }
0xd: {  	s8 =	sadd.s32 $0xC000, s5;
	s9 =	sadd.s32 $0x10000, s5;
	s13 =	smax.u32 s13, $0x1  }
0xe: {  	v0 =	vimm.f32 $0.0e+00;
	v1 =	vimm.s32 $0x0;
	s10 =	sadd.s32 $0x56800, s11;
	s11 =	sadd.s32 $0x1800, s11;
	s12 =	sadd.s32 $0x5B800, s12  }
.LBB2_1:
0xf: {  	s22 =	simm.s32 $0x0;
	s23 =	simm.s32 $0x200  }
.LBB2_2:
0x10: {  	p0 =	sne.s32 s23, $0xFE00;
	[tilespmem:s22+$0x2C70] =	vst v0  }
0x11: {  	[tilespmem:s22+$0x2C00] =	vst v0  }
0x12: {  	[tilespmem:s22+$0x2C10] =	vst v0  }
.Ltmp0:
0x13: {  	[tilespmem:s22+$0x2C20] =	vst v0;
	(pc) =	sbr.rel @p0 .LBB2_2-.Ltmp0, $4  }
0x14: {  	[tilespmem:s22+$0x2C30] =	vst v0  }
0x15: {  	[tilespmem:s22+$0x2C40] =	vst v0  }
0x16: {  	[tilespmem:s22+$0x2C50] =	vst v0  }
0x17: {  	[tilespmem:s22+$0x2C60] =	vst v0;
	s22 =	sshra.s32 s23, $0x2;
	s23 =	sadd.s32 $0x200, s23  }
0x18: {  	[tilespmem:s22+$0x2C70] =	vst v0  }
0x19: {  	[tilespmem:s22+$0x2C00] =	vst v0  }
0x1a: {  	[tilespmem:s22+$0x2C10] =	vst v0  }
0x1b: {  	[tilespmem:s22+$0x2C20] =	vst v0  }
0x1c: {  	[tilespmem:s22+$0x2C30] =	vst v0  }
0x1d: {  	[tilespmem:s22+$0x2C40] =	vst v0  }
0x1e: {  	[tilespmem:s22+$0x2C50] =	vst v0  }
0x1f: {  	[tilespmem:s22+$0x2C60] =	vst v0  }
0x20: {  	[spmem:s5] =	stream.linear.scatter [tilespmem:s14], [sflag:$0x3], $0x4000, $0x38;
	[tilespmem:$0x1EC00] =	vst v63  }
0x21: {  	_ =	swait.ge [sflag:s15], $0x4000  }
0x22: {  	[sflag:s15] =	ssyncset.done $0x0  }
0x23: {  	[sflag:s15] =	ssyncadd.s32 $0xFFFFC000  }
0x24: {  	[spmem:s6] =	stream.linear.scatter [tilespmem:s14], [sflag:$0x3], $0x4000, $0x38;
	[tilespmem:$0x1EC00] =	vst v63  }
0x25: {  	_ =	swait.ge [sflag:s15], $0x4000  }
0x26: {  	[sflag:s15] =	ssyncset.done $0x0  }
0x27: {  	[sflag:s15] =	ssyncadd.s32 $0xFFFFC000  }
0x28: {  	[spmem:s7] =	stream.linear.scatter [tilespmem:s14], [sflag:$0x3], $0x4000, $0x38;
	[tilespmem:$0x1EC00] =	vst v63  }
0x29: {  	_ =	swait.ge [sflag:s15], $0x4000  }
0x2a: {  	[sflag:s15] =	ssyncset.done $0x0  }
0x2b: {  	[sflag:s15] =	ssyncadd.s32 $0xFFFFC000  }
0x2c: {  	[spmem:s8] =	stream.linear.scatter [tilespmem:s14], [sflag:$0x3], $0x4000, $0x38;
	[tilespmem:$0x1EC00] =	vst v63  }
0x2d: {  	_ =	swait.ge [sflag:s15], $0x4000  }
0x2e: {  	[sflag:s15] =	ssyncset.done $0x0  }
0x2f: {  	[sflag:s15] =	ssyncadd.s32 $0xFFFFC000  }
0x30: {  	[spmem:s9] =	stream.linear.scatter [tilespmem:s14], [sflag:$0x3], $0x4000, $0x38;
	[tilespmem:$0x1EC00] =	vst v63  }
0x31: {  	_ =	swait.ge [sflag:s15], $0x4000  }
0x32: {  	[sflag:s15] =	ssyncset.done $0x0  }
0x33: {  	[sflag:s15] =	ssyncadd.s32 $0xFFFFC000  }
0x34: {  	s26 =	simm.s32 $0x0;
	[bflag:$0x0] =	sbarrier.arrive $0xFFFF  }
0x35: {  	[tilespmem:s26], [sflag:$0x3] =	stream.linear.gather [hbm4b:s10+s26], $0x1400, $0x38;
	[tilespmem:$0x1EC00] =	vst v63  }
0x36: {  	_ =	swait.ge [sflag:s15], $0x1400  }
0x37: {  	[sflag:s15] =	ssyncset.done $0x0  }
0x38: {  	[sflag:s15] =	ssyncadd.s32 $0xFFFFEC00  }
0x39: {  	[tilespmem:s16], [sflag:$0x3] =	stream.linear.gather [hbm4b:s11+s26], $0x1400, $0x38;
	[tilespmem:$0x1EC00] =	vst v63  }
0x3a: {  	_ =	swait.ge [sflag:s15], $0x1400  }
0x3b: {  	[sflag:s15] =	ssyncset.done $0x0  }
0x3c: {  	[sflag:s15] =	ssyncadd.s32 $0xFFFFEC00  }
0x3d: {  	[tilespmem:$0x1400] =	vst v1  }
0x3e: {  	[tilespmem:$0x1410] =	vst v1  }
0x3f: {  	[tilespmem:$0x1420] =	vst v1  }
0x40: {  	[tilespmem:$0x1430] =	vst v1  }
0x41: {  	[tilespmem:$0x1440] =	vst v1  }
0x42: {  	[tilespmem:$0x1450] =	vst v1  }
0x43: {  	[tilespmem:$0x1460] =	vst v1  }
0x44: {  	[tilespmem:$0x1470] =	vst v1  }
0x45: {  	[tilespmem:s14], [sflag:$0x1] =	stream.indirect.gather [hbm4b:s4+s17], $0x80, s26, s17, $0xb8;
	[tilespmem:$0x1EC00] =	vst v63  }
0x46: {  	s28 =	simm.s32 $0x80  }
0x47: {  	[tilespmem:s18], [sflag:$0x2] =	stream.indirect.gather [hbm4b:s4+s17], $0x80, s28, s17, $0xb8;
	[tilespmem:$0x1EC00] =	vst v63  }
0x48: {  	_ =	swait.ge [sflag:s19], $0x4000  }
0x49: {  	[sflag:s19] =	ssyncset.done $0x0  }
0x4a: {  	s29 =	simm.s32 $0x1800;
	[sflag:s19] =	ssyncadd.s32 $0xFFFFC000  }
0x4b: {  	[spmem:s2] =	stream.indirect.scatter.add.f32 [tilespmem:s14], [sflag:$0x3], $0x80, s29, s17, $0xb8;
	[tilespmem:$0x1EC00] =	vst v63  }
0x4c: {  	_ =	swait.ge [sflag:s15], $0x4000  }
0x4d: {  	[sflag:s15] =	ssyncset.done $0x0  }
0x4e: {  	s30 =	simm.s32 $0x100;
	[sflag:s15] =	ssyncadd.s32 $0xFFFFC000  }
0x4f: {  	[tilespmem:s14], [sflag:$0x1] =	stream.indirect.gather [hbm4b:s4+s17], $0x80, s30, s17, $0xb8;
	[tilespmem:$0x1EC00] =	vst v63  }
0x50: {  	_ =	swait.ge [sflag:s20], $0x4000  }
0x51: {  	[sflag:s20] =	ssyncset.done $0x0  }
0x52: {  	s31 =	simm.s32 $0x1880;
	[sflag:s20] =	ssyncadd.s32 $0xFFFFC000  }
0x53: {  	[spmem:s2] =	stream.indirect.scatter.add.f32 [tilespmem:s18], [sflag:$0x3], $0x80, s31, s17, $0xb8;
	[tilespmem:$0x1EC00] =	vst v63  }
0x54: {  	_ =	swait.ge [sflag:s15], $0x4000  }
0x55: {  	s23 =	simm.s32 $0x800;
	s22 =	simm.s32 $0x100;
	[sflag:s15] =	ssyncset.done $0x0  }
.LBB2_4:
0x56: {  	s24 =	sadd.s32 $0x80, s22  }
0x57: {  	[sflag:s15] =	ssyncadd.s32 $0xFFFFC000;
	s25 =	smov.u32 s23;
	s26 =	sadd.s32 $0x400, s23  }
0x58: {  	[tilespmem:s18], [sflag:$0x2] =	stream.indirect.gather [hbm4b:s4+s17], $0x80, s24, s17, $0xb8;
	[tilespmem:$0x1EC00] =	vst v63  }
0x59: {  	p0 =	sne.s32 s23, $0x4C00;
	_ =	swait.ge [sflag:s19], $0x4000  }
0x5a: {  	[sflag:s19] =	ssyncset.done $0x0  }
0x5b: {  	s23 =	sadd.s32 $0x1800, s22;
	[sflag:s19] =	ssyncadd.s32 $0xFFFFC000  }
0x5c: {  	[spmem:s2] =	stream.indirect.scatter.add.f32 [tilespmem:s14], [sflag:$0x3], $0x80, s23, s17, $0xb8;
	[tilespmem:$0x1EC00] =	vst v63  }
0x5d: {  	_ =	swait.ge [sflag:s15], $0x4000  }
0x5e: {  	[sflag:s15] =	ssyncset.done $0x0  }
0x5f: {  	s23 =	sadd.s32 $0x100, s22;
	[sflag:s15] =	ssyncadd.s32 $0xFFFFC000  }
0x60: {  	[tilespmem:s14], [sflag:$0x1] =	stream.indirect.gather [hbm4b:s4+s17], $0x80, s23, s17, $0xb8;
	[tilespmem:$0x1EC00] =	vst v63  }
0x61: {  	_ =	swait.ge [sflag:s20], $0x4000  }
.Ltmp1:
0x62: {  	[sflag:s20] =	ssyncset.done $0x0;
	(pc) =	sbr.rel @p0 .LBB2_4-.Ltmp1, $4  }
0x63: {  	s22 =	sadd.s32 $0x1880, s22;
	[sflag:s20] =	ssyncadd.s32 $0xFFFFC000  }
0x64: {  	[spmem:s2] =	stream.indirect.scatter.add.f32 [tilespmem:s18], [sflag:$0x3], $0x80, s22, s17, $0xb8;
	[tilespmem:$0x1EC00] =	vst v63  }
0x65: {  	_ =	swait.ge [sflag:s15], $0x4000  }
0x66: {  	s23 =	smov.u32 s26;
	s22 =	sshra.s32 s25, $0x2;
	[sflag:s15] =	ssyncset.done $0x0  }
0x67: {  	s23 =	sadd.s32 $0x80, s22;
	[sflag:s15] =	ssyncadd.s32 $0xFFFFC000  }
0x68: {  	[tilespmem:s18], [sflag:$0x2] =	stream.indirect.gather [hbm4b:s4+s17], $0x80, s23, s17, $0xb8;
	[tilespmem:$0x1EC00] =	vst v63  }
0x69: {  	_ =	swait.ge [sflag:s19], $0x4000  }
0x6a: {  	[sflag:s19] =	ssyncset.done $0x0  }
0x6b: {  	s28 =	sadd.s32 $0x1800, s22;
	[sflag:s19] =	ssyncadd.s32 $0xFFFFC000  }
0x6c: {  	[spmem:s2] =	stream.indirect.scatter.add.f32 [tilespmem:s14], [sflag:$0x3], $0x80, s28, s17, $0xb8;
	[tilespmem:$0x1EC00] =	vst v63  }
0x6d: {  	_ =	swait.ge [sflag:s15], $0x4000  }
0x6e: {  	[sflag:s15] =	ssyncset.done $0x0  }
0x6f: {  	s29 =	sadd.s32 $0x100, s22;
	[sflag:s15] =	ssyncadd.s32 $0xFFFFC000  }
0x70: {  	[tilespmem:s14], [sflag:$0x1] =	stream.indirect.gather [hbm4b:s4+s17], $0x80, s29, s17, $0xb8;
	[tilespmem:$0x1EC00] =	vst v63  }
0x71: {  	_ =	swait.ge [sflag:s20], $0x4000  }
0x72: {  	[sflag:s20] =	ssyncset.done $0x0  }
0x73: {  	s30 =	sadd.s32 $0x1880, s22;
	[sflag:s20] =	ssyncadd.s32 $0xFFFFC000  }
0x74: {  	[spmem:s2] =	stream.indirect.scatter.add.f32 [tilespmem:s18], [sflag:$0x3], $0x80, s30, s17, $0xb8;
	[tilespmem:$0x1EC00] =	vst v63  }
0x75: {  	_ =	swait.ge [sflag:s15], $0x4000  }
0x76: {  	[sflag:s15] =	ssyncset.done $0x0  }
0x77: {  	[sflag:s15] =	ssyncadd.s32 $0xFFFFC000  }
0x78: {  	_ =	swait.ge [sflag:s19], $0x4000  }
0x79: {  	s3 =	sadd.s32 $0x1, s3;
	[sflag:s19] =	ssyncset.done $0x0  }
0x7a: {  	p0 =	sne.s32 s3, s13;
	[sflag:s19] =	ssyncadd.s32 $0xFFFFC000  }
.Ltmp2:
0x7b: {  	s31 =	sshrl.u32 s5, $0x3;
	[bflag:$0x0] =	sbarrier.arrive $0xFFFF;
	(pc) =	sbr.rel @p0 .LBB2_1-.Ltmp2, $4  }
0x7c: {  	[hbm:s12], [sflag:s21] =	dma.local [spmem:s31], $0x2800  }
0x7d: {  	_ =	swait.ge [sflag:s15], $0x2800  }
0x7e: {  	[sflag:s15] =	ssyncset.done $0x0  }
0x7f: {  	[sflag:s15] =	ssyncadd.s32 $0xFFFFD800  }
0x80: {  	_ =	sfence.sel $0x180000  }
0x81: {  	[bflag:$0x0] =	sbarrier.arrive $0xFFFF  }
0x82: {  	p0 =	sne.s32 s0, $0x0;
	_ =	strace $0x9000004D  }
0x83: {  	s0 =	sadd.s32 @!p0 $0x100000, s1;
	[bflag:$0x2] =	sbarrier.arrive $0xFFFF  }
0x84: {  	[sflag:s0] =	ssyncadd.tile.s32 @!p0 $0x1;
	_ =	shalt  }
.Lfunc_end2:
_tile_overlayer_lowered:
.L_overlay_start_2:
0x85: {  	(tag) =	ssettag $0x2  }
0x86: {  	s0 =	rddreg [dreg:$0x0];
	s2 =	stileid.u32  }
0x87: {  	s1 =	rddreg [dreg:$0x1];
	p0 =	sne.s32 s2, $0x0  }
0x88: {  	s3 =	rddreg [dreg:$0x2];
	[bflag:$0x3] =	sbarrier.arrive $0xFFFF;
	s2 =	simm.s32 @!p0 $0x1C03  }
0x89: {  	[timem:s3], [sflag:s2] =	dma.local @!p0 [hbm:s0], s1  }
0x8a: {  	s0 =	simm.s32 @!p0 $0x3  }
0x8b: {  	_ =	swait.ge @!p0 [sflag:s0], s1  }
0x8c: {  	s1 =	ssub.s32 @!p0 $0x0, s1;
	[sflag:s0] =	ssyncset.done @!p0 $0x0  }
0x8d: {  	[sflag:s0] =	ssyncadd.s32 @!p0 s1  }
0x8e: {  	[bflag:$0x3] =	sbarrier.arrive $0xFFFF  }
0x8f: {  	_ =	shalt  }

// kernel: kernel.8.cloned.1.call-start
scs
__scs_entry_jumppad:
0x0: {  	(pc) =	sbr.rel $0x88, $3  }
0x1: {  	(tag) =	ssettag $0x0;
	lr =	simm.s32 $0x1  }
0x2: {  	[smem:$0x3F99] =	sst lr;
	_ =	strace $0xD0000000  }
0x3: {  	_ = 	snop  }
0x4: {  	_ = 	snop  }
0x5: {  	_ = 	snop  }
0x6: {  	_ = 	snop  }
0x7: {  	_ = 	snop  }
__scs_overlays_trampoline_lowered:
0x8: {  	[smem:$0x3FA8] =	sst s0  }
0x9: {  	[smem:$0x3FA9] =	sst s1  }
0xa: {  	[smem:$0x3FAA] =	sst s2  }
0xb: {  	[smem:$0x3FAB] =	sst s3  }
0xc: {  	[smem:$0x3FAC] =	sst s4  }
0xd: {  	[smem:$0x3FAD] =	sst s5  }
0xe: {  	[smem:$0x3FAE] =	sst s6  }
0xf: {  	[smem:$0x3FAF] =	sst s7  }
0x10: {  	[smem:$0x3FB0] =	sst s8  }
0x11: {  	[smem:$0x3FB1] =	sst s9;
	s0 =	simm.s32 @!p0 $0x0  }
0x12: {  	s1 =	sld [smem:$0x3F97];
	s0 =	simm.s32 @p0 $0x1  }
0x13: {  	[smem:$0x3FB2] =	sst s0;
	s0 =	simm.s32 @!p1 $0x0  }
0x14: {  	s2 =	sld [smem:$0x3F96];
	s0 =	simm.s32 @p1 $0x1  }
0x15: {  	[smem:$0x3FB3] =	sst s0;
	s0 =	simm.s32 @!p2 $0x0  }
0x16: {  	s3 =	sld [smem:$0x3FDB];
	s0 =	simm.s32 @p2 $0x1  }
0x17: {  	s4 =	simm.s32 $0x1BF5;
	[smem:$0x3FB5] =	sst s0  }
0x18: {  	s0 =	sld [smem:$0x3F98];
	_ =	swait.ge [sflag:s4], $0x0  }
0x19: {  	s7 =	sld [smem:$0x3F99]  }
0x1a: {  	s8 =	sadd.s32 $0xFFFFE003, lr  }
0x1b: {  	s9 =	sadd.s32 $0xFFFFFEF7, lr;
	s5 =	simm.s32 $0xFFFFFFFF;
	p2 =	slt.u32 s8, $0xFFFFF086  }
0x1c: {  	p1 =	slt.u32 s9, $0xF7A;
	s5 =	simm.s32 @!p2 $0x0  }
0x1d: {  	s5 =	simm.s32 @p1 $0x1;
	p0 =	seq.s32 s7, s2  }
0x1e: {  	s7 =	smul.u32 @!p0 $0xF7A, s2;
	p2 =	seq.s32 @!p0 s5, $0x0  }
0x1f: {  	s9 =	smul.u32 $0xF7A, s1;
	s8 =	simm.s32 @!p0 $0x1BF5;
	p2 =	por !p2, p0  }
0x20: {  	[sflag:s8] =	ssyncset.s32 @!p0 $0xFFFFF086;
	s6 =	sadd.s32 @!p0 s3, s7;
	s7 =	simm.s32 @!p0 $0x108  }
0x21: {  	s3 =	sadd.s32 s3, s9;
	s6 =	sadd.s32 @!p0 $0x88, s6;
	s7 =	simm.s32 @p2 $0x1082  }
0x22: {  	[simem:s7], [sflag:s8] =	dma.local @!p0 [hbm:s6], $0xF7A  }
0x23: {  	s9 =	sor.u32 $0xD0000000, s2;
	s6 =	simm.s32 $0x108;
	_ =	swait.ge @!p0 [sflag:s8], $0x0  }
0x24: {  	s3 =	sadd.s32 $0x88, s3;
	s6 =	simm.s32 @!p1 $0x1082;
	[sflag:s4] =	ssyncset.s32 $0xFFFFF086  }
0x25: {  	[simem:s6], [sflag:s4] =	dma.local [hbm:s3], $0xF7A  }
0x26: {  	[smem:$0x3F99] =	sst s1;
	(tag) =	ssettag s2;
	_ =	strace s9  }
0x27: {  	s1 =	sld [smem:$0x3FA9]  }
0x28: {  	s2 =	sld [smem:$0x3FAA]  }
0x29: {  	s4 =	sld [smem:$0x3FAC]  }
0x2a: {  	p0 =	seq.s32 s5, $0x0;
	s5 =	sld [smem:$0x3FAD]  }
0x2b: {  	s6 =	sld [smem:$0x3FAE]  }
0x2c: {  	s7 =	sld [smem:$0x3FAF]  }
0x2d: {  	s3 =	simm.s32 $0x108;
	s8 =	sld [smem:$0x3FB0]  }
0x2e: {  	s3 =	simm.s32 @!p0 $0x1082;
	s9 =	sld [smem:$0x3FB1]  }
0x2f: {  	lr =	sadd.s32 s0, s3;
	s0 =	sld [smem:$0x3FA8]  }
0x30: {  	s3 =	sld [smem:$0x3FAB]  }
0x31: {  	[smem:$0x3FB4] =	sst s10  }
0x32: {  	s10 =	sld [smem:$0x3FB2];
	_ =	sdelay $0x3  }
0x33: {  	p0 =	seq.s32 s10, $0x1;
	s10 =	sld [smem:$0x3FB4];
	_ =	sdelay $0x3  }
0x34: {  	[smem:$0x3FB4] =	sst s10  }
0x35: {  	s10 =	sld [smem:$0x3FB3];
	_ =	sdelay $0x3  }
0x36: {  	p1 =	seq.s32 s10, $0x1;
	s10 =	sld [smem:$0x3FB4];
	_ =	sdelay $0x3  }
0x37: {  	[smem:$0x3FB4] =	sst s10  }
0x38: {  	s10 =	sld [smem:$0x3FB5]  }
0x39: {  	_ = 	snop;
	(pc) =	sbr.ind lr, $3  }
0x3a: {  	_ = 	snop  }
0x3b: {  	_ = 	snop  }
0x3c: {  	p2 =	seq.s32 s10, $0x1;
	s10 =	sld [smem:$0x3FB4]  }
0x3d: {  	_ =	shalt  }
0x3e: {  	_ =	shalt  }
0x3f: {  	_ =	shalt  }
0x40: {  	_ =	shalt  }
0x41: {  	_ =	shalt  }
0x42: {  	_ =	shalt  }
0x43: {  	_ =	shalt  }
0x44: {  	_ =	shalt  }
0x45: {  	_ =	shalt  }
0x46: {  	_ =	shalt  }
0x47: {  	_ =	shalt  }
0x48: {  	_ =	shalt  }
0x49: {  	_ =	shalt  }
0x4a: {  	_ =	shalt  }
0x4b: {  	_ =	shalt  }
0x4c: {  	_ =	shalt  }
0x4d: {  	_ =	shalt  }
0x4e: {  	_ =	shalt  }
0x4f: {  	_ =	shalt  }
0x50: {  	_ =	shalt  }
0x51: {  	_ =	shalt  }
0x52: {  	_ =	shalt  }
0x53: {  	_ =	shalt  }
0x54: {  	_ =	shalt  }
0x55: {  	_ =	shalt  }
0x56: {  	_ =	shalt  }
0x57: {  	_ =	shalt  }
0x58: {  	_ =	shalt  }
0x59: {  	_ =	shalt  }
0x5a: {  	_ =	shalt  }
0x5b: {  	_ =	shalt  }
0x5c: {  	_ =	shalt  }
0x5d: {  	_ =	shalt  }
0x5e: {  	_ =	shalt  }
0x5f: {  	_ =	shalt  }
0x60: {  	_ =	shalt  }
0x61: {  	_ =	shalt  }
0x62: {  	_ =	shalt  }
0x63: {  	_ =	shalt  }
0x64: {  	_ =	shalt  }
0x65: {  	_ =	shalt  }
0x66: {  	_ =	shalt  }
0x67: {  	_ =	shalt  }
0x68: {  	_ =	shalt  }
0x69: {  	_ =	shalt  }
0x6a: {  	_ =	shalt  }
0x6b: {  	_ =	shalt  }
0x6c: {  	_ =	shalt  }
0x6d: {  	_ =	shalt  }
0x6e: {  	_ =	shalt  }
0x6f: {  	_ =	shalt  }
0x70: {  	_ =	shalt  }
0x71: {  	_ =	shalt  }
0x72: {  	_ =	shalt  }
0x73: {  	_ =	shalt  }
0x74: {  	_ =	shalt  }
0x75: {  	_ =	shalt  }
0x76: {  	_ =	shalt  }
0x77: {  	_ =	shalt  }
0x78: {  	_ =	shalt  }
0x79: {  	_ =	shalt  }
0x7a: {  	_ =	shalt  }
0x7b: {  	_ =	shalt  }
0x7c: {  	_ =	shalt  }
0x7d: {  	_ =	shalt  }
0x7e: {  	_ =	shalt  }
0x7f: {  	_ =	shalt  }
0x80: {  	_ =	shalt  }
0x81: {  	_ =	shalt  }
0x82: {  	_ =	shalt  }
0x83: {  	_ =	shalt  }
0x84: {  	_ =	shalt  }
0x85: {  	_ =	shalt  }
0x86: {  	_ =	shalt  }
0x87: {  	_ =	shalt  }
.Lfunc_end0:
.L_simem_size_0:
called_computation_lowered:
.L_overlay_start_0:
0x88: {  	s2 =	sld [smem:$0x3FD9]  }
0x89: {  	s3 =	sld [smem:$0x3FFE];
	_ =	sdelay $0x1  }
0x8a: {  	s1 =	srdreg.scid  }
0x8b: {  	s0 =	sand.u32 $0x1, s1  }
0x8c: {  	s16 =	sshll.u32 s0, $0xA;
	s2 =	sadd.s32 s3, s2  }
0x8d: {  	s2 =	sadd.s32 s2, s16  }
0x8e: {  	[smem:$0x3FC0] =	sst s2  }
0x8f: {  	_ = 	snop  }
0x90: {  	(tm) =	ssettm $0x1  }
0x91: {  	s17 =	sld [smem:$0x3FFB];
	_ =	sdelay $0x3  }
0x92: {  	_ =	strace s17  }
0x93: {  	s2 =	sld [smem:$0x3FFC];
	_ =	sdelay $0x3  }
0x94: {  	_ =	strace s2  }
0x95: {  	s2 =	sld [smem:$0x3FFD];
	_ =	sdelay $0x3  }
0x96: {  	_ =	strace s2  }
0x97: {  	_ =	strace $0x8FFFFFFF  }
0x98: {  	s18 =	sld [smem:$0x3FDB];
	_ =	sdelay $0x1  }
0x99: {  	s19 =	simm.s32 $_scs_section_size  }
0x9a: {  	s4 =	simm.s32 $_size__tile_overlayer_lowered;
	s5 =	simm.s32 $_tile_overlayer_lowered  }
0x9b: {  	s22 =	simm.s32 $0x1BFF;
	s21 =	sshll.u32 s5, $0x1;
	s2 =	sadd.s32 s19, s18  }
0x9c: {  	s6 =	simm.s32 $0x0;
	s20 =	sshll.u32 s4, $0x1;
	s4 =	sadd.s32 s21, s2  }
0x9d: {  	[timem:s6], [sflag:s22] =	dma.local [hbm:s4], s20  }
0x9e: {  	_ =	swait.ge [sflag:s22], s20  }
0x9f: {  	s3 =	ssub.s32 $0x0, s20;
	[sflag:s22] =	ssyncset.done $0x0  }
0xa0: {  	[sflag:s22] =	ssyncadd.s32 s3;
	_ =	sdelay $0x1  }
0xa1: {  	s23 =	simm.s32 $0x1B8B  }
0xa2: {  	_ =	swait.ge [sflag:s23], $0x1  }
0xa3: {  	[sflag:s23] =	ssyncset.done $0x0  }
0xa4: {  	s25 =	simm.s32 $0x1B8E;
	s24 =	sld [smem:$0x3FFE];
	[sflag:s23] =	ssyncadd.s32 $0xFFFFFFFF  }
0xa5: {  	s26 =	simm.s32 $execute0_lowered;
	[smem:$0x3FD2] =	sst s25  }
0xa6: {  	s4 =	sshll.u32 s26, $0x1;
	_ =	strace $0x80000046;
	[dreg:$0x1] =	wrdreg $0xFFFFFFFF  }
0xa7: {  	s28 =	simm.s32 $_size_execute0_lowered;
	s2 =	sadd.s32 s2, s4;
	[dreg:$0x0] =	wrdreg $0x0  }
0xa8: {  	s4 =	sshll.u32 s28, $0x1;
	[dreg:$0x2] =	wrdreg s2  }
0xa9: {  	[dreg:$0x3] =	wrdreg s4  }
0xaa: {  	[dreg:$0x4] =	wrdreg $0xC0  }
0xab: {  	_ =	task [dreg:s6], $0x5FFFF  }
0xac: {  	[dreg:$0x1] =	wrdreg $0xFFFFFFFF  }
0xad: {  	[dreg:$0x0] =	wrdreg $0x60  }
0xae: {  	[dreg:$0x2] =	wrdreg s24  }
0xaf: {  	[dreg:$0x3] =	wrdreg $0x94000  }
0xb0: {  	[dreg:$0x4] =	wrdreg $0x9  }
0xb1: {  	_ =	task.clear_ibuf [dreg:s6], $0x5FFFF;
	_ =	strace $0x90000046  }
0xb2: {  	s29 =	simm.s32 $0x9;
	_ =	strace $0x80000048  }
0xb3: {  	_ =	swait.ge [sflag:s29], $0x1  }
0xb4: {  	[sflag:s29] =	ssyncadd.s32 $0xFFFFFFFF  }
0xb5: {  	_ =	strace $0x90000048  }
0xb6: {  	_ =	sfence  }
0xb7: {  	s30 =	sld [smem:$0x0];
	_ =	sdelay $0x2  }
0xb8: {  	s31 =	sshll.u32 s1, $0xD;
	s1 =	sshrl.u32 s1, $0x2  }
0xb9: {  	s3 =	sand.u32 $0x4000, s31;
	s1 =	sadd.s32 s1, s30  }
0xba: {  	s0 =	sor.u32 s3, s0;
	s1 =	sshll.u32 s1, $0x11  }
0xbb: {  	s0 =	sor.u32 s1, s0  }
0xbc: {  	s0 =	sadd.s32 $0x8F2B, s0  }
0xbd: {  	[sflag:s0] =	ssyncadd.remote.s32 $0x1  }
0xbe: {  	_ =	sfence.sel $0xFFFF  }
0xbf: {  	[dreg:$0x0] =	wrdreg $0xFFFFFFFF;
	(pc) =	sbr.abs _section_cstart, $3  }
0xc0: {  	[dreg:$0x1] =	wrdreg $0xFFFFFFFF  }
0xc1: {  	_ =	task.clear_ibuf [dreg:s6], $0x2FFFF;
	_ =	strace $0x9FFFFFFF  }
0xc2: {  	(tm) =	ssettm $0x7FFFFFFF  }
0xc3: {  	_ =	shalt  }
tec
execute0_lowered:
.L_overlay_start_1:
0x0: {  	(tag) =	ssettag $0x1  }
0x1: {  	s1 =	srdreg.scid;
	s5 =	rddreg [dreg:$0x0]  }
0x2: {  	s0 =	stileid.u32;
	s2 =	rddreg [dreg:$0x1]  }
0x3: {  	s3 =	simm.s32 $0x0;
	s13 =	simm.s32 $0x1;
	s14 =	simm.s32 $0x80  }
0x4: {  	s15 =	simm.s32 $0x1400;
	s4 =	sand.u32 $0x1, s1;
	s7 =	smul.u32 $0x2800, s0  }
0x5: {  	s26 =	sshll.u32 s0, $0x1;
	[smem:$0x7FF] =	sst s3;
	s9 =	smul.u32 $0x50000, s0  }
0x6: {  	s16 =	sshll.u32 s0, $0x6;
	s1 =	sor.u32 s4, s26;
	s8 =	smul.u32 $0x28000, s4  }
0x7: {  	s29 =	ssub.s32 $0x2, s4;
	s16 =	sor.u32 $0x1C01, s16;
	s6 =	smul.u32 $0x280, s1  }
0x8: {  	s1 =	rddreg [dreg:$0x2];
	_ =	strace $0x80000047;
	s30 =	sshrl.u32 s9, $0x2  }
0x9: {  	s31 =	sshrl.u32 s29, $0x1;
	s28 =	sadd.s32 s7, s8;
	s4 =	sadd.s32 s30, s2  }
0xa: {  	s12 =	ssub.s32 s29, s31;
	s10 =	sadd.s32 s6, s5;
	s11 =	sadd.s32 s28, s5  }
0xb: {  	s5 =	sadd.s32 $0x4000, s4;
	s6 =	sadd.s32 $0x8000, s4;
	s7 =	sadd.s32 $0xC000, s4  }
0xc: {  	s8 =	sadd.s32 $0x10000, s4;
	s17 =	sshrl.u32 s4, $0x3;
	s9 =	sadd.s32 $0x1800, s10  }
0xd: {  	v0 =	vimm.f32 $1.000000000e+00;
	v1 =	vimm.f32 $0.0e+00;
	s10 =	sadd.s32 $0x6800, s11;
	s11 =	smax.u32 s12, $0x1;
	s12 =	simm.s32 $0x5400  }
.LBB2_1:
0xe: {  	s18 =	simm.s32 $0x0;
	s19 =	simm.s32 $0x200  }
.LBB2_2:
0xf: {  	p0 =	sne.s32 s19, $0xFE00;
	[tilespmem:s18+$0x1470] =	vst v0  }
0x10: {  	[tilespmem:s18+$0x1400] =	vst v0  }
0x11: {  	[tilespmem:s18+$0x1410] =	vst v0  }
.Ltmp0:
0x12: {  	[tilespmem:s18+$0x1420] =	vst v0;
	(pc) =	sbr.rel @p0 .LBB2_2-.Ltmp0, $4  }
0x13: {  	[tilespmem:s18+$0x1430] =	vst v0  }
0x14: {  	[tilespmem:s18+$0x1440] =	vst v0  }
0x15: {  	[tilespmem:s18+$0x1450] =	vst v0  }
0x16: {  	[tilespmem:s18+$0x1460] =	vst v0;
	s18 =	sshra.s32 s19, $0x2;
	s19 =	sadd.s32 $0x200, s19  }
0x17: {  	[tilespmem:s18+$0x1470] =	vst v0  }
0x18: {  	[tilespmem:s18+$0x1400] =	vst v0  }
0x19: {  	[tilespmem:s18+$0x1410] =	vst v0  }
0x1a: {  	[tilespmem:s18+$0x1420] =	vst v0  }
0x1b: {  	[tilespmem:s18+$0x1430] =	vst v0  }
0x1c: {  	[tilespmem:s18+$0x1440] =	vst v0  }
0x1d: {  	[tilespmem:s18+$0x1450] =	vst v0  }
0x1e: {  	[tilespmem:s18+$0x1460] =	vst v0;
	s18 =	simm.s32 $0x0;
	s19 =	simm.s32 $0x200  }
.LBB2_4:
0x1f: {  	p0 =	sne.s32 s19, $0xFE00;
	[tilespmem:s18+$0x5470] =	vst v1  }
0x20: {  	[tilespmem:s18+$0x5400] =	vst v1  }
0x21: {  	[tilespmem:s18+$0x5410] =	vst v1  }
.Ltmp1:
0x22: {  	[tilespmem:s18+$0x5420] =	vst v1;
	(pc) =	sbr.rel @p0 .LBB2_4-.Ltmp1, $4  }
0x23: {  	[tilespmem:s18+$0x5430] =	vst v1  }
0x24: {  	[tilespmem:s18+$0x5440] =	vst v1  }
0x25: {  	[tilespmem:s18+$0x5450] =	vst v1  }
0x26: {  	[tilespmem:s18+$0x5460] =	vst v1;
	s18 =	sshra.s32 s19, $0x2;
	s19 =	sadd.s32 $0x200, s19  }
0x27: {  	[tilespmem:s18+$0x5470] =	vst v1  }
0x28: {  	[tilespmem:s18+$0x5400] =	vst v1  }
0x29: {  	[tilespmem:s18+$0x5410] =	vst v1  }
0x2a: {  	[tilespmem:s18+$0x5420] =	vst v1  }
0x2b: {  	[tilespmem:s18+$0x5430] =	vst v1  }
0x2c: {  	[tilespmem:s18+$0x5440] =	vst v1  }
0x2d: {  	[tilespmem:s18+$0x5450] =	vst v1  }
0x2e: {  	[tilespmem:s18+$0x5460] =	vst v1  }
0x2f: {  	[spmem:s4] =	stream.linear.scatter [tilespmem:s12], [sflag:$0x1], $0x4000, $0x38;
	[tilespmem:$0x1D400] =	vst v63  }
0x30: {  	_ =	swait.ge [sflag:s13], $0x4000  }
0x31: {  	[sflag:s13] =	ssyncset.done $0x0  }
0x32: {  	[sflag:s13] =	ssyncadd.s32 $0xFFFFC000  }
0x33: {  	[spmem:s5] =	stream.linear.scatter [tilespmem:s12], [sflag:$0x1], $0x4000, $0x38;
	[tilespmem:$0x1D400] =	vst v63  }
0x34: {  	_ =	swait.ge [sflag:s13], $0x4000  }
0x35: {  	[sflag:s13] =	ssyncset.done $0x0  }
0x36: {  	[sflag:s13] =	ssyncadd.s32 $0xFFFFC000  }
0x37: {  	[spmem:s6] =	stream.linear.scatter [tilespmem:s12], [sflag:$0x1], $0x4000, $0x38;
	[tilespmem:$0x1D400] =	vst v63  }
0x38: {  	_ =	swait.ge [sflag:s13], $0x4000  }
0x39: {  	[sflag:s13] =	ssyncset.done $0x0  }
0x3a: {  	[sflag:s13] =	ssyncadd.s32 $0xFFFFC000  }
0x3b: {  	[spmem:s7] =	stream.linear.scatter [tilespmem:s12], [sflag:$0x1], $0x4000, $0x38;
	[tilespmem:$0x1D400] =	vst v63  }
0x3c: {  	_ =	swait.ge [sflag:s13], $0x4000  }
0x3d: {  	[sflag:s13] =	ssyncset.done $0x0  }
0x3e: {  	[sflag:s13] =	ssyncadd.s32 $0xFFFFC000  }
0x3f: {  	[spmem:s8] =	stream.linear.scatter [tilespmem:s12], [sflag:$0x1], $0x4000, $0x38;
	[tilespmem:$0x1D400] =	vst v63  }
0x40: {  	_ =	swait.ge [sflag:s13], $0x4000  }
0x41: {  	[sflag:s13] =	ssyncset.done $0x0  }
0x42: {  	[sflag:s13] =	ssyncadd.s32 $0xFFFFC000  }
0x43: {  	s30 =	simm.s32 $0x0;
	[bflag:$0x0] =	sbarrier.arrive $0xFFFF  }
0x44: {  	[tilespmem:s30], [sflag:$0x1] =	stream.linear.gather [hbm4b:s9+s30], $0x1400, $0x38;
	[tilespmem:$0x1D400] =	vst v63  }
0x45: {  	_ =	swait.ge [sflag:s13], $0x1400  }
0x46: {  	[sflag:s13] =	ssyncset.done $0x0  }
0x47: {  	s31 =	simm.s32 $0x0;
	[sflag:s13] =	ssyncadd.s32 $0xFFFFEC00  }
0x48: {  	[spmem:s2] =	stream.indirect.scatter.add.f32 [tilespmem:s15], [sflag:$0x1], $0x80, s31, s14, $0xb8;
	[tilespmem:$0x1D400] =	vst v63  }
0x49: {  	_ =	swait.ge [sflag:s13], $0x4000  }
0x4a: {  	s18 =	simm.s32 $0x200;
	[sflag:s13] =	ssyncset.done $0x0  }
.LBB2_6:
0x4b: {  	s19 =	sshra.s32 s18, $0x2;
	[sflag:s13] =	ssyncadd.s32 $0xFFFFC000;
	p0 =	sne.s32 s18, $0x4E00  }
0x4c: {  	[spmem:s2] =	stream.indirect.scatter.add.f32 [tilespmem:s15], [sflag:$0x1], $0x80, s19, s14, $0xb8;
	[tilespmem:$0x1D400] =	vst v63  }
.Ltmp2:
0x4d: {  	_ = 	snop;
	(pc) =	sbr.rel @p0 .LBB2_6-.Ltmp2, $4  }
0x4e: {  	_ = 	snop  }
0x4f: {  	s18 =	sadd.s32 $0x200, s18  }
0x50: {  	_ =	swait.ge [sflag:s13], $0x4000  }
0x51: {  	[sflag:s13] =	ssyncset.done $0x0  }
0x52: {  	s3 =	sadd.s32 $0x1, s3  }
0x53: {  	[sflag:s13] =	ssyncadd.s32 $0xFFFFC000;
	p0 =	sne.s32 s3, s11  }
.Ltmp3:
0x54: {  	[bflag:$0x0] =	sbarrier.arrive $0xFFFF;
	(pc) =	sbr.rel @p0 .LBB2_1-.Ltmp3, $4  }
0x55: {  	[hbm:s10], [sflag:s16] =	dma.local [spmem:s17], $0x2800  }
0x56: {  	_ =	swait.ge [sflag:s13], $0x2800  }
0x57: {  	[sflag:s13] =	ssyncset.done $0x0  }
0x58: {  	[sflag:s13] =	ssyncadd.s32 $0xFFFFD800  }
0x59: {  	_ =	sfence.sel $0x180000  }
0x5a: {  	[bflag:$0x0] =	sbarrier.arrive $0xFFFF  }
0x5b: {  	p0 =	sne.s32 s0, $0x0;
	_ =	strace $0x90000047  }
0x5c: {  	s0 =	sadd.s32 @!p0 $0x100000, s1;
	[bflag:$0x2] =	sbarrier.arrive $0xFFFF  }
0x5d: {  	[sflag:s0] =	ssyncadd.tile.s32 @!p0 $0x1;
	_ =	shalt  }
.Lfunc_end2:
_tile_overlayer_lowered:
.L_overlay_start_2:
0x5e: {  	(tag) =	ssettag $0x2  }
0x5f: {  	s0 =	rddreg [dreg:$0x0];
	s2 =	stileid.u32  }
0x60: {  	s1 =	rddreg [dreg:$0x1];
	p0 =	sne.s32 s2, $0x0  }
0x61: {  	s3 =	rddreg [dreg:$0x2];
	[bflag:$0x3] =	sbarrier.arrive $0xFFFF;
	s2 =	simm.s32 @!p0 $0x1C01  }
0x62: {  	[timem:s3], [sflag:s2] =	dma.local @!p0 [hbm:s0], s1  }
0x63: {  	s0 =	simm.s32 @!p0 $0x1  }
0x64: {  	_ =	swait.ge @!p0 [sflag:s0], s1  }
0x65: {  	s1 =	ssub.s32 @!p0 $0x0, s1;
	[sflag:s0] =	ssyncset.done @!p0 $0x0  }
0x66: {  	[sflag:s0] =	ssyncadd.s32 @!p0 s1  }
0x67: {  	[bflag:$0x3] =	sbarrier.arrive $0xFFFF  }
0x68: {  	_ =	shalt  }

</sc_bundles>
